<compile_context>
chip_gen: v7x
topology: tpu7x:2x2x1
jax: 0.10.2.dev20260603
libtpu: 0.0.44.dev20260713+nightly
codegen_flags: <defaults>
</compile_context>

<pallas_src>
import jax
import jax.numpy as jnp
from jax import lax
from jax.experimental import pallas as pl
from jax.experimental.pallas import tpu as pltpu
from jax.experimental.pallas import tpu_sc as plsc

B = 1024
U_DIM = 100000
I_DIM = 100000
EMB = 16

NC = 2
NS = 16
L = 16
NW = NC * NS
BPW = B // NW
CHUNKS = BPW * EMB // 128

_MESH = plsc.VectorSubcoreMesh(core_axis_name="c", subcore_axis_name="s")
_SC_PARAMS = pltpu.CompilerParams(use_tc_tiling_on_sc=False)


def _wide_body(user_h, item_h, ww_h, wide_o,
               uidx_v, iidx_v, widx_v, wvals_v, wsum_v, sem):
    wid = lax.axis_index("s") * NC + lax.axis_index("c")
    base = wid * BPW
    pltpu.sync_copy(user_h.at[pl.ds(base, BPW)], uidx_v)
    pltpu.sync_copy(item_h.at[pl.ds(base, BPW)], iidx_v)
    for j in range(BPW // L):
        sl = pl.ds(j * L, L)
        widx_v[sl] = uidx_v[sl]
        widx_v[pl.ds(BPW + j * L, L)] = iidx_v[sl] + U_DIM
    pltpu.async_copy(ww_h.at[widx_v], wvals_v, sem).wait()
    for j in range(BPW // L):
        sl = pl.ds(j * L, L)
        wsum_v[sl] = wvals_v[sl] + wvals_v[pl.ds(BPW + j * L, L)]
    pltpu.sync_copy(wsum_v, wide_o.at[pl.ds(base, BPW)])


_sc_wide = pl.kernel(
    _wide_body,
    mesh=_MESH,
    compiler_params=_SC_PARAMS,
    out_type=jax.ShapeDtypeStruct((B,), jnp.float32),
    scratch_types=[
        pltpu.VMEM((BPW,), jnp.int32),
        pltpu.VMEM((BPW,), jnp.int32),
        pltpu.VMEM((2 * BPW,), jnp.int32),
        pltpu.VMEM((2 * BPW,), jnp.float32),
        pltpu.VMEM((BPW,), jnp.float32),
        pltpu.SemaphoreType.DMA,
    ],
)


def _emb_body(idx_h, tab_h, emb_o, idx_v, gidx_v, rows_v, sem):
    wid = lax.axis_index("s") * NC + lax.axis_index("c")
    base = wid * BPW
    pltpu.sync_copy(idx_h.at[pl.ds(base, BPW)], idx_v)

    col_off = lax.iota(jnp.int32, L) * U_DIM
    for b in range(BPW):
        chunk = idx_v[pl.ds((b // L) * L, L)]
        bvec = jnp.take_along_axis(
            chunk, jnp.full((L,), b % L, jnp.int32), axis=0,
            mode=lax.GatherScatterMode.PROMISE_IN_BOUNDS)
        gidx_v[pl.ds(b * L, L)] = bvec + col_off
    copies = [
        pltpu.async_copy(tab_h.at[gidx_v.at[pl.ds(k * 128, 128)]],
                         rows_v.at[pl.ds(k * 128, 128)], sem)
        for k in range(CHUNKS)
    ]
    for c in copies:
        c.wait()
    pltpu.sync_copy(rows_v, emb_o.at[pl.ds(base * EMB, BPW * EMB)])


_sc_emb = pl.kernel(
    _emb_body,
    mesh=_MESH,
    compiler_params=_SC_PARAMS,
    out_type=jax.ShapeDtypeStruct((B * EMB,), jnp.float32),
    scratch_types=[
        pltpu.VMEM((BPW,), jnp.int32),
        pltpu.VMEM((BPW * EMB,), jnp.int32),
        pltpu.VMEM((BPW * EMB,), jnp.float32),
        pltpu.SemaphoreType.DMA,
    ],
)


def _mlp_body(u_ref, i_ref, wide_ref, w1_ref, b1_ref, w2_ref, b2_ref,
              w3_ref, b3_ref, w4_ref, b4_ref, out_ref):
    h = jnp.concatenate([u_ref[...], i_ref[...]], axis=1)
    h = jnp.maximum(
        jnp.dot(h, w1_ref[...], preferred_element_type=jnp.float32)
        + b1_ref[...], 0.0)
    h = jnp.maximum(
        jnp.dot(h, w2_ref[...], preferred_element_type=jnp.float32)
        + b2_ref[...], 0.0)
    h = jnp.maximum(
        jnp.dot(h, w3_ref[...], preferred_element_type=jnp.float32)
        + b3_ref[...], 0.0)
    deep = jnp.sum(h * w4_ref[...], axis=1)
    out_ref[...] = 0.5 * (wide_ref[...] + deep + b4_ref[...])


_mlp = pl.pallas_call(
    _mlp_body,
    out_shape=jax.ShapeDtypeStruct((B,), jnp.float32),
)


def kernel(user, item, user_ohe, item_ohe, u_table, i_table,
           W1, b1, W2, b2, W3, b3, W4, b4, Ww, bw):
    del user_ohe, item_ohe
    user_i = user.reshape(-1).astype(jnp.int32)
    item_i = item.reshape(-1).astype(jnp.int32)
    ut_flat = u_table.T.reshape(-1)
    it_flat = i_table.T.reshape(-1)
    ww_flat = Ww.reshape(-1)
    wide = _sc_wide(user_i, item_i, ww_flat)
    uemb_f = _sc_emb(user_i, ut_flat)
    iemb_f = _sc_emb(item_i, it_flat)
    bias = jnp.broadcast_to(b4 + bw, (B,))
    out = _mlp(uemb_f.reshape(B, EMB), iemb_f.reshape(B, EMB), wide,
               W1, b1.reshape(1, -1), W2, b2.reshape(1, -1),
               W3, b3.reshape(1, -1), W4.reshape(1, -1), bias)
    return out.reshape(B, 1)

# --- scband reference (transcript-rebuilt; emitter-appended) ---
"""Pipeline reference for scband-wide-and-deep-35313221108373 (READ-ONLY COPY).

The authoritative reference and input builder live on the scoring server;
editing this copy changes nothing except your own understanding.
"""

import jax, jax.numpy as jnp
import numpy as np

B = 1024
U_DIM = 100000
I_DIM = 100000
U_EMB = 16
I_EMB = 16

def setup_inputs(seed: int = 0) -> dict:
    key = jax.random.key(seed)
    ks = jax.random.split(key, 14)
    user = jax.random.randint(ks[0], (B, 1), 0, U_DIM)
    item = jax.random.randint(ks[1], (B, 1), 0, I_DIM)
    # one-hot encodings used by the wide branch (harness spec lists zeros; here we
    # materialize the faithful one-hot of the same index tensors)
    user_ohe = jax.nn.one_hot(user[:, 0], U_DIM, dtype=jnp.float32)
    item_ohe = jax.nn.one_hot(item[:, 0], I_DIM, dtype=jnp.float32)
    # deep branch parameters
    u_table = jax.random.normal(ks[2], (U_DIM, U_EMB), dtype=jnp.float32) * 0.05
    i_table = jax.random.normal(ks[3], (I_DIM, I_EMB), dtype=jnp.float32) * 0.05
    W1 = jax.random.normal(ks[4], (U_EMB + I_EMB, 128), dtype=jnp.float32) * 0.05
    b1 = jnp.zeros((128,), jnp.float32)
    W2 = jax.random.normal(ks[5], (128, 256), dtype=jnp.float32) * 0.05
    b2 = jnp.zeros((256,), jnp.float32)
    W3 = jax.random.normal(ks[6], (256, 32), dtype=jnp.float32) * 0.05
    b3 = jnp.zeros((32,), jnp.float32)
    W4 = jax.random.normal(ks[7], (32, 1), dtype=jnp.float32) * 0.05
    b4 = jnp.zeros((1,), jnp.float32)
    # wide branch parameters (single dense over concat of one-hots)
    Ww = jax.random.normal(ks[8], (U_DIM + I_DIM, 1), dtype=jnp.float32) * 0.05
    bw = jnp.zeros((1,), jnp.float32)
    return dict(user=user, item=item, user_ohe=user_ohe, item_ohe=item_ohe,
                u_table=u_table, i_table=i_table,
                W1=W1, b1=b1, W2=W2, b2=b2, W3=W3, b3=b3, W4=W4, b4=b4,
                Ww=Ww, bw=bw)


def reference(user, item, user_ohe, item_ohe, u_table, i_table,
              W1, b1, W2, b2, W3, b3, W4, b4, Ww, bw):
    # Deep branch: embedding lookups -> MLP (dropout is identity at inference)
    u_emb = jnp.take(u_table, user[:, 0], axis=0)   # [B, U_EMB]
    i_emb = jnp.take(i_table, item[:, 0], axis=0)   # [B, I_EMB]
    h = jnp.concatenate([u_emb, i_emb], axis=1)
    h = jax.nn.relu(h @ W1 + b1)
    h = jax.nn.relu(h @ W2 + b2)
    h = jax.nn.relu(h @ W3 + b3)
    deep_logit = h @ W4 + b4                        # [B, 1]
    # Wide branch: dense over concatenated one-hots
    wide_in = jnp.concatenate([user_ohe, item_ohe], axis=1)  # [B, U_DIM+I_DIM]
    wide_logit = wide_in @ Ww + bw                  # [B, 1]
    return 0.5 * (wide_logit + deep_logit)

if __name__ == "__main__":
    import jax
    _d = setup_inputs()
    print(jax.jit(kernel)(*tuple(_d.values())))

</pallas_src>

<mosaic_0001>
#map = affine_map<(d0, d1) -> (0)>
module attributes {stable_mosaic.version = 14 : i64} {
  func.func @_wide_body(%arg0: i32, %arg1: i32, %arg2: memref<1024xi32, #tpu.memory_space<hbm>>, %arg3: memref<1024xi32, #tpu.memory_space<hbm>>, %arg4: memref<200000xf32, #tpu.memory_space<hbm>>, %arg5: memref<1024xf32, #tpu.memory_space<hbm>>, %arg6: memref<32xi32, #tpu.memory_space<vmem>>, %arg7: memref<32xi32, #tpu.memory_space<vmem>>, %arg8: memref<64xi32, #tpu.memory_space<vmem>>, %arg9: memref<64xf32, #tpu.memory_space<vmem>>, %arg10: memref<32xf32, #tpu.memory_space<vmem>>, %arg11: memref<!tpu.dma_semaphore, #tpu.memory_space<semaphore_mem>>) attributes {dimension_semantics = [#tpu.dimension_semantics<core_parallel>, #tpu.dimension_semantics<subcore_parallel>], iteration_bounds = array<i64: 2, 16>, scalar_prefetch = 0 : i64, scratch_operands = 6 : i64, tpu.core_type = #tpu.core_type<sc_vector_subcore>, window_params = [{transform_indices = #map}, {transform_indices = #map}, {transform_indices = #map}, {transform_indices = #map}]} {
    %mul3A = arith.constant 2 : i32
    %mul3A_0 = arith.muli %arg1, %mul3A : i32
    %add3A = arith.addi %mul3A_0, %arg0 : i32
    %mul3A_1 = arith.constant 32 : i32
    %mul3A_2 = arith.muli %add3A, %mul3A_1 : i32
    "tpu.region"() ({
      %run_scoped3A = tpu.sem_alloc : memref<!tpu.dma_semaphore, #tpu.memory_space<semaphore_mem>>
      %dma_start3A_59 = tpu.memref_slice %arg2[%mul3A_2] : memref<1024xi32, #tpu.memory_space<hbm>> -> memref<32xi32, #tpu.memory_space<hbm>>
      %dma_start3A_60 = tpu.memref_slice %arg2[%mul3A_2] : memref<1024xi32, #tpu.memory_space<hbm>> -> memref<32xi32, #tpu.memory_space<hbm>>
      tpu.enqueue_dma source(%dma_start3A_60 : memref<32xi32, #tpu.memory_space<hbm>>) target(%arg6 : memref<32xi32, #tpu.memory_space<vmem>>) target_semaphore(%run_scoped3A : memref<!tpu.dma_semaphore, #tpu.memory_space<semaphore_mem>>)
      %dma_wait3A_61 = tpu.memref_slice %arg2[%mul3A_2] : memref<1024xi32, #tpu.memory_space<hbm>> -> memref<32xi32, #tpu.memory_space<hbm>>
      %dma_wait3A_62 = tpu.memref_slice %arg2[%mul3A_2] : memref<1024xi32, #tpu.memory_space<hbm>> -> memref<32xi32, #tpu.memory_space<hbm>>
      tpu.wait_dma2 semaphore(%run_scoped3A : memref<!tpu.dma_semaphore, #tpu.memory_space<semaphore_mem>>) src(%dma_wait3A_62 : memref<32xi32, #tpu.memory_space<hbm>>) dst(%arg6 : memref<32xi32, #tpu.memory_space<vmem>>)
      tpu.yield
    }) : () -> ()
    "tpu.region"() ({
      %run_scoped3A = tpu.sem_alloc : memref<!tpu.dma_semaphore, #tpu.memory_space<semaphore_mem>>
      %dma_start3A_59 = tpu.memref_slice %arg3[%mul3A_2] : memref<1024xi32, #tpu.memory_space<hbm>> -> memref<32xi32, #tpu.memory_space<hbm>>
      %dma_start3A_60 = tpu.memref_slice %arg3[%mul3A_2] : memref<1024xi32, #tpu.memory_space<hbm>> -> memref<32xi32, #tpu.memory_space<hbm>>
      tpu.enqueue_dma source(%dma_start3A_60 : memref<32xi32, #tpu.memory_space<hbm>>) target(%arg7 : memref<32xi32, #tpu.memory_space<vmem>>) target_semaphore(%run_scoped3A : memref<!tpu.dma_semaphore, #tpu.memory_space<semaphore_mem>>)
      %dma_wait3A_61 = tpu.memref_slice %arg3[%mul3A_2] : memref<1024xi32, #tpu.memory_space<hbm>> -> memref<32xi32, #tpu.memory_space<hbm>>
      %dma_wait3A_62 = tpu.memref_slice %arg3[%mul3A_2] : memref<1024xi32, #tpu.memory_space<hbm>> -> memref<32xi32, #tpu.memory_space<hbm>>
      tpu.wait_dma2 semaphore(%run_scoped3A : memref<!tpu.dma_semaphore, #tpu.memory_space<semaphore_mem>>) src(%dma_wait3A_62 : memref<32xi32, #tpu.memory_space<hbm>>) dst(%arg7 : memref<32xi32, #tpu.memory_space<vmem>>)
      tpu.yield
    }) : () -> ()
    %get3A = arith.constant 0 : index
    %get3A_3 = tpu.vector_load %arg6[%get3A] {strides = array<i32>} : memref<32xi32, #tpu.memory_space<vmem>>, vector<16xi32>,
    %get3A_4 = vector.shape_cast %get3A_3 : vector<16xi32> to vector<16xi32>
    %swap3A = arith.constant 0 : index
    %swap3A_5 = tpu.vector_load %arg8[%swap3A] {strides = array<i32>} : memref<64xi32, #tpu.memory_space<vmem>>, vector<16xi32>,
    %swap3A_6 = vector.shape_cast %swap3A_5 : vector<16xi32> to vector<16xi32>
    %swap3A_7 = vector.shape_cast %get3A_4 : vector<16xi32> to vector<16xi32>
    tpu.vector_store %arg8[%swap3A], %swap3A_7 {strides = array<i32>} : memref<64xi32, #tpu.memory_space<vmem>>, vector<16xi32>,
    %get3A_8 = arith.constant 0 : index
    %get3A_9 = tpu.vector_load %arg7[%get3A_8] {strides = array<i32>} : memref<32xi32, #tpu.memory_space<vmem>>, vector<16xi32>,
    %get3A_10 = vector.shape_cast %get3A_9 : vector<16xi32> to vector<16xi32>
    %add3A_11 = arith.constant 100000 : i32
    %add3A_12 = vector.broadcast %add3A_11 : i32 to vector<16xi32>
    %add3A_13 = arith.addi %get3A_10, %add3A_12 : vector<16xi32>
    %swap3A_14 = arith.constant 32 : index
    %swap3A_15 = tpu.vector_load %arg8[%swap3A_14] {strides = array<i32>} : memref<64xi32, #tpu.memory_space<vmem>>, vector<16xi32>,
    %swap3A_16 = vector.shape_cast %swap3A_15 : vector<16xi32> to vector<16xi32>
    %swap3A_17 = vector.shape_cast %add3A_13 : vector<16xi32> to vector<16xi32>
    tpu.vector_store %arg8[%swap3A_14], %swap3A_17 {strides = array<i32>} : memref<64xi32, #tpu.memory_space<vmem>>, vector<16xi32>,
    %get3A_18 = arith.constant 16 : index
    %get3A_19 = tpu.vector_load %arg6[%get3A_18] {strides = array<i32>} : memref<32xi32, #tpu.memory_space<vmem>>, vector<16xi32>,
    %get3A_20 = vector.shape_cast %get3A_19 : vector<16xi32> to vector<16xi32>
    %swap3A_21 = arith.constant 16 : index
    %swap3A_22 = tpu.vector_load %arg8[%swap3A_21] {strides = array<i32>} : memref<64xi32, #tpu.memory_space<vmem>>, vector<16xi32>,
    %swap3A_23 = vector.shape_cast %swap3A_22 : vector<16xi32> to vector<16xi32>
    %swap3A_24 = vector.shape_cast %get3A_20 : vector<16xi32> to vector<16xi32>
    tpu.vector_store %arg8[%swap3A_21], %swap3A_24 {strides = array<i32>} : memref<64xi32, #tpu.memory_space<vmem>>, vector<16xi32>,
    %get3A_25 = arith.constant 16 : index
    %get3A_26 = tpu.vector_load %arg7[%get3A_25] {strides = array<i32>} : memref<32xi32, #tpu.memory_space<vmem>>, vector<16xi32>,
    %get3A_27 = vector.shape_cast %get3A_26 : vector<16xi32> to vector<16xi32>
    %add3A_28 = arith.constant 100000 : i32
    %add3A_29 = vector.broadcast %add3A_28 : i32 to vector<16xi32>
    %add3A_30 = arith.addi %get3A_27, %add3A_29 : vector<16xi32>
    %swap3A_31 = arith.constant 48 : index
    %swap3A_32 = tpu.vector_load %arg8[%swap3A_31] {strides = array<i32>} : memref<64xi32, #tpu.memory_space<vmem>>, vector<16xi32>,
    %swap3A_33 = vector.shape_cast %swap3A_32 : vector<16xi32> to vector<16xi32>
    %swap3A_34 = vector.shape_cast %add3A_30 : vector<16xi32> to vector<16xi32>
    tpu.vector_store %arg8[%swap3A_31], %swap3A_34 {strides = array<i32>} : memref<64xi32, #tpu.memory_space<vmem>>, vector<16xi32>,
    %dma_start3A = arith.constant 0 : i32
    %dma_start3A_35 = tpu.memref_slice %arg4[%dma_start3A] : memref<200000xf32, #tpu.memory_space<hbm>> -> memref<200000xf32, #tpu.memory_space<hbm>>
    tpu.enqueue_indirect_dma source(%dma_start3A_35 : memref<200000xf32, #tpu.memory_space<hbm>>) target(%arg9 : memref<64xf32, #tpu.memory_space<vmem>>) offsets(%arg8 : memref<64xi32, #tpu.memory_space<vmem>>) semaphore(%arg11 : memref<!tpu.dma_semaphore, #tpu.memory_space<semaphore_mem>>)
    %dma_wait3A = arith.constant 0 : i32
    %dma_wait3A_36 = tpu.memref_slice %arg4[%dma_wait3A] : memref<200000xf32, #tpu.memory_space<hbm>> -> memref<200000xf32, #tpu.memory_space<hbm>>
    tpu.wait_indirect_dma semaphore(%arg11 : memref<!tpu.dma_semaphore, #tpu.memory_space<semaphore_mem>>) src(%dma_wait3A_36 : memref<200000xf32, #tpu.memory_space<hbm>>) dst(%arg9 : memref<64xf32, #tpu.memory_space<vmem>>)
    %get3A_37 = arith.constant 0 : index
    %get3A_38 = tpu.vector_load %arg9[%get3A_37] {strides = array<i32>} : memref<64xf32, #tpu.memory_space<vmem>>, vector<16xf32>,
    %get3A_39 = vector.shape_cast %get3A_38 : vector<16xf32> to vector<16xf32>
    %get3A_40 = arith.constant 32 : index
    %get3A_41 = tpu.vector_load %arg9[%get3A_40] {strides = array<i32>} : memref<64xf32, #tpu.memory_space<vmem>>, vector<16xf32>,
    %get3A_42 = vector.shape_cast %get3A_41 : vector<16xf32> to vector<16xf32>
    %add3A_43 = arith.addf %get3A_39, %get3A_42 : vector<16xf32>
    %swap3A_44 = arith.constant 0 : index
    %swap3A_45 = tpu.vector_load %arg10[%swap3A_44] {strides = array<i32>} : memref<32xf32, #tpu.memory_space<vmem>>, vector<16xf32>,
    %swap3A_46 = vector.shape_cast %swap3A_45 : vector<16xf32> to vector<16xf32>
    %swap3A_47 = vector.shape_cast %add3A_43 : vector<16xf32> to vector<16xf32>
    tpu.vector_store %arg10[%swap3A_44], %swap3A_47 {strides = array<i32>} : memref<32xf32, #tpu.memory_space<vmem>>, vector<16xf32>,
    %get3A_48 = arith.constant 16 : index
    %get3A_49 = tpu.vector_load %arg9[%get3A_48] {strides = array<i32>} : memref<64xf32, #tpu.memory_space<vmem>>, vector<16xf32>,
    %get3A_50 = vector.shape_cast %get3A_49 : vector<16xf32> to vector<16xf32>
    %get3A_51 = arith.constant 48 : index
    %get3A_52 = tpu.vector_load %arg9[%get3A_51] {strides = array<i32>} : memref<64xf32, #tpu.memory_space<vmem>>, vector<16xf32>,
    %get3A_53 = vector.shape_cast %get3A_52 : vector<16xf32> to vector<16xf32>
    %add3A_54 = arith.addf %get3A_50, %get3A_53 : vector<16xf32>
    %swap3A_55 = arith.constant 16 : index
    %swap3A_56 = tpu.vector_load %arg10[%swap3A_55] {strides = array<i32>} : memref<32xf32, #tpu.memory_space<vmem>>, vector<16xf32>,
    %swap3A_57 = vector.shape_cast %swap3A_56 : vector<16xf32> to vector<16xf32>
    %swap3A_58 = vector.shape_cast %add3A_54 : vector<16xf32> to vector<16xf32>
    tpu.vector_store %arg10[%swap3A_55], %swap3A_58 {strides = array<i32>} : memref<32xf32, #tpu.memory_space<vmem>>, vector<16xf32>,
    "tpu.region"() ({
      %run_scoped3A = tpu.sem_alloc : memref<!tpu.dma_semaphore, #tpu.memory_space<semaphore_mem>>
      %dma_start3A_59 = tpu.memref_slice %arg5[%mul3A_2] : memref<1024xf32, #tpu.memory_space<hbm>> -> memref<32xf32, #tpu.memory_space<hbm>>
      %dma_start3A_60 = tpu.memref_slice %arg5[%mul3A_2] : memref<1024xf32, #tpu.memory_space<hbm>> -> memref<32xf32, #tpu.memory_space<hbm>>
      tpu.enqueue_dma source(%arg10 : memref<32xf32, #tpu.memory_space<vmem>>) target(%dma_start3A_60 : memref<32xf32, #tpu.memory_space<hbm>>) target_semaphore(%run_scoped3A : memref<!tpu.dma_semaphore, #tpu.memory_space<semaphore_mem>>)
      %dma_wait3A_61 = tpu.memref_slice %arg5[%mul3A_2] : memref<1024xf32, #tpu.memory_space<hbm>> -> memref<32xf32, #tpu.memory_space<hbm>>
      %dma_wait3A_62 = tpu.memref_slice %arg5[%mul3A_2] : memref<1024xf32, #tpu.memory_space<hbm>> -> memref<32xf32, #tpu.memory_space<hbm>>
      tpu.wait_dma2 semaphore(%run_scoped3A : memref<!tpu.dma_semaphore, #tpu.memory_space<semaphore_mem>>) src(%arg10 : memref<32xf32, #tpu.memory_space<vmem>>) dst(%dma_wait3A_62 : memref<32xf32, #tpu.memory_space<hbm>>)
      tpu.yield
    }) : () -> ()
    return
  }
}

#map = affine_map<(d0, d1) -> (0)>
module attributes {stable_mosaic.version = 14 : i64} {
  func.func @_emb_body(%arg0: i32, %arg1: i32, %arg2: memref<1024xi32, #tpu.memory_space<hbm>>, %arg3: memref<1600000xf32, #tpu.memory_space<hbm>>, %arg4: memref<16384xf32, #tpu.memory_space<hbm>>, %arg5: memref<32xi32, #tpu.memory_space<vmem>>, %arg6: memref<512xi32, #tpu.memory_space<vmem>>, %arg7: memref<512xf32, #tpu.memory_space<vmem>>, %arg8: memref<!tpu.dma_semaphore, #tpu.memory_space<semaphore_mem>>) attributes {dimension_semantics = [#tpu.dimension_semantics<core_parallel>, #tpu.dimension_semantics<subcore_parallel>], iteration_bounds = array<i64: 2, 16>, scalar_prefetch = 0 : i64, scratch_operands = 4 : i64, tpu.core_type = #tpu.core_type<sc_vector_subcore>, window_params = [{transform_indices = #map}, {transform_indices = #map}, {transform_indices = #map}]} {
    %mul3A = arith.constant 2 : i32
    %mul3A_0 = arith.muli %arg1, %mul3A : i32
    %add3A = arith.addi %mul3A_0, %arg0 : i32
    %mul3A_1 = arith.constant 32 : i32
    %mul3A_2 = arith.muli %add3A, %mul3A_1 : i32
    "tpu.region"() ({
      %run_scoped3A = tpu.sem_alloc : memref<!tpu.dma_semaphore, #tpu.memory_space<semaphore_mem>>
      %dma_start3A_687 = tpu.memref_slice %arg2[%mul3A_2] : memref<1024xi32, #tpu.memory_space<hbm>> -> memref<32xi32, #tpu.memory_space<hbm>>
      %dma_start3A_688 = tpu.memref_slice %arg2[%mul3A_2] : memref<1024xi32, #tpu.memory_space<hbm>> -> memref<32xi32, #tpu.memory_space<hbm>>
      tpu.enqueue_dma source(%dma_start3A_688 : memref<32xi32, #tpu.memory_space<hbm>>) target(%arg5 : memref<32xi32, #tpu.memory_space<vmem>>) target_semaphore(%run_scoped3A : memref<!tpu.dma_semaphore, #tpu.memory_space<semaphore_mem>>)
      %dma_wait3A_689 = tpu.memref_slice %arg2[%mul3A_2] : memref<1024xi32, #tpu.memory_space<hbm>> -> memref<32xi32, #tpu.memory_space<hbm>>
      %dma_wait3A_690 = tpu.memref_slice %arg2[%mul3A_2] : memref<1024xi32, #tpu.memory_space<hbm>> -> memref<32xi32, #tpu.memory_space<hbm>>
      tpu.wait_dma2 semaphore(%run_scoped3A : memref<!tpu.dma_semaphore, #tpu.memory_space<semaphore_mem>>) src(%dma_wait3A_690 : memref<32xi32, #tpu.memory_space<hbm>>) dst(%arg5 : memref<32xi32, #tpu.memory_space<vmem>>)
      tpu.yield
    }) : () -> ()
    %iota3A = tpu.iota {dimensions = array<i32: 0>} : vector<16xi32>
    %mul3A_3 = arith.constant 100000 : i32
    %mul3A_4 = vector.broadcast %mul3A_3 : i32 to vector<16xi32>
    %mul3A_5 = arith.muli %iota3A, %mul3A_4 : vector<16xi32>
    %get3A = arith.constant 0 : index
    %get3A_6 = tpu.vector_load %arg5[%get3A] {strides = array<i32>} : memref<32xi32, #tpu.memory_space<vmem>>, vector<16xi32>,
    %get3A_7 = vector.shape_cast %get3A_6 : vector<16xi32> to vector<16xi32>
    %broadcast_in_dim3A = arith.constant 0 : i32
    %broadcast_in_dim3A_8 = vector.broadcast %broadcast_in_dim3A : i32 to vector<16xi32>
    %lt3A = arith.constant 0 : i32
    %lt3A_9 = vector.broadcast %lt3A : i32 to vector<16xi32>
    %lt3A_10 = arith.cmpi slt, %broadcast_in_dim3A_8, %lt3A_9 : vector<16xi32>
    %add3A_11 = arith.constant 16 : i32
    %add3A_12 = vector.broadcast %add3A_11 : i32 to vector<16xi32>
    %add3A_13 = arith.addi %broadcast_in_dim3A_8, %add3A_12 : vector<16xi32>
    %select_n3A = arith.select %lt3A_10, %add3A_13, %broadcast_in_dim3A_8 : vector<16xi1>, vector<16xi32>
    %reshape3A = vector.shape_cast %select_n3A : vector<16xi32> to vector<16x1xi32>
    %gather3A = vector.shape_cast %reshape3A : vector<16x1xi32> to vector<16xi32>
    %gather3A_14 = tpu.dynamic_gather %get3A_7[%gather3A] in [0] : vector<16xi32>, vector<16xi32> -> vector<16xi32>
    %add3A_15 = arith.addi %gather3A_14, %mul3A_5 : vector<16xi32>
    %swap3A = arith.constant 0 : index
    %swap3A_16 = tpu.vector_load %arg6[%swap3A] {strides = array<i32>} : memref<512xi32, #tpu.memory_space<vmem>>, vector<16xi32>,
    %swap3A_17 = vector.shape_cast %swap3A_16 : vector<16xi32> to vector<16xi32>
    %swap3A_18 = vector.shape_cast %add3A_15 : vector<16xi32> to vector<16xi32>
    tpu.vector_store %arg6[%swap3A], %swap3A_18 {strides = array<i32>} : memref<512xi32, #tpu.memory_space<vmem>>, vector<16xi32>,
    %get3A_19 = arith.constant 0 : index
    %get3A_20 = tpu.vector_load %arg5[%get3A_19] {strides = array<i32>} : memref<32xi32, #tpu.memory_space<vmem>>, vector<16xi32>,
    %get3A_21 = vector.shape_cast %get3A_20 : vector<16xi32> to vector<16xi32>
    %broadcast_in_dim3A_22 = arith.constant 1 : i32
    %broadcast_in_dim3A_23 = vector.broadcast %broadcast_in_dim3A_22 : i32 to vector<16xi32>
    %lt3A_24 = arith.constant 0 : i32
    %lt3A_25 = vector.broadcast %lt3A_24 : i32 to vector<16xi32>
    %lt3A_26 = arith.cmpi slt, %broadcast_in_dim3A_23, %lt3A_25 : vector<16xi32>
    %add3A_27 = arith.constant 16 : i32
    %add3A_28 = vector.broadcast %add3A_27 : i32 to vector<16xi32>
    %add3A_29 = arith.addi %broadcast_in_dim3A_23, %add3A_28 : vector<16xi32>
    %select_n3A_30 = arith.select %lt3A_26, %add3A_29, %broadcast_in_dim3A_23 : vector<16xi1>, vector<16xi32>
    %reshape3A_31 = vector.shape_cast %select_n3A_30 : vector<16xi32> to vector<16x1xi32>
    %gather3A_32 = vector.shape_cast %reshape3A_31 : vector<16x1xi32> to vector<16xi32>
    %gather3A_33 = tpu.dynamic_gather %get3A_21[%gather3A_32] in [0] : vector<16xi32>, vector<16xi32> -> vector<16xi32>
    %add3A_34 = arith.addi %gather3A_33, %mul3A_5 : vector<16xi32>
    %swap3A_35 = arith.constant 16 : index
    %swap3A_36 = tpu.vector_load %arg6[%swap3A_35] {strides = array<i32>} : memref<512xi32, #tpu.memory_space<vmem>>, vector<16xi32>,
    %swap3A_37 = vector.shape_cast %swap3A_36 : vector<16xi32> to vector<16xi32>
    %swap3A_38 = vector.shape_cast %add3A_34 : vector<16xi32> to vector<16xi32>
    tpu.vector_store %arg6[%swap3A_35], %swap3A_38 {strides = array<i32>} : memref<512xi32, #tpu.memory_space<vmem>>, vector<16xi32>,
    %get3A_39 = arith.constant 0 : index
    %get3A_40 = tpu.vector_load %arg5[%get3A_39] {strides = array<i32>} : memref<32xi32, #tpu.memory_space<vmem>>, vector<16xi32>,
    %get3A_41 = vector.shape_cast %get3A_40 : vector<16xi32> to vector<16xi32>
    %broadcast_in_dim3A_42 = arith.constant 2 : i32
    %broadcast_in_dim3A_43 = vector.broadcast %broadcast_in_dim3A_42 : i32 to vector<16xi32>
    %lt3A_44 = arith.constant 0 : i32
    %lt3A_45 = vector.broadcast %lt3A_44 : i32 to vector<16xi32>
    %lt3A_46 = arith.cmpi slt, %broadcast_in_dim3A_43, %lt3A_45 : vector<16xi32>
    %add3A_47 = arith.constant 16 : i32
    %add3A_48 = vector.broadcast %add3A_47 : i32 to vector<16xi32>
    %add3A_49 = arith.addi %broadcast_in_dim3A_43, %add3A_48 : vector<16xi32>
    %select_n3A_50 = arith.select %lt3A_46, %add3A_49, %broadcast_in_dim3A_43 : vector<16xi1>, vector<16xi32>
    %reshape3A_51 = vector.shape_cast %select_n3A_50 : vector<16xi32> to vector<16x1xi32>
    %gather3A_52 = vector.shape_cast %reshape3A_51 : vector<16x1xi32> to vector<16xi32>
    %gather3A_53 = tpu.dynamic_gather %get3A_41[%gather3A_52] in [0] : vector<16xi32>, vector<16xi32> -> vector<16xi32>
    %add3A_54 = arith.addi %gather3A_53, %mul3A_5 : vector<16xi32>
    %swap3A_55 = arith.constant 32 : index
    %swap3A_56 = tpu.vector_load %arg6[%swap3A_55] {strides = array<i32>} : memref<512xi32, #tpu.memory_space<vmem>>, vector<16xi32>,
    %swap3A_57 = vector.shape_cast %swap3A_56 : vector<16xi32> to vector<16xi32>
    %swap3A_58 = vector.shape_cast %add3A_54 : vector<16xi32> to vector<16xi32>
    tpu.vector_store %arg6[%swap3A_55], %swap3A_58 {strides = array<i32>} : memref<512xi32, #tpu.memory_space<vmem>>, vector<16xi32>,
    %get3A_59 = arith.constant 0 : index
    %get3A_60 = tpu.vector_load %arg5[%get3A_59] {strides = array<i32>} : memref<32xi32, #tpu.memory_space<vmem>>, vector<16xi32>,
    %get3A_61 = vector.shape_cast %get3A_60 : vector<16xi32> to vector<16xi32>
    %broadcast_in_dim3A_62 = arith.constant 3 : i32
    %broadcast_in_dim3A_63 = vector.broadcast %broadcast_in_dim3A_62 : i32 to vector<16xi32>
    %lt3A_64 = arith.constant 0 : i32
    %lt3A_65 = vector.broadcast %lt3A_64 : i32 to vector<16xi32>
    %lt3A_66 = arith.cmpi slt, %broadcast_in_dim3A_63, %lt3A_65 : vector<16xi32>
    %add3A_67 = arith.constant 16 : i32
    %add3A_68 = vector.broadcast %add3A_67 : i32 to vector<16xi32>
    %add3A_69 = arith.addi %broadcast_in_dim3A_63, %add3A_68 : vector<16xi32>
    %select_n3A_70 = arith.select %lt3A_66, %add3A_69, %broadcast_in_dim3A_63 : vector<16xi1>, vector<16xi32>
    %reshape3A_71 = vector.shape_cast %select_n3A_70 : vector<16xi32> to vector<16x1xi32>
    %gather3A_72 = vector.shape_cast %reshape3A_71 : vector<16x1xi32> to vector<16xi32>
    %gather3A_73 = tpu.dynamic_gather %get3A_61[%gather3A_72] in [0] : vector<16xi32>, vector<16xi32> -> vector<16xi32>
    %add3A_74 = arith.addi %gather3A_73, %mul3A_5 : vector<16xi32>
    %swap3A_75 = arith.constant 48 : index
    %swap3A_76 = tpu.vector_load %arg6[%swap3A_75] {strides = array<i32>} : memref<512xi32, #tpu.memory_space<vmem>>, vector<16xi32>,
    %swap3A_77 = vector.shape_cast %swap3A_76 : vector<16xi32> to vector<16xi32>
    %swap3A_78 = vector.shape_cast %add3A_74 : vector<16xi32> to vector<16xi32>
    tpu.vector_store %arg6[%swap3A_75], %swap3A_78 {strides = array<i32>} : memref<512xi32, #tpu.memory_space<vmem>>, vector<16xi32>,
    %get3A_79 = arith.constant 0 : index
    %get3A_80 = tpu.vector_load %arg5[%get3A_79] {strides = array<i32>} : memref<32xi32, #tpu.memory_space<vmem>>, vector<16xi32>,
    %get3A_81 = vector.shape_cast %get3A_80 : vector<16xi32> to vector<16xi32>
    %broadcast_in_dim3A_82 = arith.constant 4 : i32
    %broadcast_in_dim3A_83 = vector.broadcast %broadcast_in_dim3A_82 : i32 to vector<16xi32>
    %lt3A_84 = arith.constant 0 : i32
    %lt3A_85 = vector.broadcast %lt3A_84 : i32 to vector<16xi32>
    %lt3A_86 = arith.cmpi slt, %broadcast_in_dim3A_83, %lt3A_85 : vector<16xi32>
    %add3A_87 = arith.constant 16 : i32
    %add3A_88 = vector.broadcast %add3A_87 : i32 to vector<16xi32>
    %add3A_89 = arith.addi %broadcast_in_dim3A_83, %add3A_88 : vector<16xi32>
    %select_n3A_90 = arith.select %lt3A_86, %add3A_89, %broadcast_in_dim3A_83 : vector<16xi1>, vector<16xi32>
    %reshape3A_91 = vector.shape_cast %select_n3A_90 : vector<16xi32> to vector<16x1xi32>
    %gather3A_92 = vector.shape_cast %reshape3A_91 : vector<16x1xi32> to vector<16xi32>
    %gather3A_93 = tpu.dynamic_gather %get3A_81[%gather3A_92] in [0] : vector<16xi32>, vector<16xi32> -> vector<16xi32>
    %add3A_94 = arith.addi %gather3A_93, %mul3A_5 : vector<16xi32>
    %swap3A_95 = arith.constant 64 : index
    %swap3A_96 = tpu.vector_load %arg6[%swap3A_95] {strides = array<i32>} : memref<512xi32, #tpu.memory_space<vmem>>, vector<16xi32>,
    %swap3A_97 = vector.shape_cast %swap3A_96 : vector<16xi32> to vector<16xi32>
    %swap3A_98 = vector.shape_cast %add3A_94 : vector<16xi32> to vector<16xi32>
    tpu.vector_store %arg6[%swap3A_95], %swap3A_98 {strides = array<i32>} : memref<512xi32, #tpu.memory_space<vmem>>, vector<16xi32>,
    %get3A_99 = arith.constant 0 : index
    %get3A_100 = tpu.vector_load %arg5[%get3A_99] {strides = array<i32>} : memref<32xi32, #tpu.memory_space<vmem>>, vector<16xi32>,
    %get3A_101 = vector.shape_cast %get3A_100 : vector<16xi32> to vector<16xi32>
    %broadcast_in_dim3A_102 = arith.constant 5 : i32
    %broadcast_in_dim3A_103 = vector.broadcast %broadcast_in_dim3A_102 : i32 to vector<16xi32>
    %lt3A_104 = arith.constant 0 : i32
    %lt3A_105 = vector.broadcast %lt3A_104 : i32 to vector<16xi32>
    %lt3A_106 = arith.cmpi slt, %broadcast_in_dim3A_103, %lt3A_105 : vector<16xi32>
    %add3A_107 = arith.constant 16 : i32
    %add3A_108 = vector.broadcast %add3A_107 : i32 to vector<16xi32>
    %add3A_109 = arith.addi %broadcast_in_dim3A_103, %add3A_108 : vector<16xi32>
    %select_n3A_110 = arith.select %lt3A_106, %add3A_109, %broadcast_in_dim3A_103 : vector<16xi1>, vector<16xi32>
    %reshape3A_111 = vector.shape_cast %select_n3A_110 : vector<16xi32> to vector<16x1xi32>
    %gather3A_112 = vector.shape_cast %reshape3A_111 : vector<16x1xi32> to vector<16xi32>
    %gather3A_113 = tpu.dynamic_gather %get3A_101[%gather3A_112] in [0] : vector<16xi32>, vector<16xi32> -> vector<16xi32>
    %add3A_114 = arith.addi %gather3A_113, %mul3A_5 : vector<16xi32>
    %swap3A_115 = arith.constant 80 : index
    %swap3A_116 = tpu.vector_load %arg6[%swap3A_115] {strides = array<i32>} : memref<512xi32, #tpu.memory_space<vmem>>, vector<16xi32>,
    %swap3A_117 = vector.shape_cast %swap3A_116 : vector<16xi32> to vector<16xi32>
    %swap3A_118 = vector.shape_cast %add3A_114 : vector<16xi32> to vector<16xi32>
    tpu.vector_store %arg6[%swap3A_115], %swap3A_118 {strides = array<i32>} : memref<512xi32, #tpu.memory_space<vmem>>, vector<16xi32>,
    %get3A_119 = arith.constant 0 : index
    %get3A_120 = tpu.vector_load %arg5[%get3A_119] {strides = array<i32>} : memref<32xi32, #tpu.memory_space<vmem>>, vector<16xi32>,
    %get3A_121 = vector.shape_cast %get3A_120 : vector<16xi32> to vector<16xi32>
    %broadcast_in_dim3A_122 = arith.constant 6 : i32
    %broadcast_in_dim3A_123 = vector.broadcast %broadcast_in_dim3A_122 : i32 to vector<16xi32>
    %lt3A_124 = arith.constant 0 : i32
    %lt3A_125 = vector.broadcast %lt3A_124 : i32 to vector<16xi32>
    %lt3A_126 = arith.cmpi slt, %broadcast_in_dim3A_123, %lt3A_125 : vector<16xi32>
    %add3A_127 = arith.constant 16 : i32
    %add3A_128 = vector.broadcast %add3A_127 : i32 to vector<16xi32>
    %add3A_129 = arith.addi %broadcast_in_dim3A_123, %add3A_128 : vector<16xi32>
    %select_n3A_130 = arith.select %lt3A_126, %add3A_129, %broadcast_in_dim3A_123 : vector<16xi1>, vector<16xi32>
    %reshape3A_131 = vector.shape_cast %select_n3A_130 : vector<16xi32> to vector<16x1xi32>
    %gather3A_132 = vector.shape_cast %reshape3A_131 : vector<16x1xi32> to vector<16xi32>
    %gather3A_133 = tpu.dynamic_gather %get3A_121[%gather3A_132] in [0] : vector<16xi32>, vector<16xi32> -> vector<16xi32>
    %add3A_134 = arith.addi %gather3A_133, %mul3A_5 : vector<16xi32>
    %swap3A_135 = arith.constant 96 : index
    %swap3A_136 = tpu.vector_load %arg6[%swap3A_135] {strides = array<i32>} : memref<512xi32, #tpu.memory_space<vmem>>, vector<16xi32>,
    %swap3A_137 = vector.shape_cast %swap3A_136 : vector<16xi32> to vector<16xi32>
    %swap3A_138 = vector.shape_cast %add3A_134 : vector<16xi32> to vector<16xi32>
    tpu.vector_store %arg6[%swap3A_135], %swap3A_138 {strides = array<i32>} : memref<512xi32, #tpu.memory_space<vmem>>, vector<16xi32>,
    %get3A_139 = arith.constant 0 : index
    %get3A_140 = tpu.vector_load %arg5[%get3A_139] {strides = array<i32>} : memref<32xi32, #tpu.memory_space<vmem>>, vector<16xi32>,
    %get3A_141 = vector.shape_cast %get3A_140 : vector<16xi32> to vector<16xi32>
    %broadcast_in_dim3A_142 = arith.constant 7 : i32
    %broadcast_in_dim3A_143 = vector.broadcast %broadcast_in_dim3A_142 : i32 to vector<16xi32>
    %lt3A_144 = arith.constant 0 : i32
    %lt3A_145 = vector.broadcast %lt3A_144 : i32 to vector<16xi32>
    %lt3A_146 = arith.cmpi slt, %broadcast_in_dim3A_143, %lt3A_145 : vector<16xi32>
    %add3A_147 = arith.constant 16 : i32
    %add3A_148 = vector.broadcast %add3A_147 : i32 to vector<16xi32>
    %add3A_149 = arith.addi %broadcast_in_dim3A_143, %add3A_148 : vector<16xi32>
    %select_n3A_150 = arith.select %lt3A_146, %add3A_149, %broadcast_in_dim3A_143 : vector<16xi1>, vector<16xi32>
    %reshape3A_151 = vector.shape_cast %select_n3A_150 : vector<16xi32> to vector<16x1xi32>
    %gather3A_152 = vector.shape_cast %reshape3A_151 : vector<16x1xi32> to vector<16xi32>
    %gather3A_153 = tpu.dynamic_gather %get3A_141[%gather3A_152] in [0] : vector<16xi32>, vector<16xi32> -> vector<16xi32>
    %add3A_154 = arith.addi %gather3A_153, %mul3A_5 : vector<16xi32>
    %swap3A_155 = arith.constant 112 : index
    %swap3A_156 = tpu.vector_load %arg6[%swap3A_155] {strides = array<i32>} : memref<512xi32, #tpu.memory_space<vmem>>, vector<16xi32>,
    %swap3A_157 = vector.shape_cast %swap3A_156 : vector<16xi32> to vector<16xi32>
    %swap3A_158 = vector.shape_cast %add3A_154 : vector<16xi32> to vector<16xi32>
    tpu.vector_store %arg6[%swap3A_155], %swap3A_158 {strides = array<i32>} : memref<512xi32, #tpu.memory_space<vmem>>, vector<16xi32>,
    %get3A_159 = arith.constant 0 : index
    %get3A_160 = tpu.vector_load %arg5[%get3A_159] {strides = array<i32>} : memref<32xi32, #tpu.memory_space<vmem>>, vector<16xi32>,
    %get3A_161 = vector.shape_cast %get3A_160 : vector<16xi32> to vector<16xi32>
    %broadcast_in_dim3A_162 = arith.constant 8 : i32
    %broadcast_in_dim3A_163 = vector.broadcast %broadcast_in_dim3A_162 : i32 to vector<16xi32>
    %lt3A_164 = arith.constant 0 : i32
    %lt3A_165 = vector.broadcast %lt3A_164 : i32 to vector<16xi32>
    %lt3A_166 = arith.cmpi slt, %broadcast_in_dim3A_163, %lt3A_165 : vector<16xi32>
    %add3A_167 = arith.constant 16 : i32
    %add3A_168 = vector.broadcast %add3A_167 : i32 to vector<16xi32>
    %add3A_169 = arith.addi %broadcast_in_dim3A_163, %add3A_168 : vector<16xi32>
    %select_n3A_170 = arith.select %lt3A_166, %add3A_169, %broadcast_in_dim3A_163 : vector<16xi1>, vector<16xi32>
    %reshape3A_171 = vector.shape_cast %select_n3A_170 : vector<16xi32> to vector<16x1xi32>
    %gather3A_172 = vector.shape_cast %reshape3A_171 : vector<16x1xi32> to vector<16xi32>
    %gather3A_173 = tpu.dynamic_gather %get3A_161[%gather3A_172] in [0] : vector<16xi32>, vector<16xi32> -> vector<16xi32>
    %add3A_174 = arith.addi %gather3A_173, %mul3A_5 : vector<16xi32>
    %swap3A_175 = arith.constant 128 : index
    %swap3A_176 = tpu.vector_load %arg6[%swap3A_175] {strides = array<i32>} : memref<512xi32, #tpu.memory_space<vmem>>, vector<16xi32>,
    %swap3A_177 = vector.shape_cast %swap3A_176 : vector<16xi32> to vector<16xi32>
    %swap3A_178 = vector.shape_cast %add3A_174 : vector<16xi32> to vector<16xi32>
    tpu.vector_store %arg6[%swap3A_175], %swap3A_178 {strides = array<i32>} : memref<512xi32, #tpu.memory_space<vmem>>, vector<16xi32>,
    %get3A_179 = arith.constant 0 : index
    %get3A_180 = tpu.vector_load %arg5[%get3A_179] {strides = array<i32>} : memref<32xi32, #tpu.memory_space<vmem>>, vector<16xi32>,
    %get3A_181 = vector.shape_cast %get3A_180 : vector<16xi32> to vector<16xi32>
    %broadcast_in_dim3A_182 = arith.constant 9 : i32
    %broadcast_in_dim3A_183 = vector.broadcast %broadcast_in_dim3A_182 : i32 to vector<16xi32>
    %lt3A_184 = arith.constant 0 : i32
    %lt3A_185 = vector.broadcast %lt3A_184 : i32 to vector<16xi32>
    %lt3A_186 = arith.cmpi slt, %broadcast_in_dim3A_183, %lt3A_185 : vector<16xi32>
    %add3A_187 = arith.constant 16 : i32
    %add3A_188 = vector.broadcast %add3A_187 : i32 to vector<16xi32>
    %add3A_189 = arith.addi %broadcast_in_dim3A_183, %add3A_188 : vector<16xi32>
    %select_n3A_190 = arith.select %lt3A_186, %add3A_189, %broadcast_in_dim3A_183 : vector<16xi1>, vector<16xi32>
    %reshape3A_191 = vector.shape_cast %select_n3A_190 : vector<16xi32> to vector<16x1xi32>
    %gather3A_192 = vector.shape_cast %reshape3A_191 : vector<16x1xi32> to vector<16xi32>
    %gather3A_193 = tpu.dynamic_gather %get3A_181[%gather3A_192] in [0] : vector<16xi32>, vector<16xi32> -> vector<16xi32>
    %add3A_194 = arith.addi %gather3A_193, %mul3A_5 : vector<16xi32>
    %swap3A_195 = arith.constant 144 : index
    %swap3A_196 = tpu.vector_load %arg6[%swap3A_195] {strides = array<i32>} : memref<512xi32, #tpu.memory_space<vmem>>, vector<16xi32>,
    %swap3A_197 = vector.shape_cast %swap3A_196 : vector<16xi32> to vector<16xi32>
    %swap3A_198 = vector.shape_cast %add3A_194 : vector<16xi32> to vector<16xi32>
    tpu.vector_store %arg6[%swap3A_195], %swap3A_198 {strides = array<i32>} : memref<512xi32, #tpu.memory_space<vmem>>, vector<16xi32>,
    %get3A_199 = arith.constant 0 : index
    %get3A_200 = tpu.vector_load %arg5[%get3A_199] {strides = array<i32>} : memref<32xi32, #tpu.memory_space<vmem>>, vector<16xi32>,
    %get3A_201 = vector.shape_cast %get3A_200 : vector<16xi32> to vector<16xi32>
    %broadcast_in_dim3A_202 = arith.constant 10 : i32
    %broadcast_in_dim3A_203 = vector.broadcast %broadcast_in_dim3A_202 : i32 to vector<16xi32>
    %lt3A_204 = arith.constant 0 : i32
    %lt3A_205 = vector.broadcast %lt3A_204 : i32 to vector<16xi32>
    %lt3A_206 = arith.cmpi slt, %broadcast_in_dim3A_203, %lt3A_205 : vector<16xi32>
    %add3A_207 = arith.constant 16 : i32
    %add3A_208 = vector.broadcast %add3A_207 : i32 to vector<16xi32>
    %add3A_209 = arith.addi %broadcast_in_dim3A_203, %add3A_208 : vector<16xi32>
    %select_n3A_210 = arith.select %lt3A_206, %add3A_209, %broadcast_in_dim3A_203 : vector<16xi1>, vector<16xi32>
    %reshape3A_211 = vector.shape_cast %select_n3A_210 : vector<16xi32> to vector<16x1xi32>
    %gather3A_212 = vector.shape_cast %reshape3A_211 : vector<16x1xi32> to vector<16xi32>
    %gather3A_213 = tpu.dynamic_gather %get3A_201[%gather3A_212] in [0] : vector<16xi32>, vector<16xi32> -> vector<16xi32>
    %add3A_214 = arith.addi %gather3A_213, %mul3A_5 : vector<16xi32>
    %swap3A_215 = arith.constant 160 : index
    %swap3A_216 = tpu.vector_load %arg6[%swap3A_215] {strides = array<i32>} : memref<512xi32, #tpu.memory_space<vmem>>, vector<16xi32>,
    %swap3A_217 = vector.shape_cast %swap3A_216 : vector<16xi32> to vector<16xi32>
    %swap3A_218 = vector.shape_cast %add3A_214 : vector<16xi32> to vector<16xi32>
    tpu.vector_store %arg6[%swap3A_215], %swap3A_218 {strides = array<i32>} : memref<512xi32, #tpu.memory_space<vmem>>, vector<16xi32>,
    %get3A_219 = arith.constant 0 : index
    %get3A_220 = tpu.vector_load %arg5[%get3A_219] {strides = array<i32>} : memref<32xi32, #tpu.memory_space<vmem>>, vector<16xi32>,
    %get3A_221 = vector.shape_cast %get3A_220 : vector<16xi32> to vector<16xi32>
    %broadcast_in_dim3A_222 = arith.constant 11 : i32
    %broadcast_in_dim3A_223 = vector.broadcast %broadcast_in_dim3A_222 : i32 to vector<16xi32>
    %lt3A_224 = arith.constant 0 : i32
    %lt3A_225 = vector.broadcast %lt3A_224 : i32 to vector<16xi32>
    %lt3A_226 = arith.cmpi slt, %broadcast_in_dim3A_223, %lt3A_225 : vector<16xi32>
    %add3A_227 = arith.constant 16 : i32
    %add3A_228 = vector.broadcast %add3A_227 : i32 to vector<16xi32>
    %add3A_229 = arith.addi %broadcast_in_dim3A_223, %add3A_228 : vector<16xi32>
    %select_n3A_230 = arith.select %lt3A_226, %add3A_229, %broadcast_in_dim3A_223 : vector<16xi1>, vector<16xi32>
    %reshape3A_231 = vector.shape_cast %select_n3A_230 : vector<16xi32> to vector<16x1xi32>
    %gather3A_232 = vector.shape_cast %reshape3A_231 : vector<16x1xi32> to vector<16xi32>
    %gather3A_233 = tpu.dynamic_gather %get3A_221[%gather3A_232] in [0] : vector<16xi32>, vector<16xi32> -> vector<16xi32>
    %add3A_234 = arith.addi %gather3A_233, %mul3A_5 : vector<16xi32>
    %swap3A_235 = arith.constant 176 : index
    %swap3A_236 = tpu.vector_load %arg6[%swap3A_235] {strides = array<i32>} : memref<512xi32, #tpu.memory_space<vmem>>, vector<16xi32>,
    %swap3A_237 = vector.shape_cast %swap3A_236 : vector<16xi32> to vector<16xi32>
    %swap3A_238 = vector.shape_cast %add3A_234 : vector<16xi32> to vector<16xi32>
    tpu.vector_store %arg6[%swap3A_235], %swap3A_238 {strides = array<i32>} : memref<512xi32, #tpu.memory_space<vmem>>, vector<16xi32>,
    %get3A_239 = arith.constant 0 : index
    %get3A_240 = tpu.vector_load %arg5[%get3A_239] {strides = array<i32>} : memref<32xi32, #tpu.memory_space<vmem>>, vector<16xi32>,
    %get3A_241 = vector.shape_cast %get3A_240 : vector<16xi32> to vector<16xi32>
    %broadcast_in_dim3A_242 = arith.constant 12 : i32
    %broadcast_in_dim3A_243 = vector.broadcast %broadcast_in_dim3A_242 : i32 to vector<16xi32>
    %lt3A_244 = arith.constant 0 : i32
    %lt3A_245 = vector.broadcast %lt3A_244 : i32 to vector<16xi32>
    %lt3A_246 = arith.cmpi slt, %broadcast_in_dim3A_243, %lt3A_245 : vector<16xi32>
    %add3A_247 = arith.constant 16 : i32
    %add3A_248 = vector.broadcast %add3A_247 : i32 to vector<16xi32>
    %add3A_249 = arith.addi %broadcast_in_dim3A_243, %add3A_248 : vector<16xi32>
    %select_n3A_250 = arith.select %lt3A_246, %add3A_249, %broadcast_in_dim3A_243 : vector<16xi1>, vector<16xi32>
    %reshape3A_251 = vector.shape_cast %select_n3A_250 : vector<16xi32> to vector<16x1xi32>
    %gather3A_252 = vector.shape_cast %reshape3A_251 : vector<16x1xi32> to vector<16xi32>
    %gather3A_253 = tpu.dynamic_gather %get3A_241[%gather3A_252] in [0] : vector<16xi32>, vector<16xi32> -> vector<16xi32>
    %add3A_254 = arith.addi %gather3A_253, %mul3A_5 : vector<16xi32>
    %swap3A_255 = arith.constant 192 : index
    %swap3A_256 = tpu.vector_load %arg6[%swap3A_255] {strides = array<i32>} : memref<512xi32, #tpu.memory_space<vmem>>, vector<16xi32>,
    %swap3A_257 = vector.shape_cast %swap3A_256 : vector<16xi32> to vector<16xi32>
    %swap3A_258 = vector.shape_cast %add3A_254 : vector<16xi32> to vector<16xi32>
    tpu.vector_store %arg6[%swap3A_255], %swap3A_258 {strides = array<i32>} : memref<512xi32, #tpu.memory_space<vmem>>, vector<16xi32>,
    %get3A_259 = arith.constant 0 : index
    %get3A_260 = tpu.vector_load %arg5[%get3A_259] {strides = array<i32>} : memref<32xi32, #tpu.memory_space<vmem>>, vector<16xi32>,
    %get3A_261 = vector.shape_cast %get3A_260 : vector<16xi32> to vector<16xi32>
    %broadcast_in_dim3A_262 = arith.constant 13 : i32
    %broadcast_in_dim3A_263 = vector.broadcast %broadcast_in_dim3A_262 : i32 to vector<16xi32>
    %lt3A_264 = arith.constant 0 : i32
    %lt3A_265 = vector.broadcast %lt3A_264 : i32 to vector<16xi32>
    %lt3A_266 = arith.cmpi slt, %broadcast_in_dim3A_263, %lt3A_265 : vector<16xi32>
    %add3A_267 = arith.constant 16 : i32
    %add3A_268 = vector.broadcast %add3A_267 : i32 to vector<16xi32>
    %add3A_269 = arith.addi %broadcast_in_dim3A_263, %add3A_268 : vector<16xi32>
    %select_n3A_270 = arith.select %lt3A_266, %add3A_269, %broadcast_in_dim3A_263 : vector<16xi1>, vector<16xi32>
    %reshape3A_271 = vector.shape_cast %select_n3A_270 : vector<16xi32> to vector<16x1xi32>
    %gather3A_272 = vector.shape_cast %reshape3A_271 : vector<16x1xi32> to vector<16xi32>
    %gather3A_273 = tpu.dynamic_gather %get3A_261[%gather3A_272] in [0] : vector<16xi32>, vector<16xi32> -> vector<16xi32>
    %add3A_274 = arith.addi %gather3A_273, %mul3A_5 : vector<16xi32>
    %swap3A_275 = arith.constant 208 : index
    %swap3A_276 = tpu.vector_load %arg6[%swap3A_275] {strides = array<i32>} : memref<512xi32, #tpu.memory_space<vmem>>, vector<16xi32>,
    %swap3A_277 = vector.shape_cast %swap3A_276 : vector<16xi32> to vector<16xi32>
    %swap3A_278 = vector.shape_cast %add3A_274 : vector<16xi32> to vector<16xi32>
    tpu.vector_store %arg6[%swap3A_275], %swap3A_278 {strides = array<i32>} : memref<512xi32, #tpu.memory_space<vmem>>, vector<16xi32>,
    %get3A_279 = arith.constant 0 : index
    %get3A_280 = tpu.vector_load %arg5[%get3A_279] {strides = array<i32>} : memref<32xi32, #tpu.memory_space<vmem>>, vector<16xi32>,
    %get3A_281 = vector.shape_cast %get3A_280 : vector<16xi32> to vector<16xi32>
    %broadcast_in_dim3A_282 = arith.constant 14 : i32
    %broadcast_in_dim3A_283 = vector.broadcast %broadcast_in_dim3A_282 : i32 to vector<16xi32>
    %lt3A_284 = arith.constant 0 : i32
    %lt3A_285 = vector.broadcast %lt3A_284 : i32 to vector<16xi32>
    %lt3A_286 = arith.cmpi slt, %broadcast_in_dim3A_283, %lt3A_285 : vector<16xi32>
    %add3A_287 = arith.constant 16 : i32
    %add3A_288 = vector.broadcast %add3A_287 : i32 to vector<16xi32>
    %add3A_289 = arith.addi %broadcast_in_dim3A_283, %add3A_288 : vector<16xi32>
    %select_n3A_290 = arith.select %lt3A_286, %add3A_289, %broadcast_in_dim3A_283 : vector<16xi1>, vector<16xi32>
    %reshape3A_291 = vector.shape_cast %select_n3A_290 : vector<16xi32> to vector<16x1xi32>
    %gather3A_292 = vector.shape_cast %reshape3A_291 : vector<16x1xi32> to vector<16xi32>
    %gather3A_293 = tpu.dynamic_gather %get3A_281[%gather3A_292] in [0] : vector<16xi32>, vector<16xi32> -> vector<16xi32>
    %add3A_294 = arith.addi %gather3A_293, %mul3A_5 : vector<16xi32>
    %swap3A_295 = arith.constant 224 : index
    %swap3A_296 = tpu.vector_load %arg6[%swap3A_295] {strides = array<i32>} : memref<512xi32, #tpu.memory_space<vmem>>, vector<16xi32>,
    %swap3A_297 = vector.shape_cast %swap3A_296 : vector<16xi32> to vector<16xi32>
    %swap3A_298 = vector.shape_cast %add3A_294 : vector<16xi32> to vector<16xi32>
    tpu.vector_store %arg6[%swap3A_295], %swap3A_298 {strides = array<i32>} : memref<512xi32, #tpu.memory_space<vmem>>, vector<16xi32>,
    %get3A_299 = arith.constant 0 : index
    %get3A_300 = tpu.vector_load %arg5[%get3A_299] {strides = array<i32>} : memref<32xi32, #tpu.memory_space<vmem>>, vector<16xi32>,
    %get3A_301 = vector.shape_cast %get3A_300 : vector<16xi32> to vector<16xi32>
    %broadcast_in_dim3A_302 = arith.constant 15 : i32
    %broadcast_in_dim3A_303 = vector.broadcast %broadcast_in_dim3A_302 : i32 to vector<16xi32>
    %lt3A_304 = arith.constant 0 : i32
    %lt3A_305 = vector.broadcast %lt3A_304 : i32 to vector<16xi32>
    %lt3A_306 = arith.cmpi slt, %broadcast_in_dim3A_303, %lt3A_305 : vector<16xi32>
    %add3A_307 = arith.constant 16 : i32
    %add3A_308 = vector.broadcast %add3A_307 : i32 to vector<16xi32>
    %add3A_309 = arith.addi %broadcast_in_dim3A_303, %add3A_308 : vector<16xi32>
    %select_n3A_310 = arith.select %lt3A_306, %add3A_309, %broadcast_in_dim3A_303 : vector<16xi1>, vector<16xi32>
    %reshape3A_311 = vector.shape_cast %select_n3A_310 : vector<16xi32> to vector<16x1xi32>
    %gather3A_312 = vector.shape_cast %reshape3A_311 : vector<16x1xi32> to vector<16xi32>
    %gather3A_313 = tpu.dynamic_gather %get3A_301[%gather3A_312] in [0] : vector<16xi32>, vector<16xi32> -> vector<16xi32>
    %add3A_314 = arith.addi %gather3A_313, %mul3A_5 : vector<16xi32>
    %swap3A_315 = arith.constant 240 : index
    %swap3A_316 = tpu.vector_load %arg6[%swap3A_315] {strides = array<i32>} : memref<512xi32, #tpu.memory_space<vmem>>, vector<16xi32>,
    %swap3A_317 = vector.shape_cast %swap3A_316 : vector<16xi32> to vector<16xi32>
    %swap3A_318 = vector.shape_cast %add3A_314 : vector<16xi32> to vector<16xi32>
    tpu.vector_store %arg6[%swap3A_315], %swap3A_318 {strides = array<i32>} : memref<512xi32, #tpu.memory_space<vmem>>, vector<16xi32>,
    %get3A_319 = arith.constant 16 : index
    %get3A_320 = tpu.vector_load %arg5[%get3A_319] {strides = array<i32>} : memref<32xi32, #tpu.memory_space<vmem>>, vector<16xi32>,
    %get3A_321 = vector.shape_cast %get3A_320 : vector<16xi32> to vector<16xi32>
    %broadcast_in_dim3A_322 = arith.constant 0 : i32
    %broadcast_in_dim3A_323 = vector.broadcast %broadcast_in_dim3A_322 : i32 to vector<16xi32>
    %lt3A_324 = arith.constant 0 : i32
    %lt3A_325 = vector.broadcast %lt3A_324 : i32 to vector<16xi32>
    %lt3A_326 = arith.cmpi slt, %broadcast_in_dim3A_323, %lt3A_325 : vector<16xi32>
    %add3A_327 = arith.constant 16 : i32
    %add3A_328 = vector.broadcast %add3A_327 : i32 to vector<16xi32>
    %add3A_329 = arith.addi %broadcast_in_dim3A_323, %add3A_328 : vector<16xi32>
    %select_n3A_330 = arith.select %lt3A_326, %add3A_329, %broadcast_in_dim3A_323 : vector<16xi1>, vector<16xi32>
    %reshape3A_331 = vector.shape_cast %select_n3A_330 : vector<16xi32> to vector<16x1xi32>
    %gather3A_332 = vector.shape_cast %reshape3A_331 : vector<16x1xi32> to vector<16xi32>
    %gather3A_333 = tpu.dynamic_gather %get3A_321[%gather3A_332] in [0] : vector<16xi32>, vector<16xi32> -> vector<16xi32>
    %add3A_334 = arith.addi %gather3A_333, %mul3A_5 : vector<16xi32>
    %swap3A_335 = arith.constant 256 : index
    %swap3A_336 = tpu.vector_load %arg6[%swap3A_335] {strides = array<i32>} : memref<512xi32, #tpu.memory_space<vmem>>, vector<16xi32>,
    %swap3A_337 = vector.shape_cast %swap3A_336 : vector<16xi32> to vector<16xi32>
    %swap3A_338 = vector.shape_cast %add3A_334 : vector<16xi32> to vector<16xi32>
    tpu.vector_store %arg6[%swap3A_335], %swap3A_338 {strides = array<i32>} : memref<512xi32, #tpu.memory_space<vmem>>, vector<16xi32>,
    %get3A_339 = arith.constant 16 : index
    %get3A_340 = tpu.vector_load %arg5[%get3A_339] {strides = array<i32>} : memref<32xi32, #tpu.memory_space<vmem>>, vector<16xi32>,
    %get3A_341 = vector.shape_cast %get3A_340 : vector<16xi32> to vector<16xi32>
    %broadcast_in_dim3A_342 = arith.constant 1 : i32
    %broadcast_in_dim3A_343 = vector.broadcast %broadcast_in_dim3A_342 : i32 to vector<16xi32>
    %lt3A_344 = arith.constant 0 : i32
    %lt3A_345 = vector.broadcast %lt3A_344 : i32 to vector<16xi32>
    %lt3A_346 = arith.cmpi slt, %broadcast_in_dim3A_343, %lt3A_345 : vector<16xi32>
    %add3A_347 = arith.constant 16 : i32
    %add3A_348 = vector.broadcast %add3A_347 : i32 to vector<16xi32>
    %add3A_349 = arith.addi %broadcast_in_dim3A_343, %add3A_348 : vector<16xi32>
    %select_n3A_350 = arith.select %lt3A_346, %add3A_349, %broadcast_in_dim3A_343 : vector<16xi1>, vector<16xi32>
    %reshape3A_351 = vector.shape_cast %select_n3A_350 : vector<16xi32> to vector<16x1xi32>
    %gather3A_352 = vector.shape_cast %reshape3A_351 : vector<16x1xi32> to vector<16xi32>
    %gather3A_353 = tpu.dynamic_gather %get3A_341[%gather3A_352] in [0] : vector<16xi32>, vector<16xi32> -> vector<16xi32>
    %add3A_354 = arith.addi %gather3A_353, %mul3A_5 : vector<16xi32>
    %swap3A_355 = arith.constant 272 : index
    %swap3A_356 = tpu.vector_load %arg6[%swap3A_355] {strides = array<i32>} : memref<512xi32, #tpu.memory_space<vmem>>, vector<16xi32>,
    %swap3A_357 = vector.shape_cast %swap3A_356 : vector<16xi32> to vector<16xi32>
    %swap3A_358 = vector.shape_cast %add3A_354 : vector<16xi32> to vector<16xi32>
    tpu.vector_store %arg6[%swap3A_355], %swap3A_358 {strides = array<i32>} : memref<512xi32, #tpu.memory_space<vmem>>, vector<16xi32>,
    %get3A_359 = arith.constant 16 : index
    %get3A_360 = tpu.vector_load %arg5[%get3A_359] {strides = array<i32>} : memref<32xi32, #tpu.memory_space<vmem>>, vector<16xi32>,
    %get3A_361 = vector.shape_cast %get3A_360 : vector<16xi32> to vector<16xi32>
    %broadcast_in_dim3A_362 = arith.constant 2 : i32
    %broadcast_in_dim3A_363 = vector.broadcast %broadcast_in_dim3A_362 : i32 to vector<16xi32>
    %lt3A_364 = arith.constant 0 : i32
    %lt3A_365 = vector.broadcast %lt3A_364 : i32 to vector<16xi32>
    %lt3A_366 = arith.cmpi slt, %broadcast_in_dim3A_363, %lt3A_365 : vector<16xi32>
    %add3A_367 = arith.constant 16 : i32
    %add3A_368 = vector.broadcast %add3A_367 : i32 to vector<16xi32>
    %add3A_369 = arith.addi %broadcast_in_dim3A_363, %add3A_368 : vector<16xi32>
    %select_n3A_370 = arith.select %lt3A_366, %add3A_369, %broadcast_in_dim3A_363 : vector<16xi1>, vector<16xi32>
    %reshape3A_371 = vector.shape_cast %select_n3A_370 : vector<16xi32> to vector<16x1xi32>
    %gather3A_372 = vector.shape_cast %reshape3A_371 : vector<16x1xi32> to vector<16xi32>
    %gather3A_373 = tpu.dynamic_gather %get3A_361[%gather3A_372] in [0] : vector<16xi32>, vector<16xi32> -> vector<16xi32>
    %add3A_374 = arith.addi %gather3A_373, %mul3A_5 : vector<16xi32>
    %swap3A_375 = arith.constant 288 : index
    %swap3A_376 = tpu.vector_load %arg6[%swap3A_375] {strides = array<i32>} : memref<512xi32, #tpu.memory_space<vmem>>, vector<16xi32>,
    %swap3A_377 = vector.shape_cast %swap3A_376 : vector<16xi32> to vector<16xi32>
    %swap3A_378 = vector.shape_cast %add3A_374 : vector<16xi32> to vector<16xi32>
    tpu.vector_store %arg6[%swap3A_375], %swap3A_378 {strides = array<i32>} : memref<512xi32, #tpu.memory_space<vmem>>, vector<16xi32>,
    %get3A_379 = arith.constant 16 : index
    %get3A_380 = tpu.vector_load %arg5[%get3A_379] {strides = array<i32>} : memref<32xi32, #tpu.memory_space<vmem>>, vector<16xi32>,
    %get3A_381 = vector.shape_cast %get3A_380 : vector<16xi32> to vector<16xi32>
    %broadcast_in_dim3A_382 = arith.constant 3 : i32
    %broadcast_in_dim3A_383 = vector.broadcast %broadcast_in_dim3A_382 : i32 to vector<16xi32>
    %lt3A_384 = arith.constant 0 : i32
    %lt3A_385 = vector.broadcast %lt3A_384 : i32 to vector<16xi32>
    %lt3A_386 = arith.cmpi slt, %broadcast_in_dim3A_383, %lt3A_385 : vector<16xi32>
    %add3A_387 = arith.constant 16 : i32
    %add3A_388 = vector.broadcast %add3A_387 : i32 to vector<16xi32>
    %add3A_389 = arith.addi %broadcast_in_dim3A_383, %add3A_388 : vector<16xi32>
    %select_n3A_390 = arith.select %lt3A_386, %add3A_389, %broadcast_in_dim3A_383 : vector<16xi1>, vector<16xi32>
    %reshape3A_391 = vector.shape_cast %select_n3A_390 : vector<16xi32> to vector<16x1xi32>
    %gather3A_392 = vector.shape_cast %reshape3A_391 : vector<16x1xi32> to vector<16xi32>
    %gather3A_393 = tpu.dynamic_gather %get3A_381[%gather3A_392] in [0] : vector<16xi32>, vector<16xi32> -> vector<16xi32>
    %add3A_394 = arith.addi %gather3A_393, %mul3A_5 : vector<16xi32>
    %swap3A_395 = arith.constant 304 : index
    %swap3A_396 = tpu.vector_load %arg6[%swap3A_395] {strides = array<i32>} : memref<512xi32, #tpu.memory_space<vmem>>, vector<16xi32>,
    %swap3A_397 = vector.shape_cast %swap3A_396 : vector<16xi32> to vector<16xi32>
    %swap3A_398 = vector.shape_cast %add3A_394 : vector<16xi32> to vector<16xi32>
    tpu.vector_store %arg6[%swap3A_395], %swap3A_398 {strides = array<i32>} : memref<512xi32, #tpu.memory_space<vmem>>, vector<16xi32>,
    %get3A_399 = arith.constant 16 : index
    %get3A_400 = tpu.vector_load %arg5[%get3A_399] {strides = array<i32>} : memref<32xi32, #tpu.memory_space<vmem>>, vector<16xi32>,
    %get3A_401 = vector.shape_cast %get3A_400 : vector<16xi32> to vector<16xi32>
    %broadcast_in_dim3A_402 = arith.constant 4 : i32
    %broadcast_in_dim3A_403 = vector.broadcast %broadcast_in_dim3A_402 : i32 to vector<16xi32>
    %lt3A_404 = arith.constant 0 : i32
    %lt3A_405 = vector.broadcast %lt3A_404 : i32 to vector<16xi32>
    %lt3A_406 = arith.cmpi slt, %broadcast_in_dim3A_403, %lt3A_405 : vector<16xi32>
    %add3A_407 = arith.constant 16 : i32
    %add3A_408 = vector.broadcast %add3A_407 : i32 to vector<16xi32>
    %add3A_409 = arith.addi %broadcast_in_dim3A_403, %add3A_408 : vector<16xi32>
    %select_n3A_410 = arith.select %lt3A_406, %add3A_409, %broadcast_in_dim3A_403 : vector<16xi1>, vector<16xi32>
    %reshape3A_411 = vector.shape_cast %select_n3A_410 : vector<16xi32> to vector<16x1xi32>
    %gather3A_412 = vector.shape_cast %reshape3A_411 : vector<16x1xi32> to vector<16xi32>
    %gather3A_413 = tpu.dynamic_gather %get3A_401[%gather3A_412] in [0] : vector<16xi32>, vector<16xi32> -> vector<16xi32>
    %add3A_414 = arith.addi %gather3A_413, %mul3A_5 : vector<16xi32>
    %swap3A_415 = arith.constant 320 : index
    %swap3A_416 = tpu.vector_load %arg6[%swap3A_415] {strides = array<i32>} : memref<512xi32, #tpu.memory_space<vmem>>, vector<16xi32>,
    %swap3A_417 = vector.shape_cast %swap3A_416 : vector<16xi32> to vector<16xi32>
    %swap3A_418 = vector.shape_cast %add3A_414 : vector<16xi32> to vector<16xi32>
    tpu.vector_store %arg6[%swap3A_415], %swap3A_418 {strides = array<i32>} : memref<512xi32, #tpu.memory_space<vmem>>, vector<16xi32>,
    %get3A_419 = arith.constant 16 : index
    %get3A_420 = tpu.vector_load %arg5[%get3A_419] {strides = array<i32>} : memref<32xi32, #tpu.memory_space<vmem>>, vector<16xi32>,
    %get3A_421 = vector.shape_cast %get3A_420 : vector<16xi32> to vector<16xi32>
    %broadcast_in_dim3A_422 = arith.constant 5 : i32
    %broadcast_in_dim3A_423 = vector.broadcast %broadcast_in_dim3A_422 : i32 to vector<16xi32>
    %lt3A_424 = arith.constant 0 : i32
    %lt3A_425 = vector.broadcast %lt3A_424 : i32 to vector<16xi32>
    %lt3A_426 = arith.cmpi slt, %broadcast_in_dim3A_423, %lt3A_425 : vector<16xi32>
    %add3A_427 = arith.constant 16 : i32
    %add3A_428 = vector.broadcast %add3A_427 : i32 to vector<16xi32>
    %add3A_429 = arith.addi %broadcast_in_dim3A_423, %add3A_428 : vector<16xi32>
    %select_n3A_430 = arith.select %lt3A_426, %add3A_429, %broadcast_in_dim3A_423 : vector<16xi1>, vector<16xi32>
    %reshape3A_431 = vector.shape_cast %select_n3A_430 : vector<16xi32> to vector<16x1xi32>
    %gather3A_432 = vector.shape_cast %reshape3A_431 : vector<16x1xi32> to vector<16xi32>
    %gather3A_433 = tpu.dynamic_gather %get3A_421[%gather3A_432] in [0] : vector<16xi32>, vector<16xi32> -> vector<16xi32>
    %add3A_434 = arith.addi %gather3A_433, %mul3A_5 : vector<16xi32>
    %swap3A_435 = arith.constant 336 : index
    %swap3A_436 = tpu.vector_load %arg6[%swap3A_435] {strides = array<i32>} : memref<512xi32, #tpu.memory_space<vmem>>, vector<16xi32>,
    %swap3A_437 = vector.shape_cast %swap3A_436 : vector<16xi32> to vector<16xi32>
    %swap3A_438 = vector.shape_cast %add3A_434 : vector<16xi32> to vector<16xi32>
    tpu.vector_store %arg6[%swap3A_435], %swap3A_438 {strides = array<i32>} : memref<512xi32, #tpu.memory_space<vmem>>, vector<16xi32>,
    %get3A_439 = arith.constant 16 : index
    %get3A_440 = tpu.vector_load %arg5[%get3A_439] {strides = array<i32>} : memref<32xi32, #tpu.memory_space<vmem>>, vector<16xi32>,
    %get3A_441 = vector.shape_cast %get3A_440 : vector<16xi32> to vector<16xi32>
    %broadcast_in_dim3A_442 = arith.constant 6 : i32
    %broadcast_in_dim3A_443 = vector.broadcast %broadcast_in_dim3A_442 : i32 to vector<16xi32>
    %lt3A_444 = arith.constant 0 : i32
    %lt3A_445 = vector.broadcast %lt3A_444 : i32 to vector<16xi32>
    %lt3A_446 = arith.cmpi slt, %broadcast_in_dim3A_443, %lt3A_445 : vector<16xi32>
    %add3A_447 = arith.constant 16 : i32
    %add3A_448 = vector.broadcast %add3A_447 : i32 to vector<16xi32>
    %add3A_449 = arith.addi %broadcast_in_dim3A_443, %add3A_448 : vector<16xi32>
    %select_n3A_450 = arith.select %lt3A_446, %add3A_449, %broadcast_in_dim3A_443 : vector<16xi1>, vector<16xi32>
    %reshape3A_451 = vector.shape_cast %select_n3A_450 : vector<16xi32> to vector<16x1xi32>
    %gather3A_452 = vector.shape_cast %reshape3A_451 : vector<16x1xi32> to vector<16xi32>
    %gather3A_453 = tpu.dynamic_gather %get3A_441[%gather3A_452] in [0] : vector<16xi32>, vector<16xi32> -> vector<16xi32>
    %add3A_454 = arith.addi %gather3A_453, %mul3A_5 : vector<16xi32>
    %swap3A_455 = arith.constant 352 : index
    %swap3A_456 = tpu.vector_load %arg6[%swap3A_455] {strides = array<i32>} : memref<512xi32, #tpu.memory_space<vmem>>, vector<16xi32>,
    %swap3A_457 = vector.shape_cast %swap3A_456 : vector<16xi32> to vector<16xi32>
    %swap3A_458 = vector.shape_cast %add3A_454 : vector<16xi32> to vector<16xi32>
    tpu.vector_store %arg6[%swap3A_455], %swap3A_458 {strides = array<i32>} : memref<512xi32, #tpu.memory_space<vmem>>, vector<16xi32>,
    %get3A_459 = arith.constant 16 : index
    %get3A_460 = tpu.vector_load %arg5[%get3A_459] {strides = array<i32>} : memref<32xi32, #tpu.memory_space<vmem>>, vector<16xi32>,
    %get3A_461 = vector.shape_cast %get3A_460 : vector<16xi32> to vector<16xi32>
    %broadcast_in_dim3A_462 = arith.constant 7 : i32
    %broadcast_in_dim3A_463 = vector.broadcast %broadcast_in_dim3A_462 : i32 to vector<16xi32>
    %lt3A_464 = arith.constant 0 : i32
    %lt3A_465 = vector.broadcast %lt3A_464 : i32 to vector<16xi32>
    %lt3A_466 = arith.cmpi slt, %broadcast_in_dim3A_463, %lt3A_465 : vector<16xi32>
    %add3A_467 = arith.constant 16 : i32
    %add3A_468 = vector.broadcast %add3A_467 : i32 to vector<16xi32>
    %add3A_469 = arith.addi %broadcast_in_dim3A_463, %add3A_468 : vector<16xi32>
    %select_n3A_470 = arith.select %lt3A_466, %add3A_469, %broadcast_in_dim3A_463 : vector<16xi1>, vector<16xi32>
    %reshape3A_471 = vector.shape_cast %select_n3A_470 : vector<16xi32> to vector<16x1xi32>
    %gather3A_472 = vector.shape_cast %reshape3A_471 : vector<16x1xi32> to vector<16xi32>
    %gather3A_473 = tpu.dynamic_gather %get3A_461[%gather3A_472] in [0] : vector<16xi32>, vector<16xi32> -> vector<16xi32>
    %add3A_474 = arith.addi %gather3A_473, %mul3A_5 : vector<16xi32>
    %swap3A_475 = arith.constant 368 : index
    %swap3A_476 = tpu.vector_load %arg6[%swap3A_475] {strides = array<i32>} : memref<512xi32, #tpu.memory_space<vmem>>, vector<16xi32>,
    %swap3A_477 = vector.shape_cast %swap3A_476 : vector<16xi32> to vector<16xi32>
    %swap3A_478 = vector.shape_cast %add3A_474 : vector<16xi32> to vector<16xi32>
    tpu.vector_store %arg6[%swap3A_475], %swap3A_478 {strides = array<i32>} : memref<512xi32, #tpu.memory_space<vmem>>, vector<16xi32>,
    %get3A_479 = arith.constant 16 : index
    %get3A_480 = tpu.vector_load %arg5[%get3A_479] {strides = array<i32>} : memref<32xi32, #tpu.memory_space<vmem>>, vector<16xi32>,
    %get3A_481 = vector.shape_cast %get3A_480 : vector<16xi32> to vector<16xi32>
    %broadcast_in_dim3A_482 = arith.constant 8 : i32
    %broadcast_in_dim3A_483 = vector.broadcast %broadcast_in_dim3A_482 : i32 to vector<16xi32>
    %lt3A_484 = arith.constant 0 : i32
    %lt3A_485 = vector.broadcast %lt3A_484 : i32 to vector<16xi32>
    %lt3A_486 = arith.cmpi slt, %broadcast_in_dim3A_483, %lt3A_485 : vector<16xi32>
    %add3A_487 = arith.constant 16 : i32
    %add3A_488 = vector.broadcast %add3A_487 : i32 to vector<16xi32>
    %add3A_489 = arith.addi %broadcast_in_dim3A_483, %add3A_488 : vector<16xi32>
    %select_n3A_490 = arith.select %lt3A_486, %add3A_489, %broadcast_in_dim3A_483 : vector<16xi1>, vector<16xi32>
    %reshape3A_491 = vector.shape_cast %select_n3A_490 : vector<16xi32> to vector<16x1xi32>
    %gather3A_492 = vector.shape_cast %reshape3A_491 : vector<16x1xi32> to vector<16xi32>
    %gather3A_493 = tpu.dynamic_gather %get3A_481[%gather3A_492] in [0] : vector<16xi32>, vector<16xi32> -> vector<16xi32>
    %add3A_494 = arith.addi %gather3A_493, %mul3A_5 : vector<16xi32>
    %swap3A_495 = arith.constant 384 : index
    %swap3A_496 = tpu.vector_load %arg6[%swap3A_495] {strides = array<i32>} : memref<512xi32, #tpu.memory_space<vmem>>, vector<16xi32>,
    %swap3A_497 = vector.shape_cast %swap3A_496 : vector<16xi32> to vector<16xi32>
    %swap3A_498 = vector.shape_cast %add3A_494 : vector<16xi32> to vector<16xi32>
    tpu.vector_store %arg6[%swap3A_495], %swap3A_498 {strides = array<i32>} : memref<512xi32, #tpu.memory_space<vmem>>, vector<16xi32>,
    %get3A_499 = arith.constant 16 : index
    %get3A_500 = tpu.vector_load %arg5[%get3A_499] {strides = array<i32>} : memref<32xi32, #tpu.memory_space<vmem>>, vector<16xi32>,
    %get3A_501 = vector.shape_cast %get3A_500 : vector<16xi32> to vector<16xi32>
    %broadcast_in_dim3A_502 = arith.constant 9 : i32
    %broadcast_in_dim3A_503 = vector.broadcast %broadcast_in_dim3A_502 : i32 to vector<16xi32>
    %lt3A_504 = arith.constant 0 : i32
    %lt3A_505 = vector.broadcast %lt3A_504 : i32 to vector<16xi32>
    %lt3A_506 = arith.cmpi slt, %broadcast_in_dim3A_503, %lt3A_505 : vector<16xi32>
    %add3A_507 = arith.constant 16 : i32
    %add3A_508 = vector.broadcast %add3A_507 : i32 to vector<16xi32>
    %add3A_509 = arith.addi %broadcast_in_dim3A_503, %add3A_508 : vector<16xi32>
    %select_n3A_510 = arith.select %lt3A_506, %add3A_509, %broadcast_in_dim3A_503 : vector<16xi1>, vector<16xi32>
    %reshape3A_511 = vector.shape_cast %select_n3A_510 : vector<16xi32> to vector<16x1xi32>
    %gather3A_512 = vector.shape_cast %reshape3A_511 : vector<16x1xi32> to vector<16xi32>
    %gather3A_513 = tpu.dynamic_gather %get3A_501[%gather3A_512] in [0] : vector<16xi32>, vector<16xi32> -> vector<16xi32>
    %add3A_514 = arith.addi %gather3A_513, %mul3A_5 : vector<16xi32>
    %swap3A_515 = arith.constant 400 : index
    %swap3A_516 = tpu.vector_load %arg6[%swap3A_515] {strides = array<i32>} : memref<512xi32, #tpu.memory_space<vmem>>, vector<16xi32>,
    %swap3A_517 = vector.shape_cast %swap3A_516 : vector<16xi32> to vector<16xi32>
    %swap3A_518 = vector.shape_cast %add3A_514 : vector<16xi32> to vector<16xi32>
    tpu.vector_store %arg6[%swap3A_515], %swap3A_518 {strides = array<i32>} : memref<512xi32, #tpu.memory_space<vmem>>, vector<16xi32>,
    %get3A_519 = arith.constant 16 : index
    %get3A_520 = tpu.vector_load %arg5[%get3A_519] {strides = array<i32>} : memref<32xi32, #tpu.memory_space<vmem>>, vector<16xi32>,
    %get3A_521 = vector.shape_cast %get3A_520 : vector<16xi32> to vector<16xi32>
    %broadcast_in_dim3A_522 = arith.constant 10 : i32
    %broadcast_in_dim3A_523 = vector.broadcast %broadcast_in_dim3A_522 : i32 to vector<16xi32>
    %lt3A_524 = arith.constant 0 : i32
    %lt3A_525 = vector.broadcast %lt3A_524 : i32 to vector<16xi32>
    %lt3A_526 = arith.cmpi slt, %broadcast_in_dim3A_523, %lt3A_525 : vector<16xi32>
    %add3A_527 = arith.constant 16 : i32
    %add3A_528 = vector.broadcast %add3A_527 : i32 to vector<16xi32>
    %add3A_529 = arith.addi %broadcast_in_dim3A_523, %add3A_528 : vector<16xi32>
    %select_n3A_530 = arith.select %lt3A_526, %add3A_529, %broadcast_in_dim3A_523 : vector<16xi1>, vector<16xi32>
    %reshape3A_531 = vector.shape_cast %select_n3A_530 : vector<16xi32> to vector<16x1xi32>
    %gather3A_532 = vector.shape_cast %reshape3A_531 : vector<16x1xi32> to vector<16xi32>
    %gather3A_533 = tpu.dynamic_gather %get3A_521[%gather3A_532] in [0] : vector<16xi32>, vector<16xi32> -> vector<16xi32>
    %add3A_534 = arith.addi %gather3A_533, %mul3A_5 : vector<16xi32>
    %swap3A_535 = arith.constant 416 : index
    %swap3A_536 = tpu.vector_load %arg6[%swap3A_535] {strides = array<i32>} : memref<512xi32, #tpu.memory_space<vmem>>, vector<16xi32>,
    %swap3A_537 = vector.shape_cast %swap3A_536 : vector<16xi32> to vector<16xi32>
    %swap3A_538 = vector.shape_cast %add3A_534 : vector<16xi32> to vector<16xi32>
    tpu.vector_store %arg6[%swap3A_535], %swap3A_538 {strides = array<i32>} : memref<512xi32, #tpu.memory_space<vmem>>, vector<16xi32>,
    %get3A_539 = arith.constant 16 : index
    %get3A_540 = tpu.vector_load %arg5[%get3A_539] {strides = array<i32>} : memref<32xi32, #tpu.memory_space<vmem>>, vector<16xi32>,
    %get3A_541 = vector.shape_cast %get3A_540 : vector<16xi32> to vector<16xi32>
    %broadcast_in_dim3A_542 = arith.constant 11 : i32
    %broadcast_in_dim3A_543 = vector.broadcast %broadcast_in_dim3A_542 : i32 to vector<16xi32>
    %lt3A_544 = arith.constant 0 : i32
    %lt3A_545 = vector.broadcast %lt3A_544 : i32 to vector<16xi32>
    %lt3A_546 = arith.cmpi slt, %broadcast_in_dim3A_543, %lt3A_545 : vector<16xi32>
    %add3A_547 = arith.constant 16 : i32
    %add3A_548 = vector.broadcast %add3A_547 : i32 to vector<16xi32>
    %add3A_549 = arith.addi %broadcast_in_dim3A_543, %add3A_548 : vector<16xi32>
    %select_n3A_550 = arith.select %lt3A_546, %add3A_549, %broadcast_in_dim3A_543 : vector<16xi1>, vector<16xi32>
    %reshape3A_551 = vector.shape_cast %select_n3A_550 : vector<16xi32> to vector<16x1xi32>
    %gather3A_552 = vector.shape_cast %reshape3A_551 : vector<16x1xi32> to vector<16xi32>
    %gather3A_553 = tpu.dynamic_gather %get3A_541[%gather3A_552] in [0] : vector<16xi32>, vector<16xi32> -> vector<16xi32>
    %add3A_554 = arith.addi %gather3A_553, %mul3A_5 : vector<16xi32>
    %swap3A_555 = arith.constant 432 : index
    %swap3A_556 = tpu.vector_load %arg6[%swap3A_555] {strides = array<i32>} : memref<512xi32, #tpu.memory_space<vmem>>, vector<16xi32>,
    %swap3A_557 = vector.shape_cast %swap3A_556 : vector<16xi32> to vector<16xi32>
    %swap3A_558 = vector.shape_cast %add3A_554 : vector<16xi32> to vector<16xi32>
    tpu.vector_store %arg6[%swap3A_555], %swap3A_558 {strides = array<i32>} : memref<512xi32, #tpu.memory_space<vmem>>, vector<16xi32>,
    %get3A_559 = arith.constant 16 : index
    %get3A_560 = tpu.vector_load %arg5[%get3A_559] {strides = array<i32>} : memref<32xi32, #tpu.memory_space<vmem>>, vector<16xi32>,
    %get3A_561 = vector.shape_cast %get3A_560 : vector<16xi32> to vector<16xi32>
    %broadcast_in_dim3A_562 = arith.constant 12 : i32
    %broadcast_in_dim3A_563 = vector.broadcast %broadcast_in_dim3A_562 : i32 to vector<16xi32>
    %lt3A_564 = arith.constant 0 : i32
    %lt3A_565 = vector.broadcast %lt3A_564 : i32 to vector<16xi32>
    %lt3A_566 = arith.cmpi slt, %broadcast_in_dim3A_563, %lt3A_565 : vector<16xi32>
    %add3A_567 = arith.constant 16 : i32
    %add3A_568 = vector.broadcast %add3A_567 : i32 to vector<16xi32>
    %add3A_569 = arith.addi %broadcast_in_dim3A_563, %add3A_568 : vector<16xi32>
    %select_n3A_570 = arith.select %lt3A_566, %add3A_569, %broadcast_in_dim3A_563 : vector<16xi1>, vector<16xi32>
    %reshape3A_571 = vector.shape_cast %select_n3A_570 : vector<16xi32> to vector<16x1xi32>
    %gather3A_572 = vector.shape_cast %reshape3A_571 : vector<16x1xi32> to vector<16xi32>
    %gather3A_573 = tpu.dynamic_gather %get3A_561[%gather3A_572] in [0] : vector<16xi32>, vector<16xi32> -> vector<16xi32>
    %add3A_574 = arith.addi %gather3A_573, %mul3A_5 : vector<16xi32>
    %swap3A_575 = arith.constant 448 : index
    %swap3A_576 = tpu.vector_load %arg6[%swap3A_575] {strides = array<i32>} : memref<512xi32, #tpu.memory_space<vmem>>, vector<16xi32>,
    %swap3A_577 = vector.shape_cast %swap3A_576 : vector<16xi32> to vector<16xi32>
    %swap3A_578 = vector.shape_cast %add3A_574 : vector<16xi32> to vector<16xi32>
    tpu.vector_store %arg6[%swap3A_575], %swap3A_578 {strides = array<i32>} : memref<512xi32, #tpu.memory_space<vmem>>, vector<16xi32>,
    %get3A_579 = arith.constant 16 : index
    %get3A_580 = tpu.vector_load %arg5[%get3A_579] {strides = array<i32>} : memref<32xi32, #tpu.memory_space<vmem>>, vector<16xi32>,
    %get3A_581 = vector.shape_cast %get3A_580 : vector<16xi32> to vector<16xi32>
    %broadcast_in_dim3A_582 = arith.constant 13 : i32
    %broadcast_in_dim3A_583 = vector.broadcast %broadcast_in_dim3A_582 : i32 to vector<16xi32>
    %lt3A_584 = arith.constant 0 : i32
    %lt3A_585 = vector.broadcast %lt3A_584 : i32 to vector<16xi32>
    %lt3A_586 = arith.cmpi slt, %broadcast_in_dim3A_583, %lt3A_585 : vector<16xi32>
    %add3A_587 = arith.constant 16 : i32
    %add3A_588 = vector.broadcast %add3A_587 : i32 to vector<16xi32>
    %add3A_589 = arith.addi %broadcast_in_dim3A_583, %add3A_588 : vector<16xi32>
    %select_n3A_590 = arith.select %lt3A_586, %add3A_589, %broadcast_in_dim3A_583 : vector<16xi1>, vector<16xi32>
    %reshape3A_591 = vector.shape_cast %select_n3A_590 : vector<16xi32> to vector<16x1xi32>
    %gather3A_592 = vector.shape_cast %reshape3A_591 : vector<16x1xi32> to vector<16xi32>
    %gather3A_593 = tpu.dynamic_gather %get3A_581[%gather3A_592] in [0] : vector<16xi32>, vector<16xi32> -> vector<16xi32>
    %add3A_594 = arith.addi %gather3A_593, %mul3A_5 : vector<16xi32>
    %swap3A_595 = arith.constant 464 : index
    %swap3A_596 = tpu.vector_load %arg6[%swap3A_595] {strides = array<i32>} : memref<512xi32, #tpu.memory_space<vmem>>, vector<16xi32>,
    %swap3A_597 = vector.shape_cast %swap3A_596 : vector<16xi32> to vector<16xi32>
    %swap3A_598 = vector.shape_cast %add3A_594 : vector<16xi32> to vector<16xi32>
    tpu.vector_store %arg6[%swap3A_595], %swap3A_598 {strides = array<i32>} : memref<512xi32, #tpu.memory_space<vmem>>, vector<16xi32>,
    %get3A_599 = arith.constant 16 : index
    %get3A_600 = tpu.vector_load %arg5[%get3A_599] {strides = array<i32>} : memref<32xi32, #tpu.memory_space<vmem>>, vector<16xi32>,
    %get3A_601 = vector.shape_cast %get3A_600 : vector<16xi32> to vector<16xi32>
    %broadcast_in_dim3A_602 = arith.constant 14 : i32
    %broadcast_in_dim3A_603 = vector.broadcast %broadcast_in_dim3A_602 : i32 to vector<16xi32>
    %lt3A_604 = arith.constant 0 : i32
    %lt3A_605 = vector.broadcast %lt3A_604 : i32 to vector<16xi32>
    %lt3A_606 = arith.cmpi slt, %broadcast_in_dim3A_603, %lt3A_605 : vector<16xi32>
    %add3A_607 = arith.constant 16 : i32
    %add3A_608 = vector.broadcast %add3A_607 : i32 to vector<16xi32>
    %add3A_609 = arith.addi %broadcast_in_dim3A_603, %add3A_608 : vector<16xi32>
    %select_n3A_610 = arith.select %lt3A_606, %add3A_609, %broadcast_in_dim3A_603 : vector<16xi1>, vector<16xi32>
    %reshape3A_611 = vector.shape_cast %select_n3A_610 : vector<16xi32> to vector<16x1xi32>
    %gather3A_612 = vector.shape_cast %reshape3A_611 : vector<16x1xi32> to vector<16xi32>
    %gather3A_613 = tpu.dynamic_gather %get3A_601[%gather3A_612] in [0] : vector<16xi32>, vector<16xi32> -> vector<16xi32>
    %add3A_614 = arith.addi %gather3A_613, %mul3A_5 : vector<16xi32>
    %swap3A_615 = arith.constant 480 : index
    %swap3A_616 = tpu.vector_load %arg6[%swap3A_615] {strides = array<i32>} : memref<512xi32, #tpu.memory_space<vmem>>, vector<16xi32>,
    %swap3A_617 = vector.shape_cast %swap3A_616 : vector<16xi32> to vector<16xi32>
    %swap3A_618 = vector.shape_cast %add3A_614 : vector<16xi32> to vector<16xi32>
    tpu.vector_store %arg6[%swap3A_615], %swap3A_618 {strides = array<i32>} : memref<512xi32, #tpu.memory_space<vmem>>, vector<16xi32>,
    %get3A_619 = arith.constant 16 : index
    %get3A_620 = tpu.vector_load %arg5[%get3A_619] {strides = array<i32>} : memref<32xi32, #tpu.memory_space<vmem>>, vector<16xi32>,
    %get3A_621 = vector.shape_cast %get3A_620 : vector<16xi32> to vector<16xi32>
    %broadcast_in_dim3A_622 = arith.constant 15 : i32
    %broadcast_in_dim3A_623 = vector.broadcast %broadcast_in_dim3A_622 : i32 to vector<16xi32>
    %lt3A_624 = arith.constant 0 : i32
    %lt3A_625 = vector.broadcast %lt3A_624 : i32 to vector<16xi32>
    %lt3A_626 = arith.cmpi slt, %broadcast_in_dim3A_623, %lt3A_625 : vector<16xi32>
    %add3A_627 = arith.constant 16 : i32
    %add3A_628 = vector.broadcast %add3A_627 : i32 to vector<16xi32>
    %add3A_629 = arith.addi %broadcast_in_dim3A_623, %add3A_628 : vector<16xi32>
    %select_n3A_630 = arith.select %lt3A_626, %add3A_629, %broadcast_in_dim3A_623 : vector<16xi1>, vector<16xi32>
    %reshape3A_631 = vector.shape_cast %select_n3A_630 : vector<16xi32> to vector<16x1xi32>
    %gather3A_632 = vector.shape_cast %reshape3A_631 : vector<16x1xi32> to vector<16xi32>
    %gather3A_633 = tpu.dynamic_gather %get3A_621[%gather3A_632] in [0] : vector<16xi32>, vector<16xi32> -> vector<16xi32>
    %add3A_634 = arith.addi %gather3A_633, %mul3A_5 : vector<16xi32>
    %swap3A_635 = arith.constant 496 : index
    %swap3A_636 = tpu.vector_load %arg6[%swap3A_635] {strides = array<i32>} : memref<512xi32, #tpu.memory_space<vmem>>, vector<16xi32>,
    %swap3A_637 = vector.shape_cast %swap3A_636 : vector<16xi32> to vector<16xi32>
    %swap3A_638 = vector.shape_cast %add3A_634 : vector<16xi32> to vector<16xi32>
    tpu.vector_store %arg6[%swap3A_635], %swap3A_638 {strides = array<i32>} : memref<512xi32, #tpu.memory_space<vmem>>, vector<16xi32>,
    %dma_start3A = arith.constant 0 : i32
    %dma_start3A_639 = tpu.memref_slice %arg7[%dma_start3A] : memref<512xf32, #tpu.memory_space<vmem>> -> memref<128xf32, #tpu.memory_space<vmem>>
    %dma_start3A_640 = arith.constant 0 : i32
    %dma_start3A_641 = tpu.memref_slice %arg6[%dma_start3A_640] : memref<512xi32, #tpu.memory_space<vmem>> -> memref<128xi32, #tpu.memory_space<vmem>>
    %dma_start3A_642 = arith.constant 0 : i32
    %dma_start3A_643 = tpu.memref_slice %arg3[%dma_start3A_642] : memref<1600000xf32, #tpu.memory_space<hbm>> -> memref<1600000xf32, #tpu.memory_space<hbm>>
    tpu.enqueue_indirect_dma source(%dma_start3A_643 : memref<1600000xf32, #tpu.memory_space<hbm>>) target(%dma_start3A_639 : memref<128xf32, #tpu.memory_space<vmem>>) offsets(%dma_start3A_641 : memref<128xi32, #tpu.memory_space<vmem>>) semaphore(%arg8 : memref<!tpu.dma_semaphore, #tpu.memory_space<semaphore_mem>>)
    %dma_start3A_644 = arith.constant 128 : i32
    %dma_start3A_645 = tpu.memref_slice %arg7[%dma_start3A_644] : memref<512xf32, #tpu.memory_space<vmem>> -> memref<128xf32, #tpu.memory_space<vmem>>
    %dma_start3A_646 = arith.constant 128 : i32
    %dma_start3A_647 = tpu.memref_slice %arg6[%dma_start3A_646] : memref<512xi32, #tpu.memory_space<vmem>> -> memref<128xi32, #tpu.memory_space<vmem>>
    %dma_start3A_648 = arith.constant 0 : i32
    %dma_start3A_649 = tpu.memref_slice %arg3[%dma_start3A_648] : memref<1600000xf32, #tpu.memory_space<hbm>> -> memref<1600000xf32, #tpu.memory_space<hbm>>
    tpu.enqueue_indirect_dma source(%dma_start3A_649 : memref<1600000xf32, #tpu.memory_space<hbm>>) target(%dma_start3A_645 : memref<128xf32, #tpu.memory_space<vmem>>) offsets(%dma_start3A_647 : memref<128xi32, #tpu.memory_space<vmem>>) semaphore(%arg8 : memref<!tpu.dma_semaphore, #tpu.memory_space<semaphore_mem>>)
    %dma_start3A_650 = arith.constant 256 : i32
    %dma_start3A_651 = tpu.memref_slice %arg7[%dma_start3A_650] : memref<512xf32, #tpu.memory_space<vmem>> -> memref<128xf32, #tpu.memory_space<vmem>>
    %dma_start3A_652 = arith.constant 256 : i32
    %dma_start3A_653 = tpu.memref_slice %arg6[%dma_start3A_652] : memref<512xi32, #tpu.memory_space<vmem>> -> memref<128xi32, #tpu.memory_space<vmem>>
    %dma_start3A_654 = arith.constant 0 : i32
    %dma_start3A_655 = tpu.memref_slice %arg3[%dma_start3A_654] : memref<1600000xf32, #tpu.memory_space<hbm>> -> memref<1600000xf32, #tpu.memory_space<hbm>>
    tpu.enqueue_indirect_dma source(%dma_start3A_655 : memref<1600000xf32, #tpu.memory_space<hbm>>) target(%dma_start3A_651 : memref<128xf32, #tpu.memory_space<vmem>>) offsets(%dma_start3A_653 : memref<128xi32, #tpu.memory_space<vmem>>) semaphore(%arg8 : memref<!tpu.dma_semaphore, #tpu.memory_space<semaphore_mem>>)
    %dma_start3A_656 = arith.constant 384 : i32
    %dma_start3A_657 = tpu.memref_slice %arg7[%dma_start3A_656] : memref<512xf32, #tpu.memory_space<vmem>> -> memref<128xf32, #tpu.memory_space<vmem>>
    %dma_start3A_658 = arith.constant 384 : i32
    %dma_start3A_659 = tpu.memref_slice %arg6[%dma_start3A_658] : memref<512xi32, #tpu.memory_space<vmem>> -> memref<128xi32, #tpu.memory_space<vmem>>
    %dma_start3A_660 = arith.constant 0 : i32
    %dma_start3A_661 = tpu.memref_slice %arg3[%dma_start3A_660] : memref<1600000xf32, #tpu.memory_space<hbm>> -> memref<1600000xf32, #tpu.memory_space<hbm>>
    tpu.enqueue_indirect_dma source(%dma_start3A_661 : memref<1600000xf32, #tpu.memory_space<hbm>>) target(%dma_start3A_657 : memref<128xf32, #tpu.memory_space<vmem>>) offsets(%dma_start3A_659 : memref<128xi32, #tpu.memory_space<vmem>>) semaphore(%arg8 : memref<!tpu.dma_semaphore, #tpu.memory_space<semaphore_mem>>)
    %dma_wait3A = arith.constant 0 : i32
    %dma_wait3A_662 = tpu.memref_slice %arg7[%dma_wait3A] : memref<512xf32, #tpu.memory_space<vmem>> -> memref<128xf32, #tpu.memory_space<vmem>>
    %dma_wait3A_663 = arith.constant 0 : i32
    %dma_wait3A_664 = tpu.memref_slice %arg6[%dma_wait3A_663] : memref<512xi32, #tpu.memory_space<vmem>> -> memref<128xi32, #tpu.memory_space<vmem>>
    %dma_wait3A_665 = arith.constant 0 : i32
    %dma_wait3A_666 = tpu.memref_slice %arg3[%dma_wait3A_665] : memref<1600000xf32, #tpu.memory_space<hbm>> -> memref<1600000xf32, #tpu.memory_space<hbm>>
    tpu.wait_indirect_dma semaphore(%arg8 : memref<!tpu.dma_semaphore, #tpu.memory_space<semaphore_mem>>) src(%dma_wait3A_666 : memref<1600000xf32, #tpu.memory_space<hbm>>) dst(%dma_wait3A_662 : memref<128xf32, #tpu.memory_space<vmem>>)
    %dma_wait3A_667 = arith.constant 128 : i32
    %dma_wait3A_668 = tpu.memref_slice %arg7[%dma_wait3A_667] : memref<512xf32, #tpu.memory_space<vmem>> -> memref<128xf32, #tpu.memory_space<vmem>>
    %dma_wait3A_669 = arith.constant 128 : i32
    %dma_wait3A_670 = tpu.memref_slice %arg6[%dma_wait3A_669] : memref<512xi32, #tpu.memory_space<vmem>> -> memref<128xi32, #tpu.memory_space<vmem>>
    %dma_wait3A_671 = arith.constant 0 : i32
    %dma_wait3A_672 = tpu.memref_slice %arg3[%dma_wait3A_671] : memref<1600000xf32, #tpu.memory_space<hbm>> -> memref<1600000xf32, #tpu.memory_space<hbm>>
    tpu.wait_indirect_dma semaphore(%arg8 : memref<!tpu.dma_semaphore, #tpu.memory_space<semaphore_mem>>) src(%dma_wait3A_672 : memref<1600000xf32, #tpu.memory_space<hbm>>) dst(%dma_wait3A_668 : memref<128xf32, #tpu.memory_space<vmem>>)
    %dma_wait3A_673 = arith.constant 256 : i32
    %dma_wait3A_674 = tpu.memref_slice %arg7[%dma_wait3A_673] : memref<512xf32, #tpu.memory_space<vmem>> -> memref<128xf32, #tpu.memory_space<vmem>>
    %dma_wait3A_675 = arith.constant 256 : i32
    %dma_wait3A_676 = tpu.memref_slice %arg6[%dma_wait3A_675] : memref<512xi32, #tpu.memory_space<vmem>> -> memref<128xi32, #tpu.memory_space<vmem>>
    %dma_wait3A_677 = arith.constant 0 : i32
    %dma_wait3A_678 = tpu.memref_slice %arg3[%dma_wait3A_677] : memref<1600000xf32, #tpu.memory_space<hbm>> -> memref<1600000xf32, #tpu.memory_space<hbm>>
    tpu.wait_indirect_dma semaphore(%arg8 : memref<!tpu.dma_semaphore, #tpu.memory_space<semaphore_mem>>) src(%dma_wait3A_678 : memref<1600000xf32, #tpu.memory_space<hbm>>) dst(%dma_wait3A_674 : memref<128xf32, #tpu.memory_space<vmem>>)
    %dma_wait3A_679 = arith.constant 384 : i32
    %dma_wait3A_680 = tpu.memref_slice %arg7[%dma_wait3A_679] : memref<512xf32, #tpu.memory_space<vmem>> -> memref<128xf32, #tpu.memory_space<vmem>>
    %dma_wait3A_681 = arith.constant 384 : i32
    %dma_wait3A_682 = tpu.memref_slice %arg6[%dma_wait3A_681] : memref<512xi32, #tpu.memory_space<vmem>> -> memref<128xi32, #tpu.memory_space<vmem>>
    %dma_wait3A_683 = arith.constant 0 : i32
    %dma_wait3A_684 = tpu.memref_slice %arg3[%dma_wait3A_683] : memref<1600000xf32, #tpu.memory_space<hbm>> -> memref<1600000xf32, #tpu.memory_space<hbm>>
    tpu.wait_indirect_dma semaphore(%arg8 : memref<!tpu.dma_semaphore, #tpu.memory_space<semaphore_mem>>) src(%dma_wait3A_684 : memref<1600000xf32, #tpu.memory_space<hbm>>) dst(%dma_wait3A_680 : memref<128xf32, #tpu.memory_space<vmem>>)
    %mul3A_685 = arith.constant 16 : i32
    %mul3A_686 = arith.muli %mul3A_2, %mul3A_685 : i32
    "tpu.region"() ({
      %run_scoped3A = tpu.sem_alloc : memref<!tpu.dma_semaphore, #tpu.memory_space<semaphore_mem>>
      %dma_start3A_687 = tpu.memref_slice %arg4[%mul3A_686] : memref<16384xf32, #tpu.memory_space<hbm>> -> memref<512xf32, #tpu.memory_space<hbm>>
      %dma_start3A_688 = tpu.memref_slice %arg4[%mul3A_686] : memref<16384xf32, #tpu.memory_space<hbm>> -> memref<512xf32, #tpu.memory_space<hbm>>
      tpu.enqueue_dma source(%arg7 : memref<512xf32, #tpu.memory_space<vmem>>) target(%dma_start3A_688 : memref<512xf32, #tpu.memory_space<hbm>>) target_semaphore(%run_scoped3A : memref<!tpu.dma_semaphore, #tpu.memory_space<semaphore_mem>>)
      %dma_wait3A_689 = tpu.memref_slice %arg4[%mul3A_686] : memref<16384xf32, #tpu.memory_space<hbm>> -> memref<512xf32, #tpu.memory_space<hbm>>
      %dma_wait3A_690 = tpu.memref_slice %arg4[%mul3A_686] : memref<16384xf32, #tpu.memory_space<hbm>> -> memref<512xf32, #tpu.memory_space<hbm>>
      tpu.wait_dma2 semaphore(%run_scoped3A : memref<!tpu.dma_semaphore, #tpu.memory_space<semaphore_mem>>) src(%arg7 : memref<512xf32, #tpu.memory_space<vmem>>) dst(%dma_wait3A_690 : memref<512xf32, #tpu.memory_space<hbm>>)
      tpu.yield
    }) : () -> ()
    return
  }
}

#map = affine_map<(d0, d1) -> (0)>
module attributes {stable_mosaic.version = 14 : i64} {
  func.func @_emb_body(%arg0: i32, %arg1: i32, %arg2: memref<1024xi32, #tpu.memory_space<hbm>>, %arg3: memref<1600000xf32, #tpu.memory_space<hbm>>, %arg4: memref<16384xf32, #tpu.memory_space<hbm>>, %arg5: memref<32xi32, #tpu.memory_space<vmem>>, %arg6: memref<512xi32, #tpu.memory_space<vmem>>, %arg7: memref<512xf32, #tpu.memory_space<vmem>>, %arg8: memref<!tpu.dma_semaphore, #tpu.memory_space<semaphore_mem>>) attributes {dimension_semantics = [#tpu.dimension_semantics<core_parallel>, #tpu.dimension_semantics<subcore_parallel>], iteration_bounds = array<i64: 2, 16>, scalar_prefetch = 0 : i64, scratch_operands = 4 : i64, tpu.core_type = #tpu.core_type<sc_vector_subcore>, window_params = [{transform_indices = #map}, {transform_indices = #map}, {transform_indices = #map}]} {
    %mul3A = arith.constant 2 : i32
    %mul3A_0 = arith.muli %arg1, %mul3A : i32
    %add3A = arith.addi %mul3A_0, %arg0 : i32
    %mul3A_1 = arith.constant 32 : i32
    %mul3A_2 = arith.muli %add3A, %mul3A_1 : i32
    "tpu.region"() ({
      %run_scoped3A = tpu.sem_alloc : memref<!tpu.dma_semaphore, #tpu.memory_space<semaphore_mem>>
      %dma_start3A_687 = tpu.memref_slice %arg2[%mul3A_2] : memref<1024xi32, #tpu.memory_space<hbm>> -> memref<32xi32, #tpu.memory_space<hbm>>
      %dma_start3A_688 = tpu.memref_slice %arg2[%mul3A_2] : memref<1024xi32, #tpu.memory_space<hbm>> -> memref<32xi32, #tpu.memory_space<hbm>>
      tpu.enqueue_dma source(%dma_start3A_688 : memref<32xi32, #tpu.memory_space<hbm>>) target(%arg5 : memref<32xi32, #tpu.memory_space<vmem>>) target_semaphore(%run_scoped3A : memref<!tpu.dma_semaphore, #tpu.memory_space<semaphore_mem>>)
      %dma_wait3A_689 = tpu.memref_slice %arg2[%mul3A_2] : memref<1024xi32, #tpu.memory_space<hbm>> -> memref<32xi32, #tpu.memory_space<hbm>>
      %dma_wait3A_690 = tpu.memref_slice %arg2[%mul3A_2] : memref<1024xi32, #tpu.memory_space<hbm>> -> memref<32xi32, #tpu.memory_space<hbm>>
      tpu.wait_dma2 semaphore(%run_scoped3A : memref<!tpu.dma_semaphore, #tpu.memory_space<semaphore_mem>>) src(%dma_wait3A_690 : memref<32xi32, #tpu.memory_space<hbm>>) dst(%arg5 : memref<32xi32, #tpu.memory_space<vmem>>)
      tpu.yield
    }) : () -> ()
    %iota3A = tpu.iota {dimensions = array<i32: 0>} : vector<16xi32>
    %mul3A_3 = arith.constant 100000 : i32
    %mul3A_4 = vector.broadcast %mul3A_3 : i32 to vector<16xi32>
    %mul3A_5 = arith.muli %iota3A, %mul3A_4 : vector<16xi32>
    %get3A = arith.constant 0 : index
    %get3A_6 = tpu.vector_load %arg5[%get3A] {strides = array<i32>} : memref<32xi32, #tpu.memory_space<vmem>>, vector<16xi32>,
    %get3A_7 = vector.shape_cast %get3A_6 : vector<16xi32> to vector<16xi32>
    %broadcast_in_dim3A = arith.constant 0 : i32
    %broadcast_in_dim3A_8 = vector.broadcast %broadcast_in_dim3A : i32 to vector<16xi32>
    %lt3A = arith.constant 0 : i32
    %lt3A_9 = vector.broadcast %lt3A : i32 to vector<16xi32>
    %lt3A_10 = arith.cmpi slt, %broadcast_in_dim3A_8, %lt3A_9 : vector<16xi32>
    %add3A_11 = arith.constant 16 : i32
    %add3A_12 = vector.broadcast %add3A_11 : i32 to vector<16xi32>
    %add3A_13 = arith.addi %broadcast_in_dim3A_8, %add3A_12 : vector<16xi32>
    %select_n3A = arith.select %lt3A_10, %add3A_13, %broadcast_in_dim3A_8 : vector<16xi1>, vector<16xi32>
    %reshape3A = vector.shape_cast %select_n3A : vector<16xi32> to vector<16x1xi32>
    %gather3A = vector.shape_cast %reshape3A : vector<16x1xi32> to vector<16xi32>
    %gather3A_14 = tpu.dynamic_gather %get3A_7[%gather3A] in [0] : vector<16xi32>, vector<16xi32> -> vector<16xi32>
    %add3A_15 = arith.addi %gather3A_14, %mul3A_5 : vector<16xi32>
    %swap3A = arith.constant 0 : index
    %swap3A_16 = tpu.vector_load %arg6[%swap3A] {strides = array<i32>} : memref<512xi32, #tpu.memory_space<vmem>>, vector<16xi32>,
    %swap3A_17 = vector.shape_cast %swap3A_16 : vector<16xi32> to vector<16xi32>
    %swap3A_18 = vector.shape_cast %add3A_15 : vector<16xi32> to vector<16xi32>
    tpu.vector_store %arg6[%swap3A], %swap3A_18 {strides = array<i32>} : memref<512xi32, #tpu.memory_space<vmem>>, vector<16xi32>,
    %get3A_19 = arith.constant 0 : index
    %get3A_20 = tpu.vector_load %arg5[%get3A_19] {strides = array<i32>} : memref<32xi32, #tpu.memory_space<vmem>>, vector<16xi32>,
    %get3A_21 = vector.shape_cast %get3A_20 : vector<16xi32> to vector<16xi32>
    %broadcast_in_dim3A_22 = arith.constant 1 : i32
    %broadcast_in_dim3A_23 = vector.broadcast %broadcast_in_dim3A_22 : i32 to vector<16xi32>
    %lt3A_24 = arith.constant 0 : i32
    %lt3A_25 = vector.broadcast %lt3A_24 : i32 to vector<16xi32>
    %lt3A_26 = arith.cmpi slt, %broadcast_in_dim3A_23, %lt3A_25 : vector<16xi32>
    %add3A_27 = arith.constant 16 : i32
    %add3A_28 = vector.broadcast %add3A_27 : i32 to vector<16xi32>
    %add3A_29 = arith.addi %broadcast_in_dim3A_23, %add3A_28 : vector<16xi32>
    %select_n3A_30 = arith.select %lt3A_26, %add3A_29, %broadcast_in_dim3A_23 : vector<16xi1>, vector<16xi32>
    %reshape3A_31 = vector.shape_cast %select_n3A_30 : vector<16xi32> to vector<16x1xi32>
    %gather3A_32 = vector.shape_cast %reshape3A_31 : vector<16x1xi32> to vector<16xi32>
    %gather3A_33 = tpu.dynamic_gather %get3A_21[%gather3A_32] in [0] : vector<16xi32>, vector<16xi32> -> vector<16xi32>
    %add3A_34 = arith.addi %gather3A_33, %mul3A_5 : vector<16xi32>
    %swap3A_35 = arith.constant 16 : index
    %swap3A_36 = tpu.vector_load %arg6[%swap3A_35] {strides = array<i32>} : memref<512xi32, #tpu.memory_space<vmem>>, vector<16xi32>,
    %swap3A_37 = vector.shape_cast %swap3A_36 : vector<16xi32> to vector<16xi32>
    %swap3A_38 = vector.shape_cast %add3A_34 : vector<16xi32> to vector<16xi32>
    tpu.vector_store %arg6[%swap3A_35], %swap3A_38 {strides = array<i32>} : memref<512xi32, #tpu.memory_space<vmem>>, vector<16xi32>,
    %get3A_39 = arith.constant 0 : index
    %get3A_40 = tpu.vector_load %arg5[%get3A_39] {strides = array<i32>} : memref<32xi32, #tpu.memory_space<vmem>>, vector<16xi32>,
    %get3A_41 = vector.shape_cast %get3A_40 : vector<16xi32> to vector<16xi32>
    %broadcast_in_dim3A_42 = arith.constant 2 : i32
    %broadcast_in_dim3A_43 = vector.broadcast %broadcast_in_dim3A_42 : i32 to vector<16xi32>
    %lt3A_44 = arith.constant 0 : i32
    %lt3A_45 = vector.broadcast %lt3A_44 : i32 to vector<16xi32>
    %lt3A_46 = arith.cmpi slt, %broadcast_in_dim3A_43, %lt3A_45 : vector<16xi32>
    %add3A_47 = arith.constant 16 : i32
    %add3A_48 = vector.broadcast %add3A_47 : i32 to vector<16xi32>
    %add3A_49 = arith.addi %broadcast_in_dim3A_43, %add3A_48 : vector<16xi32>
    %select_n3A_50 = arith.select %lt3A_46, %add3A_49, %broadcast_in_dim3A_43 : vector<16xi1>, vector<16xi32>
    %reshape3A_51 = vector.shape_cast %select_n3A_50 : vector<16xi32> to vector<16x1xi32>
    %gather3A_52 = vector.shape_cast %reshape3A_51 : vector<16x1xi32> to vector<16xi32>
    %gather3A_53 = tpu.dynamic_gather %get3A_41[%gather3A_52] in [0] : vector<16xi32>, vector<16xi32> -> vector<16xi32>
    %add3A_54 = arith.addi %gather3A_53, %mul3A_5 : vector<16xi32>
    %swap3A_55 = arith.constant 32 : index
    %swap3A_56 = tpu.vector_load %arg6[%swap3A_55] {strides = array<i32>} : memref<512xi32, #tpu.memory_space<vmem>>, vector<16xi32>,
    %swap3A_57 = vector.shape_cast %swap3A_56 : vector<16xi32> to vector<16xi32>
    %swap3A_58 = vector.shape_cast %add3A_54 : vector<16xi32> to vector<16xi32>
    tpu.vector_store %arg6[%swap3A_55], %swap3A_58 {strides = array<i32>} : memref<512xi32, #tpu.memory_space<vmem>>, vector<16xi32>,
    %get3A_59 = arith.constant 0 : index
    %get3A_60 = tpu.vector_load %arg5[%get3A_59] {strides = array<i32>} : memref<32xi32, #tpu.memory_space<vmem>>, vector<16xi32>,
    %get3A_61 = vector.shape_cast %get3A_60 : vector<16xi32> to vector<16xi32>
    %broadcast_in_dim3A_62 = arith.constant 3 : i32
    %broadcast_in_dim3A_63 = vector.broadcast %broadcast_in_dim3A_62 : i32 to vector<16xi32>
    %lt3A_64 = arith.constant 0 : i32
    %lt3A_65 = vector.broadcast %lt3A_64 : i32 to vector<16xi32>
    %lt3A_66 = arith.cmpi slt, %broadcast_in_dim3A_63, %lt3A_65 : vector<16xi32>
    %add3A_67 = arith.constant 16 : i32
    %add3A_68 = vector.broadcast %add3A_67 : i32 to vector<16xi32>
    %add3A_69 = arith.addi %broadcast_in_dim3A_63, %add3A_68 : vector<16xi32>
    %select_n3A_70 = arith.select %lt3A_66, %add3A_69, %broadcast_in_dim3A_63 : vector<16xi1>, vector<16xi32>
    %reshape3A_71 = vector.shape_cast %select_n3A_70 : vector<16xi32> to vector<16x1xi32>
    %gather3A_72 = vector.shape_cast %reshape3A_71 : vector<16x1xi32> to vector<16xi32>
    %gather3A_73 = tpu.dynamic_gather %get3A_61[%gather3A_72] in [0] : vector<16xi32>, vector<16xi32> -> vector<16xi32>
    %add3A_74 = arith.addi %gather3A_73, %mul3A_5 : vector<16xi32>
    %swap3A_75 = arith.constant 48 : index
    %swap3A_76 = tpu.vector_load %arg6[%swap3A_75] {strides = array<i32>} : memref<512xi32, #tpu.memory_space<vmem>>, vector<16xi32>,
    %swap3A_77 = vector.shape_cast %swap3A_76 : vector<16xi32> to vector<16xi32>
    %swap3A_78 = vector.shape_cast %add3A_74 : vector<16xi32> to vector<16xi32>
    tpu.vector_store %arg6[%swap3A_75], %swap3A_78 {strides = array<i32>} : memref<512xi32, #tpu.memory_space<vmem>>, vector<16xi32>,
    %get3A_79 = arith.constant 0 : index
    %get3A_80 = tpu.vector_load %arg5[%get3A_79] {strides = array<i32>} : memref<32xi32, #tpu.memory_space<vmem>>, vector<16xi32>,
    %get3A_81 = vector.shape_cast %get3A_80 : vector<16xi32> to vector<16xi32>
    %broadcast_in_dim3A_82 = arith.constant 4 : i32
    %broadcast_in_dim3A_83 = vector.broadcast %broadcast_in_dim3A_82 : i32 to vector<16xi32>
    %lt3A_84 = arith.constant 0 : i32
    %lt3A_85 = vector.broadcast %lt3A_84 : i32 to vector<16xi32>
    %lt3A_86 = arith.cmpi slt, %broadcast_in_dim3A_83, %lt3A_85 : vector<16xi32>
    %add3A_87 = arith.constant 16 : i32
    %add3A_88 = vector.broadcast %add3A_87 : i32 to vector<16xi32>
    %add3A_89 = arith.addi %broadcast_in_dim3A_83, %add3A_88 : vector<16xi32>
    %select_n3A_90 = arith.select %lt3A_86, %add3A_89, %broadcast_in_dim3A_83 : vector<16xi1>, vector<16xi32>
    %reshape3A_91 = vector.shape_cast %select_n3A_90 : vector<16xi32> to vector<16x1xi32>
    %gather3A_92 = vector.shape_cast %reshape3A_91 : vector<16x1xi32> to vector<16xi32>
    %gather3A_93 = tpu.dynamic_gather %get3A_81[%gather3A_92] in [0] : vector<16xi32>, vector<16xi32> -> vector<16xi32>
    %add3A_94 = arith.addi %gather3A_93, %mul3A_5 : vector<16xi32>
    %swap3A_95 = arith.constant 64 : index
    %swap3A_96 = tpu.vector_load %arg6[%swap3A_95] {strides = array<i32>} : memref<512xi32, #tpu.memory_space<vmem>>, vector<16xi32>,
    %swap3A_97 = vector.shape_cast %swap3A_96 : vector<16xi32> to vector<16xi32>
    %swap3A_98 = vector.shape_cast %add3A_94 : vector<16xi32> to vector<16xi32>
    tpu.vector_store %arg6[%swap3A_95], %swap3A_98 {strides = array<i32>} : memref<512xi32, #tpu.memory_space<vmem>>, vector<16xi32>,
    %get3A_99 = arith.constant 0 : index
    %get3A_100 = tpu.vector_load %arg5[%get3A_99] {strides = array<i32>} : memref<32xi32, #tpu.memory_space<vmem>>, vector<16xi32>,
    %get3A_101 = vector.shape_cast %get3A_100 : vector<16xi32> to vector<16xi32>
    %broadcast_in_dim3A_102 = arith.constant 5 : i32
    %broadcast_in_dim3A_103 = vector.broadcast %broadcast_in_dim3A_102 : i32 to vector<16xi32>
    %lt3A_104 = arith.constant 0 : i32
    %lt3A_105 = vector.broadcast %lt3A_104 : i32 to vector<16xi32>
    %lt3A_106 = arith.cmpi slt, %broadcast_in_dim3A_103, %lt3A_105 : vector<16xi32>
    %add3A_107 = arith.constant 16 : i32
    %add3A_108 = vector.broadcast %add3A_107 : i32 to vector<16xi32>
    %add3A_109 = arith.addi %broadcast_in_dim3A_103, %add3A_108 : vector<16xi32>
    %select_n3A_110 = arith.select %lt3A_106, %add3A_109, %broadcast_in_dim3A_103 : vector<16xi1>, vector<16xi32>
    %reshape3A_111 = vector.shape_cast %select_n3A_110 : vector<16xi32> to vector<16x1xi32>
    %gather3A_112 = vector.shape_cast %reshape3A_111 : vector<16x1xi32> to vector<16xi32>
    %gather3A_113 = tpu.dynamic_gather %get3A_101[%gather3A_112] in [0] : vector<16xi32>, vector<16xi32> -> vector<16xi32>
    %add3A_114 = arith.addi %gather3A_113, %mul3A_5 : vector<16xi32>
    %swap3A_115 = arith.constant 80 : index
    %swap3A_116 = tpu.vector_load %arg6[%swap3A_115] {strides = array<i32>} : memref<512xi32, #tpu.memory_space<vmem>>, vector<16xi32>,
    %swap3A_117 = vector.shape_cast %swap3A_116 : vector<16xi32> to vector<16xi32>
    %swap3A_118 = vector.shape_cast %add3A_114 : vector<16xi32> to vector<16xi32>
    tpu.vector_store %arg6[%swap3A_115], %swap3A_118 {strides = array<i32>} : memref<512xi32, #tpu.memory_space<vmem>>, vector<16xi32>,
    %get3A_119 = arith.constant 0 : index
    %get3A_120 = tpu.vector_load %arg5[%get3A_119] {strides = array<i32>} : memref<32xi32, #tpu.memory_space<vmem>>, vector<16xi32>,
    %get3A_121 = vector.shape_cast %get3A_120 : vector<16xi32> to vector<16xi32>
    %broadcast_in_dim3A_122 = arith.constant 6 : i32
    %broadcast_in_dim3A_123 = vector.broadcast %broadcast_in_dim3A_122 : i32 to vector<16xi32>
    %lt3A_124 = arith.constant 0 : i32
    %lt3A_125 = vector.broadcast %lt3A_124 : i32 to vector<16xi32>
    %lt3A_126 = arith.cmpi slt, %broadcast_in_dim3A_123, %lt3A_125 : vector<16xi32>
    %add3A_127 = arith.constant 16 : i32
    %add3A_128 = vector.broadcast %add3A_127 : i32 to vector<16xi32>
    %add3A_129 = arith.addi %broadcast_in_dim3A_123, %add3A_128 : vector<16xi32>
    %select_n3A_130 = arith.select %lt3A_126, %add3A_129, %broadcast_in_dim3A_123 : vector<16xi1>, vector<16xi32>
    %reshape3A_131 = vector.shape_cast %select_n3A_130 : vector<16xi32> to vector<16x1xi32>
    %gather3A_132 = vector.shape_cast %reshape3A_131 : vector<16x1xi32> to vector<16xi32>
    %gather3A_133 = tpu.dynamic_gather %get3A_121[%gather3A_132] in [0] : vector<16xi32>, vector<16xi32> -> vector<16xi32>
    %add3A_134 = arith.addi %gather3A_133, %mul3A_5 : vector<16xi32>
    %swap3A_135 = arith.constant 96 : index
    %swap3A_136 = tpu.vector_load %arg6[%swap3A_135] {strides = array<i32>} : memref<512xi32, #tpu.memory_space<vmem>>, vector<16xi32>,
    %swap3A_137 = vector.shape_cast %swap3A_136 : vector<16xi32> to vector<16xi32>
    %swap3A_138 = vector.shape_cast %add3A_134 : vector<16xi32> to vector<16xi32>
    tpu.vector_store %arg6[%swap3A_135], %swap3A_138 {strides = array<i32>} : memref<512xi32, #tpu.memory_space<vmem>>, vector<16xi32>,
    %get3A_139 = arith.constant 0 : index
    %get3A_140 = tpu.vector_load %arg5[%get3A_139] {strides = array<i32>} : memref<32xi32, #tpu.memory_space<vmem>>, vector<16xi32>,
    %get3A_141 = vector.shape_cast %get3A_140 : vector<16xi32> to vector<16xi32>
    %broadcast_in_dim3A_142 = arith.constant 7 : i32
    %broadcast_in_dim3A_143 = vector.broadcast %broadcast_in_dim3A_142 : i32 to vector<16xi32>
    %lt3A_144 = arith.constant 0 : i32
    %lt3A_145 = vector.broadcast %lt3A_144 : i32 to vector<16xi32>
    %lt3A_146 = arith.cmpi slt, %broadcast_in_dim3A_143, %lt3A_145 : vector<16xi32>
    %add3A_147 = arith.constant 16 : i32
    %add3A_148 = vector.broadcast %add3A_147 : i32 to vector<16xi32>
    %add3A_149 = arith.addi %broadcast_in_dim3A_143, %add3A_148 : vector<16xi32>
    %select_n3A_150 = arith.select %lt3A_146, %add3A_149, %broadcast_in_dim3A_143 : vector<16xi1>, vector<16xi32>
    %reshape3A_151 = vector.shape_cast %select_n3A_150 : vector<16xi32> to vector<16x1xi32>
    %gather3A_152 = vector.shape_cast %reshape3A_151 : vector<16x1xi32> to vector<16xi32>
    %gather3A_153 = tpu.dynamic_gather %get3A_141[%gather3A_152] in [0] : vector<16xi32>, vector<16xi32> -> vector<16xi32>
    %add3A_154 = arith.addi %gather3A_153, %mul3A_5 : vector<16xi32>
    %swap3A_155 = arith.constant 112 : index
    %swap3A_156 = tpu.vector_load %arg6[%swap3A_155] {strides = array<i32>} : memref<512xi32, #tpu.memory_space<vmem>>, vector<16xi32>,
    %swap3A_157 = vector.shape_cast %swap3A_156 : vector<16xi32> to vector<16xi32>
    %swap3A_158 = vector.shape_cast %add3A_154 : vector<16xi32> to vector<16xi32>
    tpu.vector_store %arg6[%swap3A_155], %swap3A_158 {strides = array<i32>} : memref<512xi32, #tpu.memory_space<vmem>>, vector<16xi32>,
    %get3A_159 = arith.constant 0 : index
    %get3A_160 = tpu.vector_load %arg5[%get3A_159] {strides = array<i32>} : memref<32xi32, #tpu.memory_space<vmem>>, vector<16xi32>,
    %get3A_161 = vector.shape_cast %get3A_160 : vector<16xi32> to vector<16xi32>
    %broadcast_in_dim3A_162 = arith.constant 8 : i32
    %broadcast_in_dim3A_163 = vector.broadcast %broadcast_in_dim3A_162 : i32 to vector<16xi32>
    %lt3A_164 = arith.constant 0 : i32
    %lt3A_165 = vector.broadcast %lt3A_164 : i32 to vector<16xi32>
    %lt3A_166 = arith.cmpi slt, %broadcast_in_dim3A_163, %lt3A_165 : vector<16xi32>
    %add3A_167 = arith.constant 16 : i32
    %add3A_168 = vector.broadcast %add3A_167 : i32 to vector<16xi32>
    %add3A_169 = arith.addi %broadcast_in_dim3A_163, %add3A_168 : vector<16xi32>
    %select_n3A_170 = arith.select %lt3A_166, %add3A_169, %broadcast_in_dim3A_163 : vector<16xi1>, vector<16xi32>
    %reshape3A_171 = vector.shape_cast %select_n3A_170 : vector<16xi32> to vector<16x1xi32>
    %gather3A_172 = vector.shape_cast %reshape3A_171 : vector<16x1xi32> to vector<16xi32>
    %gather3A_173 = tpu.dynamic_gather %get3A_161[%gather3A_172] in [0] : vector<16xi32>, vector<16xi32> -> vector<16xi32>
    %add3A_174 = arith.addi %gather3A_173, %mul3A_5 : vector<16xi32>
    %swap3A_175 = arith.constant 128 : index
    %swap3A_176 = tpu.vector_load %arg6[%swap3A_175] {strides = array<i32>} : memref<512xi32, #tpu.memory_space<vmem>>, vector<16xi32>,
    %swap3A_177 = vector.shape_cast %swap3A_176 : vector<16xi32> to vector<16xi32>
    %swap3A_178 = vector.shape_cast %add3A_174 : vector<16xi32> to vector<16xi32>
    tpu.vector_store %arg6[%swap3A_175], %swap3A_178 {strides = array<i32>} : memref<512xi32, #tpu.memory_space<vmem>>, vector<16xi32>,
    %get3A_179 = arith.constant 0 : index
    %get3A_180 = tpu.vector_load %arg5[%get3A_179] {strides = array<i32>} : memref<32xi32, #tpu.memory_space<vmem>>, vector<16xi32>,
    %get3A_181 = vector.shape_cast %get3A_180 : vector<16xi32> to vector<16xi32>
    %broadcast_in_dim3A_182 = arith.constant 9 : i32
    %broadcast_in_dim3A_183 = vector.broadcast %broadcast_in_dim3A_182 : i32 to vector<16xi32>
    %lt3A_184 = arith.constant 0 : i32
    %lt3A_185 = vector.broadcast %lt3A_184 : i32 to vector<16xi32>
    %lt3A_186 = arith.cmpi slt, %broadcast_in_dim3A_183, %lt3A_185 : vector<16xi32>
    %add3A_187 = arith.constant 16 : i32
    %add3A_188 = vector.broadcast %add3A_187 : i32 to vector<16xi32>
    %add3A_189 = arith.addi %broadcast_in_dim3A_183, %add3A_188 : vector<16xi32>
    %select_n3A_190 = arith.select %lt3A_186, %add3A_189, %broadcast_in_dim3A_183 : vector<16xi1>, vector<16xi32>
    %reshape3A_191 = vector.shape_cast %select_n3A_190 : vector<16xi32> to vector<16x1xi32>
    %gather3A_192 = vector.shape_cast %reshape3A_191 : vector<16x1xi32> to vector<16xi32>
    %gather3A_193 = tpu.dynamic_gather %get3A_181[%gather3A_192] in [0] : vector<16xi32>, vector<16xi32> -> vector<16xi32>
    %add3A_194 = arith.addi %gather3A_193, %mul3A_5 : vector<16xi32>
    %swap3A_195 = arith.constant 144 : index
    %swap3A_196 = tpu.vector_load %arg6[%swap3A_195] {strides = array<i32>} : memref<512xi32, #tpu.memory_space<vmem>>, vector<16xi32>,
    %swap3A_197 = vector.shape_cast %swap3A_196 : vector<16xi32> to vector<16xi32>
    %swap3A_198 = vector.shape_cast %add3A_194 : vector<16xi32> to vector<16xi32>
    tpu.vector_store %arg6[%swap3A_195], %swap3A_198 {strides = array<i32>} : memref<512xi32, #tpu.memory_space<vmem>>, vector<16xi32>,
    %get3A_199 = arith.constant 0 : index
    %get3A_200 = tpu.vector_load %arg5[%get3A_199] {strides = array<i32>} : memref<32xi32, #tpu.memory_space<vmem>>, vector<16xi32>,
    %get3A_201 = vector.shape_cast %get3A_200 : vector<16xi32> to vector<16xi32>
    %broadcast_in_dim3A_202 = arith.constant 10 : i32
    %broadcast_in_dim3A_203 = vector.broadcast %broadcast_in_dim3A_202 : i32 to vector<16xi32>
    %lt3A_204 = arith.constant 0 : i32
    %lt3A_205 = vector.broadcast %lt3A_204 : i32 to vector<16xi32>
    %lt3A_206 = arith.cmpi slt, %broadcast_in_dim3A_203, %lt3A_205 : vector<16xi32>
    %add3A_207 = arith.constant 16 : i32
    %add3A_208 = vector.broadcast %add3A_207 : i32 to vector<16xi32>
    %add3A_209 = arith.addi %broadcast_in_dim3A_203, %add3A_208 : vector<16xi32>
    %select_n3A_210 = arith.select %lt3A_206, %add3A_209, %broadcast_in_dim3A_203 : vector<16xi1>, vector<16xi32>
    %reshape3A_211 = vector.shape_cast %select_n3A_210 : vector<16xi32> to vector<16x1xi32>
    %gather3A_212 = vector.shape_cast %reshape3A_211 : vector<16x1xi32> to vector<16xi32>
    %gather3A_213 = tpu.dynamic_gather %get3A_201[%gather3A_212] in [0] : vector<16xi32>, vector<16xi32> -> vector<16xi32>
    %add3A_214 = arith.addi %gather3A_213, %mul3A_5 : vector<16xi32>
    %swap3A_215 = arith.constant 160 : index
    %swap3A_216 = tpu.vector_load %arg6[%swap3A_215] {strides = array<i32>} : memref<512xi32, #tpu.memory_space<vmem>>, vector<16xi32>,
    %swap3A_217 = vector.shape_cast %swap3A_216 : vector<16xi32> to vector<16xi32>
    %swap3A_218 = vector.shape_cast %add3A_214 : vector<16xi32> to vector<16xi32>
    tpu.vector_store %arg6[%swap3A_215], %swap3A_218 {strides = array<i32>} : memref<512xi32, #tpu.memory_space<vmem>>, vector<16xi32>,
    %get3A_219 = arith.constant 0 : index
    %get3A_220 = tpu.vector_load %arg5[%get3A_219] {strides = array<i32>} : memref<32xi32, #tpu.memory_space<vmem>>, vector<16xi32>,
    %get3A_221 = vector.shape_cast %get3A_220 : vector<16xi32> to vector<16xi32>
    %broadcast_in_dim3A_222 = arith.constant 11 : i32
    %broadcast_in_dim3A_223 = vector.broadcast %broadcast_in_dim3A_222 : i32 to vector<16xi32>
    %lt3A_224 = arith.constant 0 : i32
    %lt3A_225 = vector.broadcast %lt3A_224 : i32 to vector<16xi32>
    %lt3A_226 = arith.cmpi slt, %broadcast_in_dim3A_223, %lt3A_225 : vector<16xi32>
    %add3A_227 = arith.constant 16 : i32
    %add3A_228 = vector.broadcast %add3A_227 : i32 to vector<16xi32>
    %add3A_229 = arith.addi %broadcast_in_dim3A_223, %add3A_228 : vector<16xi32>
    %select_n3A_230 = arith.select %lt3A_226, %add3A_229, %broadcast_in_dim3A_223 : vector<16xi1>, vector<16xi32>
    %reshape3A_231 = vector.shape_cast %select_n3A_230 : vector<16xi32> to vector<16x1xi32>
    %gather3A_232 = vector.shape_cast %reshape3A_231 : vector<16x1xi32> to vector<16xi32>
    %gather3A_233 = tpu.dynamic_gather %get3A_221[%gather3A_232] in [0] : vector<16xi32>, vector<16xi32> -> vector<16xi32>
    %add3A_234 = arith.addi %gather3A_233, %mul3A_5 : vector<16xi32>
    %swap3A_235 = arith.constant 176 : index
    %swap3A_236 = tpu.vector_load %arg6[%swap3A_235] {strides = array<i32>} : memref<512xi32, #tpu.memory_space<vmem>>, vector<16xi32>,
    %swap3A_237 = vector.shape_cast %swap3A_236 : vector<16xi32> to vector<16xi32>
    %swap3A_238 = vector.shape_cast %add3A_234 : vector<16xi32> to vector<16xi32>
    tpu.vector_store %arg6[%swap3A_235], %swap3A_238 {strides = array<i32>} : memref<512xi32, #tpu.memory_space<vmem>>, vector<16xi32>,
    %get3A_239 = arith.constant 0 : index
    %get3A_240 = tpu.vector_load %arg5[%get3A_239] {strides = array<i32>} : memref<32xi32, #tpu.memory_space<vmem>>, vector<16xi32>,
    %get3A_241 = vector.shape_cast %get3A_240 : vector<16xi32> to vector<16xi32>
    %broadcast_in_dim3A_242 = arith.constant 12 : i32
    %broadcast_in_dim3A_243 = vector.broadcast %broadcast_in_dim3A_242 : i32 to vector<16xi32>
    %lt3A_244 = arith.constant 0 : i32
    %lt3A_245 = vector.broadcast %lt3A_244 : i32 to vector<16xi32>
    %lt3A_246 = arith.cmpi slt, %broadcast_in_dim3A_243, %lt3A_245 : vector<16xi32>
    %add3A_247 = arith.constant 16 : i32
    %add3A_248 = vector.broadcast %add3A_247 : i32 to vector<16xi32>
    %add3A_249 = arith.addi %broadcast_in_dim3A_243, %add3A_248 : vector<16xi32>
    %select_n3A_250 = arith.select %lt3A_246, %add3A_249, %broadcast_in_dim3A_243 : vector<16xi1>, vector<16xi32>
    %reshape3A_251 = vector.shape_cast %select_n3A_250 : vector<16xi32> to vector<16x1xi32>
    %gather3A_252 = vector.shape_cast %reshape3A_251 : vector<16x1xi32> to vector<16xi32>
    %gather3A_253 = tpu.dynamic_gather %get3A_241[%gather3A_252] in [0] : vector<16xi32>, vector<16xi32> -> vector<16xi32>
    %add3A_254 = arith.addi %gather3A_253, %mul3A_5 : vector<16xi32>
    %swap3A_255 = arith.constant 192 : index
    %swap3A_256 = tpu.vector_load %arg6[%swap3A_255] {strides = array<i32>} : memref<512xi32, #tpu.memory_space<vmem>>, vector<16xi32>,
    %swap3A_257 = vector.shape_cast %swap3A_256 : vector<16xi32> to vector<16xi32>
    %swap3A_258 = vector.shape_cast %add3A_254 : vector<16xi32> to vector<16xi32>
    tpu.vector_store %arg6[%swap3A_255], %swap3A_258 {strides = array<i32>} : memref<512xi32, #tpu.memory_space<vmem>>, vector<16xi32>,
    %get3A_259 = arith.constant 0 : index
    %get3A_260 = tpu.vector_load %arg5[%get3A_259] {strides = array<i32>} : memref<32xi32, #tpu.memory_space<vmem>>, vector<16xi32>,
    %get3A_261 = vector.shape_cast %get3A_260 : vector<16xi32> to vector<16xi32>
    %broadcast_in_dim3A_262 = arith.constant 13 : i32
    %broadcast_in_dim3A_263 = vector.broadcast %broadcast_in_dim3A_262 : i32 to vector<16xi32>
    %lt3A_264 = arith.constant 0 : i32
    %lt3A_265 = vector.broadcast %lt3A_264 : i32 to vector<16xi32>
    %lt3A_266 = arith.cmpi slt, %broadcast_in_dim3A_263, %lt3A_265 : vector<16xi32>
    %add3A_267 = arith.constant 16 : i32
    %add3A_268 = vector.broadcast %add3A_267 : i32 to vector<16xi32>
    %add3A_269 = arith.addi %broadcast_in_dim3A_263, %add3A_268 : vector<16xi32>
    %select_n3A_270 = arith.select %lt3A_266, %add3A_269, %broadcast_in_dim3A_263 : vector<16xi1>, vector<16xi32>
    %reshape3A_271 = vector.shape_cast %select_n3A_270 : vector<16xi32> to vector<16x1xi32>
    %gather3A_272 = vector.shape_cast %reshape3A_271 : vector<16x1xi32> to vector<16xi32>
    %gather3A_273 = tpu.dynamic_gather %get3A_261[%gather3A_272] in [0] : vector<16xi32>, vector<16xi32> -> vector<16xi32>
    %add3A_274 = arith.addi %gather3A_273, %mul3A_5 : vector<16xi32>
    %swap3A_275 = arith.constant 208 : index
    %swap3A_276 = tpu.vector_load %arg6[%swap3A_275] {strides = array<i32>} : memref<512xi32, #tpu.memory_space<vmem>>, vector<16xi32>,
    %swap3A_277 = vector.shape_cast %swap3A_276 : vector<16xi32> to vector<16xi32>
    %swap3A_278 = vector.shape_cast %add3A_274 : vector<16xi32> to vector<16xi32>
    tpu.vector_store %arg6[%swap3A_275], %swap3A_278 {strides = array<i32>} : memref<512xi32, #tpu.memory_space<vmem>>, vector<16xi32>,
    %get3A_279 = arith.constant 0 : index
    %get3A_280 = tpu.vector_load %arg5[%get3A_279] {strides = array<i32>} : memref<32xi32, #tpu.memory_space<vmem>>, vector<16xi32>,
    %get3A_281 = vector.shape_cast %get3A_280 : vector<16xi32> to vector<16xi32>
    %broadcast_in_dim3A_282 = arith.constant 14 : i32
    %broadcast_in_dim3A_283 = vector.broadcast %broadcast_in_dim3A_282 : i32 to vector<16xi32>
    %lt3A_284 = arith.constant 0 : i32
    %lt3A_285 = vector.broadcast %lt3A_284 : i32 to vector<16xi32>
    %lt3A_286 = arith.cmpi slt, %broadcast_in_dim3A_283, %lt3A_285 : vector<16xi32>
    %add3A_287 = arith.constant 16 : i32
    %add3A_288 = vector.broadcast %add3A_287 : i32 to vector<16xi32>
    %add3A_289 = arith.addi %broadcast_in_dim3A_283, %add3A_288 : vector<16xi32>
    %select_n3A_290 = arith.select %lt3A_286, %add3A_289, %broadcast_in_dim3A_283 : vector<16xi1>, vector<16xi32>
    %reshape3A_291 = vector.shape_cast %select_n3A_290 : vector<16xi32> to vector<16x1xi32>
    %gather3A_292 = vector.shape_cast %reshape3A_291 : vector<16x1xi32> to vector<16xi32>
    %gather3A_293 = tpu.dynamic_gather %get3A_281[%gather3A_292] in [0] : vector<16xi32>, vector<16xi32> -> vector<16xi32>
    %add3A_294 = arith.addi %gather3A_293, %mul3A_5 : vector<16xi32>
    %swap3A_295 = arith.constant 224 : index
    %swap3A_296 = tpu.vector_load %arg6[%swap3A_295] {strides = array<i32>} : memref<512xi32, #tpu.memory_space<vmem>>, vector<16xi32>,
    %swap3A_297 = vector.shape_cast %swap3A_296 : vector<16xi32> to vector<16xi32>
    %swap3A_298 = vector.shape_cast %add3A_294 : vector<16xi32> to vector<16xi32>
    tpu.vector_store %arg6[%swap3A_295], %swap3A_298 {strides = array<i32>} : memref<512xi32, #tpu.memory_space<vmem>>, vector<16xi32>,
    %get3A_299 = arith.constant 0 : index
    %get3A_300 = tpu.vector_load %arg5[%get3A_299] {strides = array<i32>} : memref<32xi32, #tpu.memory_space<vmem>>, vector<16xi32>,
    %get3A_301 = vector.shape_cast %get3A_300 : vector<16xi32> to vector<16xi32>
    %broadcast_in_dim3A_302 = arith.constant 15 : i32
    %broadcast_in_dim3A_303 = vector.broadcast %broadcast_in_dim3A_302 : i32 to vector<16xi32>
    %lt3A_304 = arith.constant 0 : i32
    %lt3A_305 = vector.broadcast %lt3A_304 : i32 to vector<16xi32>
    %lt3A_306 = arith.cmpi slt, %broadcast_in_dim3A_303, %lt3A_305 : vector<16xi32>
    %add3A_307 = arith.constant 16 : i32
    %add3A_308 = vector.broadcast %add3A_307 : i32 to vector<16xi32>
    %add3A_309 = arith.addi %broadcast_in_dim3A_303, %add3A_308 : vector<16xi32>
    %select_n3A_310 = arith.select %lt3A_306, %add3A_309, %broadcast_in_dim3A_303 : vector<16xi1>, vector<16xi32>
    %reshape3A_311 = vector.shape_cast %select_n3A_310 : vector<16xi32> to vector<16x1xi32>
    %gather3A_312 = vector.shape_cast %reshape3A_311 : vector<16x1xi32> to vector<16xi32>
    %gather3A_313 = tpu.dynamic_gather %get3A_301[%gather3A_312] in [0] : vector<16xi32>, vector<16xi32> -> vector<16xi32>
    %add3A_314 = arith.addi %gather3A_313, %mul3A_5 : vector<16xi32>
    %swap3A_315 = arith.constant 240 : index
    %swap3A_316 = tpu.vector_load %arg6[%swap3A_315] {strides = array<i32>} : memref<512xi32, #tpu.memory_space<vmem>>, vector<16xi32>,
    %swap3A_317 = vector.shape_cast %swap3A_316 : vector<16xi32> to vector<16xi32>
    %swap3A_318 = vector.shape_cast %add3A_314 : vector<16xi32> to vector<16xi32>
    tpu.vector_store %arg6[%swap3A_315], %swap3A_318 {strides = array<i32>} : memref<512xi32, #tpu.memory_space<vmem>>, vector<16xi32>,
    %get3A_319 = arith.constant 16 : index
    %get3A_320 = tpu.vector_load %arg5[%get3A_319] {strides = array<i32>} : memref<32xi32, #tpu.memory_space<vmem>>, vector<16xi32>,
    %get3A_321 = vector.shape_cast %get3A_320 : vector<16xi32> to vector<16xi32>
    %broadcast_in_dim3A_322 = arith.constant 0 : i32
    %broadcast_in_dim3A_323 = vector.broadcast %broadcast_in_dim3A_322 : i32 to vector<16xi32>
    %lt3A_324 = arith.constant 0 : i32
    %lt3A_325 = vector.broadcast %lt3A_324 : i32 to vector<16xi32>
    %lt3A_326 = arith.cmpi slt, %broadcast_in_dim3A_323, %lt3A_325 : vector<16xi32>
    %add3A_327 = arith.constant 16 : i32
    %add3A_328 = vector.broadcast %add3A_327 : i32 to vector<16xi32>
    %add3A_329 = arith.addi %broadcast_in_dim3A_323, %add3A_328 : vector<16xi32>
    %select_n3A_330 = arith.select %lt3A_326, %add3A_329, %broadcast_in_dim3A_323 : vector<16xi1>, vector<16xi32>
    %reshape3A_331 = vector.shape_cast %select_n3A_330 : vector<16xi32> to vector<16x1xi32>
    %gather3A_332 = vector.shape_cast %reshape3A_331 : vector<16x1xi32> to vector<16xi32>
    %gather3A_333 = tpu.dynamic_gather %get3A_321[%gather3A_332] in [0] : vector<16xi32>, vector<16xi32> -> vector<16xi32>
    %add3A_334 = arith.addi %gather3A_333, %mul3A_5 : vector<16xi32>
    %swap3A_335 = arith.constant 256 : index
    %swap3A_336 = tpu.vector_load %arg6[%swap3A_335] {strides = array<i32>} : memref<512xi32, #tpu.memory_space<vmem>>, vector<16xi32>,
    %swap3A_337 = vector.shape_cast %swap3A_336 : vector<16xi32> to vector<16xi32>
    %swap3A_338 = vector.shape_cast %add3A_334 : vector<16xi32> to vector<16xi32>
    tpu.vector_store %arg6[%swap3A_335], %swap3A_338 {strides = array<i32>} : memref<512xi32, #tpu.memory_space<vmem>>, vector<16xi32>,
    %get3A_339 = arith.constant 16 : index
    %get3A_340 = tpu.vector_load %arg5[%get3A_339] {strides = array<i32>} : memref<32xi32, #tpu.memory_space<vmem>>, vector<16xi32>,
    %get3A_341 = vector.shape_cast %get3A_340 : vector<16xi32> to vector<16xi32>
    %broadcast_in_dim3A_342 = arith.constant 1 : i32
    %broadcast_in_dim3A_343 = vector.broadcast %broadcast_in_dim3A_342 : i32 to vector<16xi32>
    %lt3A_344 = arith.constant 0 : i32
    %lt3A_345 = vector.broadcast %lt3A_344 : i32 to vector<16xi32>
    %lt3A_346 = arith.cmpi slt, %broadcast_in_dim3A_343, %lt3A_345 : vector<16xi32>
    %add3A_347 = arith.constant 16 : i32
    %add3A_348 = vector.broadcast %add3A_347 : i32 to vector<16xi32>
    %add3A_349 = arith.addi %broadcast_in_dim3A_343, %add3A_348 : vector<16xi32>
    %select_n3A_350 = arith.select %lt3A_346, %add3A_349, %broadcast_in_dim3A_343 : vector<16xi1>, vector<16xi32>
    %reshape3A_351 = vector.shape_cast %select_n3A_350 : vector<16xi32> to vector<16x1xi32>
    %gather3A_352 = vector.shape_cast %reshape3A_351 : vector<16x1xi32> to vector<16xi32>
    %gather3A_353 = tpu.dynamic_gather %get3A_341[%gather3A_352] in [0] : vector<16xi32>, vector<16xi32> -> vector<16xi32>
    %add3A_354 = arith.addi %gather3A_353, %mul3A_5 : vector<16xi32>
    %swap3A_355 = arith.constant 272 : index
    %swap3A_356 = tpu.vector_load %arg6[%swap3A_355] {strides = array<i32>} : memref<512xi32, #tpu.memory_space<vmem>>, vector<16xi32>,
    %swap3A_357 = vector.shape_cast %swap3A_356 : vector<16xi32> to vector<16xi32>
    %swap3A_358 = vector.shape_cast %add3A_354 : vector<16xi32> to vector<16xi32>
    tpu.vector_store %arg6[%swap3A_355], %swap3A_358 {strides = array<i32>} : memref<512xi32, #tpu.memory_space<vmem>>, vector<16xi32>,
    %get3A_359 = arith.constant 16 : index
    %get3A_360 = tpu.vector_load %arg5[%get3A_359] {strides = array<i32>} : memref<32xi32, #tpu.memory_space<vmem>>, vector<16xi32>,
    %get3A_361 = vector.shape_cast %get3A_360 : vector<16xi32> to vector<16xi32>
    %broadcast_in_dim3A_362 = arith.constant 2 : i32
    %broadcast_in_dim3A_363 = vector.broadcast %broadcast_in_dim3A_362 : i32 to vector<16xi32>
    %lt3A_364 = arith.constant 0 : i32
    %lt3A_365 = vector.broadcast %lt3A_364 : i32 to vector<16xi32>
    %lt3A_366 = arith.cmpi slt, %broadcast_in_dim3A_363, %lt3A_365 : vector<16xi32>
    %add3A_367 = arith.constant 16 : i32
    %add3A_368 = vector.broadcast %add3A_367 : i32 to vector<16xi32>
    %add3A_369 = arith.addi %broadcast_in_dim3A_363, %add3A_368 : vector<16xi32>
    %select_n3A_370 = arith.select %lt3A_366, %add3A_369, %broadcast_in_dim3A_363 : vector<16xi1>, vector<16xi32>
    %reshape3A_371 = vector.shape_cast %select_n3A_370 : vector<16xi32> to vector<16x1xi32>
    %gather3A_372 = vector.shape_cast %reshape3A_371 : vector<16x1xi32> to vector<16xi32>
    %gather3A_373 = tpu.dynamic_gather %get3A_361[%gather3A_372] in [0] : vector<16xi32>, vector<16xi32> -> vector<16xi32>
    %add3A_374 = arith.addi %gather3A_373, %mul3A_5 : vector<16xi32>
    %swap3A_375 = arith.constant 288 : index
    %swap3A_376 = tpu.vector_load %arg6[%swap3A_375] {strides = array<i32>} : memref<512xi32, #tpu.memory_space<vmem>>, vector<16xi32>,
    %swap3A_377 = vector.shape_cast %swap3A_376 : vector<16xi32> to vector<16xi32>
    %swap3A_378 = vector.shape_cast %add3A_374 : vector<16xi32> to vector<16xi32>
    tpu.vector_store %arg6[%swap3A_375], %swap3A_378 {strides = array<i32>} : memref<512xi32, #tpu.memory_space<vmem>>, vector<16xi32>,
    %get3A_379 = arith.constant 16 : index
    %get3A_380 = tpu.vector_load %arg5[%get3A_379] {strides = array<i32>} : memref<32xi32, #tpu.memory_space<vmem>>, vector<16xi32>,
    %get3A_381 = vector.shape_cast %get3A_380 : vector<16xi32> to vector<16xi32>
    %broadcast_in_dim3A_382 = arith.constant 3 : i32
    %broadcast_in_dim3A_383 = vector.broadcast %broadcast_in_dim3A_382 : i32 to vector<16xi32>
    %lt3A_384 = arith.constant 0 : i32
    %lt3A_385 = vector.broadcast %lt3A_384 : i32 to vector<16xi32>
    %lt3A_386 = arith.cmpi slt, %broadcast_in_dim3A_383, %lt3A_385 : vector<16xi32>
    %add3A_387 = arith.constant 16 : i32
    %add3A_388 = vector.broadcast %add3A_387 : i32 to vector<16xi32>
    %add3A_389 = arith.addi %broadcast_in_dim3A_383, %add3A_388 : vector<16xi32>
    %select_n3A_390 = arith.select %lt3A_386, %add3A_389, %broadcast_in_dim3A_383 : vector<16xi1>, vector<16xi32>
    %reshape3A_391 = vector.shape_cast %select_n3A_390 : vector<16xi32> to vector<16x1xi32>
    %gather3A_392 = vector.shape_cast %reshape3A_391 : vector<16x1xi32> to vector<16xi32>
    %gather3A_393 = tpu.dynamic_gather %get3A_381[%gather3A_392] in [0] : vector<16xi32>, vector<16xi32> -> vector<16xi32>
    %add3A_394 = arith.addi %gather3A_393, %mul3A_5 : vector<16xi32>
    %swap3A_395 = arith.constant 304 : index
    %swap3A_396 = tpu.vector_load %arg6[%swap3A_395] {strides = array<i32>} : memref<512xi32, #tpu.memory_space<vmem>>, vector<16xi32>,
    %swap3A_397 = vector.shape_cast %swap3A_396 : vector<16xi32> to vector<16xi32>
    %swap3A_398 = vector.shape_cast %add3A_394 : vector<16xi32> to vector<16xi32>
    tpu.vector_store %arg6[%swap3A_395], %swap3A_398 {strides = array<i32>} : memref<512xi32, #tpu.memory_space<vmem>>, vector<16xi32>,
    %get3A_399 = arith.constant 16 : index
    %get3A_400 = tpu.vector_load %arg5[%get3A_399] {strides = array<i32>} : memref<32xi32, #tpu.memory_space<vmem>>, vector<16xi32>,
    %get3A_401 = vector.shape_cast %get3A_400 : vector<16xi32> to vector<16xi32>
    %broadcast_in_dim3A_402 = arith.constant 4 : i32
    %broadcast_in_dim3A_403 = vector.broadcast %broadcast_in_dim3A_402 : i32 to vector<16xi32>
    %lt3A_404 = arith.constant 0 : i32
    %lt3A_405 = vector.broadcast %lt3A_404 : i32 to vector<16xi32>
    %lt3A_406 = arith.cmpi slt, %broadcast_in_dim3A_403, %lt3A_405 : vector<16xi32>
    %add3A_407 = arith.constant 16 : i32
    %add3A_408 = vector.broadcast %add3A_407 : i32 to vector<16xi32>
    %add3A_409 = arith.addi %broadcast_in_dim3A_403, %add3A_408 : vector<16xi32>
    %select_n3A_410 = arith.select %lt3A_406, %add3A_409, %broadcast_in_dim3A_403 : vector<16xi1>, vector<16xi32>
    %reshape3A_411 = vector.shape_cast %select_n3A_410 : vector<16xi32> to vector<16x1xi32>
    %gather3A_412 = vector.shape_cast %reshape3A_411 : vector<16x1xi32> to vector<16xi32>
    %gather3A_413 = tpu.dynamic_gather %get3A_401[%gather3A_412] in [0] : vector<16xi32>, vector<16xi32> -> vector<16xi32>
    %add3A_414 = arith.addi %gather3A_413, %mul3A_5 : vector<16xi32>
    %swap3A_415 = arith.constant 320 : index
    %swap3A_416 = tpu.vector_load %arg6[%swap3A_415] {strides = array<i32>} : memref<512xi32, #tpu.memory_space<vmem>>, vector<16xi32>,
    %swap3A_417 = vector.shape_cast %swap3A_416 : vector<16xi32> to vector<16xi32>
    %swap3A_418 = vector.shape_cast %add3A_414 : vector<16xi32> to vector<16xi32>
    tpu.vector_store %arg6[%swap3A_415], %swap3A_418 {strides = array<i32>} : memref<512xi32, #tpu.memory_space<vmem>>, vector<16xi32>,
    %get3A_419 = arith.constant 16 : index
    %get3A_420 = tpu.vector_load %arg5[%get3A_419] {strides = array<i32>} : memref<32xi32, #tpu.memory_space<vmem>>, vector<16xi32>,
    %get3A_421 = vector.shape_cast %get3A_420 : vector<16xi32> to vector<16xi32>
    %broadcast_in_dim3A_422 = arith.constant 5 : i32
    %broadcast_in_dim3A_423 = vector.broadcast %broadcast_in_dim3A_422 : i32 to vector<16xi32>
    %lt3A_424 = arith.constant 0 : i32
    %lt3A_425 = vector.broadcast %lt3A_424 : i32 to vector<16xi32>
    %lt3A_426 = arith.cmpi slt, %broadcast_in_dim3A_423, %lt3A_425 : vector<16xi32>
    %add3A_427 = arith.constant 16 : i32
    %add3A_428 = vector.broadcast %add3A_427 : i32 to vector<16xi32>
    %add3A_429 = arith.addi %broadcast_in_dim3A_423, %add3A_428 : vector<16xi32>
    %select_n3A_430 = arith.select %lt3A_426, %add3A_429, %broadcast_in_dim3A_423 : vector<16xi1>, vector<16xi32>
    %reshape3A_431 = vector.shape_cast %select_n3A_430 : vector<16xi32> to vector<16x1xi32>
    %gather3A_432 = vector.shape_cast %reshape3A_431 : vector<16x1xi32> to vector<16xi32>
    %gather3A_433 = tpu.dynamic_gather %get3A_421[%gather3A_432] in [0] : vector<16xi32>, vector<16xi32> -> vector<16xi32>
    %add3A_434 = arith.addi %gather3A_433, %mul3A_5 : vector<16xi32>
    %swap3A_435 = arith.constant 336 : index
    %swap3A_436 = tpu.vector_load %arg6[%swap3A_435] {strides = array<i32>} : memref<512xi32, #tpu.memory_space<vmem>>, vector<16xi32>,
    %swap3A_437 = vector.shape_cast %swap3A_436 : vector<16xi32> to vector<16xi32>
    %swap3A_438 = vector.shape_cast %add3A_434 : vector<16xi32> to vector<16xi32>
    tpu.vector_store %arg6[%swap3A_435], %swap3A_438 {strides = array<i32>} : memref<512xi32, #tpu.memory_space<vmem>>, vector<16xi32>,
    %get3A_439 = arith.constant 16 : index
    %get3A_440 = tpu.vector_load %arg5[%get3A_439] {strides = array<i32>} : memref<32xi32, #tpu.memory_space<vmem>>, vector<16xi32>,
    %get3A_441 = vector.shape_cast %get3A_440 : vector<16xi32> to vector<16xi32>
    %broadcast_in_dim3A_442 = arith.constant 6 : i32
    %broadcast_in_dim3A_443 = vector.broadcast %broadcast_in_dim3A_442 : i32 to vector<16xi32>
    %lt3A_444 = arith.constant 0 : i32
    %lt3A_445 = vector.broadcast %lt3A_444 : i32 to vector<16xi32>
    %lt3A_446 = arith.cmpi slt, %broadcast_in_dim3A_443, %lt3A_445 : vector<16xi32>
    %add3A_447 = arith.constant 16 : i32
    %add3A_448 = vector.broadcast %add3A_447 : i32 to vector<16xi32>
    %add3A_449 = arith.addi %broadcast_in_dim3A_443, %add3A_448 : vector<16xi32>
    %select_n3A_450 = arith.select %lt3A_446, %add3A_449, %broadcast_in_dim3A_443 : vector<16xi1>, vector<16xi32>
    %reshape3A_451 = vector.shape_cast %select_n3A_450 : vector<16xi32> to vector<16x1xi32>
    %gather3A_452 = vector.shape_cast %reshape3A_451 : vector<16x1xi32> to vector<16xi32>
    %gather3A_453 = tpu.dynamic_gather %get3A_441[%gather3A_452] in [0] : vector<16xi32>, vector<16xi32> -> vector<16xi32>
    %add3A_454 = arith.addi %gather3A_453, %mul3A_5 : vector<16xi32>
    %swap3A_455 = arith.constant 352 : index
    %swap3A_456 = tpu.vector_load %arg6[%swap3A_455] {strides = array<i32>} : memref<512xi32, #tpu.memory_space<vmem>>, vector<16xi32>,
    %swap3A_457 = vector.shape_cast %swap3A_456 : vector<16xi32> to vector<16xi32>
    %swap3A_458 = vector.shape_cast %add3A_454 : vector<16xi32> to vector<16xi32>
    tpu.vector_store %arg6[%swap3A_455], %swap3A_458 {strides = array<i32>} : memref<512xi32, #tpu.memory_space<vmem>>, vector<16xi32>,
    %get3A_459 = arith.constant 16 : index
    %get3A_460 = tpu.vector_load %arg5[%get3A_459] {strides = array<i32>} : memref<32xi32, #tpu.memory_space<vmem>>, vector<16xi32>,
    %get3A_461 = vector.shape_cast %get3A_460 : vector<16xi32> to vector<16xi32>
    %broadcast_in_dim3A_462 = arith.constant 7 : i32
    %broadcast_in_dim3A_463 = vector.broadcast %broadcast_in_dim3A_462 : i32 to vector<16xi32>
    %lt3A_464 = arith.constant 0 : i32
    %lt3A_465 = vector.broadcast %lt3A_464 : i32 to vector<16xi32>
    %lt3A_466 = arith.cmpi slt, %broadcast_in_dim3A_463, %lt3A_465 : vector<16xi32>
    %add3A_467 = arith.constant 16 : i32
    %add3A_468 = vector.broadcast %add3A_467 : i32 to vector<16xi32>
    %add3A_469 = arith.addi %broadcast_in_dim3A_463, %add3A_468 : vector<16xi32>
    %select_n3A_470 = arith.select %lt3A_466, %add3A_469, %broadcast_in_dim3A_463 : vector<16xi1>, vector<16xi32>
    %reshape3A_471 = vector.shape_cast %select_n3A_470 : vector<16xi32> to vector<16x1xi32>
    %gather3A_472 = vector.shape_cast %reshape3A_471 : vector<16x1xi32> to vector<16xi32>
    %gather3A_473 = tpu.dynamic_gather %get3A_461[%gather3A_472] in [0] : vector<16xi32>, vector<16xi32> -> vector<16xi32>
    %add3A_474 = arith.addi %gather3A_473, %mul3A_5 : vector<16xi32>
    %swap3A_475 = arith.constant 368 : index
    %swap3A_476 = tpu.vector_load %arg6[%swap3A_475] {strides = array<i32>} : memref<512xi32, #tpu.memory_space<vmem>>, vector<16xi32>,
    %swap3A_477 = vector.shape_cast %swap3A_476 : vector<16xi32> to vector<16xi32>
    %swap3A_478 = vector.shape_cast %add3A_474 : vector<16xi32> to vector<16xi32>
    tpu.vector_store %arg6[%swap3A_475], %swap3A_478 {strides = array<i32>} : memref<512xi32, #tpu.memory_space<vmem>>, vector<16xi32>,
    %get3A_479 = arith.constant 16 : index
    %get3A_480 = tpu.vector_load %arg5[%get3A_479] {strides = array<i32>} : memref<32xi32, #tpu.memory_space<vmem>>, vector<16xi32>,
    %get3A_481 = vector.shape_cast %get3A_480 : vector<16xi32> to vector<16xi32>
    %broadcast_in_dim3A_482 = arith.constant 8 : i32
    %broadcast_in_dim3A_483 = vector.broadcast %broadcast_in_dim3A_482 : i32 to vector<16xi32>
    %lt3A_484 = arith.constant 0 : i32
    %lt3A_485 = vector.broadcast %lt3A_484 : i32 to vector<16xi32>
    %lt3A_486 = arith.cmpi slt, %broadcast_in_dim3A_483, %lt3A_485 : vector<16xi32>
    %add3A_487 = arith.constant 16 : i32
    %add3A_488 = vector.broadcast %add3A_487 : i32 to vector<16xi32>
    %add3A_489 = arith.addi %broadcast_in_dim3A_483, %add3A_488 : vector<16xi32>
    %select_n3A_490 = arith.select %lt3A_486, %add3A_489, %broadcast_in_dim3A_483 : vector<16xi1>, vector<16xi32>
    %reshape3A_491 = vector.shape_cast %select_n3A_490 : vector<16xi32> to vector<16x1xi32>
    %gather3A_492 = vector.shape_cast %reshape3A_491 : vector<16x1xi32> to vector<16xi32>
    %gather3A_493 = tpu.dynamic_gather %get3A_481[%gather3A_492] in [0] : vector<16xi32>, vector<16xi32> -> vector<16xi32>
    %add3A_494 = arith.addi %gather3A_493, %mul3A_5 : vector<16xi32>
    %swap3A_495 = arith.constant 384 : index
    %swap3A_496 = tpu.vector_load %arg6[%swap3A_495] {strides = array<i32>} : memref<512xi32, #tpu.memory_space<vmem>>, vector<16xi32>,
    %swap3A_497 = vector.shape_cast %swap3A_496 : vector<16xi32> to vector<16xi32>
    %swap3A_498 = vector.shape_cast %add3A_494 : vector<16xi32> to vector<16xi32>
    tpu.vector_store %arg6[%swap3A_495], %swap3A_498 {strides = array<i32>} : memref<512xi32, #tpu.memory_space<vmem>>, vector<16xi32>,
    %get3A_499 = arith.constant 16 : index
    %get3A_500 = tpu.vector_load %arg5[%get3A_499] {strides = array<i32>} : memref<32xi32, #tpu.memory_space<vmem>>, vector<16xi32>,
    %get3A_501 = vector.shape_cast %get3A_500 : vector<16xi32> to vector<16xi32>
    %broadcast_in_dim3A_502 = arith.constant 9 : i32
    %broadcast_in_dim3A_503 = vector.broadcast %broadcast_in_dim3A_502 : i32 to vector<16xi32>
    %lt3A_504 = arith.constant 0 : i32
    %lt3A_505 = vector.broadcast %lt3A_504 : i32 to vector<16xi32>
    %lt3A_506 = arith.cmpi slt, %broadcast_in_dim3A_503, %lt3A_505 : vector<16xi32>
    %add3A_507 = arith.constant 16 : i32
    %add3A_508 = vector.broadcast %add3A_507 : i32 to vector<16xi32>
    %add3A_509 = arith.addi %broadcast_in_dim3A_503, %add3A_508 : vector<16xi32>
    %select_n3A_510 = arith.select %lt3A_506, %add3A_509, %broadcast_in_dim3A_503 : vector<16xi1>, vector<16xi32>
    %reshape3A_511 = vector.shape_cast %select_n3A_510 : vector<16xi32> to vector<16x1xi32>
    %gather3A_512 = vector.shape_cast %reshape3A_511 : vector<16x1xi32> to vector<16xi32>
    %gather3A_513 = tpu.dynamic_gather %get3A_501[%gather3A_512] in [0] : vector<16xi32>, vector<16xi32> -> vector<16xi32>
    %add3A_514 = arith.addi %gather3A_513, %mul3A_5 : vector<16xi32>
    %swap3A_515 = arith.constant 400 : index
    %swap3A_516 = tpu.vector_load %arg6[%swap3A_515] {strides = array<i32>} : memref<512xi32, #tpu.memory_space<vmem>>, vector<16xi32>,
    %swap3A_517 = vector.shape_cast %swap3A_516 : vector<16xi32> to vector<16xi32>
    %swap3A_518 = vector.shape_cast %add3A_514 : vector<16xi32> to vector<16xi32>
    tpu.vector_store %arg6[%swap3A_515], %swap3A_518 {strides = array<i32>} : memref<512xi32, #tpu.memory_space<vmem>>, vector<16xi32>,
    %get3A_519 = arith.constant 16 : index
    %get3A_520 = tpu.vector_load %arg5[%get3A_519] {strides = array<i32>} : memref<32xi32, #tpu.memory_space<vmem>>, vector<16xi32>,
    %get3A_521 = vector.shape_cast %get3A_520 : vector<16xi32> to vector<16xi32>
    %broadcast_in_dim3A_522 = arith.constant 10 : i32
    %broadcast_in_dim3A_523 = vector.broadcast %broadcast_in_dim3A_522 : i32 to vector<16xi32>
    %lt3A_524 = arith.constant 0 : i32
    %lt3A_525 = vector.broadcast %lt3A_524 : i32 to vector<16xi32>
    %lt3A_526 = arith.cmpi slt, %broadcast_in_dim3A_523, %lt3A_525 : vector<16xi32>
    %add3A_527 = arith.constant 16 : i32
    %add3A_528 = vector.broadcast %add3A_527 : i32 to vector<16xi32>
    %add3A_529 = arith.addi %broadcast_in_dim3A_523, %add3A_528 : vector<16xi32>
    %select_n3A_530 = arith.select %lt3A_526, %add3A_529, %broadcast_in_dim3A_523 : vector<16xi1>, vector<16xi32>
    %reshape3A_531 = vector.shape_cast %select_n3A_530 : vector<16xi32> to vector<16x1xi32>
    %gather3A_532 = vector.shape_cast %reshape3A_531 : vector<16x1xi32> to vector<16xi32>
    %gather3A_533 = tpu.dynamic_gather %get3A_521[%gather3A_532] in [0] : vector<16xi32>, vector<16xi32> -> vector<16xi32>
    %add3A_534 = arith.addi %gather3A_533, %mul3A_5 : vector<16xi32>
    %swap3A_535 = arith.constant 416 : index
    %swap3A_536 = tpu.vector_load %arg6[%swap3A_535] {strides = array<i32>} : memref<512xi32, #tpu.memory_space<vmem>>, vector<16xi32>,
    %swap3A_537 = vector.shape_cast %swap3A_536 : vector<16xi32> to vector<16xi32>
    %swap3A_538 = vector.shape_cast %add3A_534 : vector<16xi32> to vector<16xi32>
    tpu.vector_store %arg6[%swap3A_535], %swap3A_538 {strides = array<i32>} : memref<512xi32, #tpu.memory_space<vmem>>, vector<16xi32>,
    %get3A_539 = arith.constant 16 : index
    %get3A_540 = tpu.vector_load %arg5[%get3A_539] {strides = array<i32>} : memref<32xi32, #tpu.memory_space<vmem>>, vector<16xi32>,
    %get3A_541 = vector.shape_cast %get3A_540 : vector<16xi32> to vector<16xi32>
    %broadcast_in_dim3A_542 = arith.constant 11 : i32
    %broadcast_in_dim3A_543 = vector.broadcast %broadcast_in_dim3A_542 : i32 to vector<16xi32>
    %lt3A_544 = arith.constant 0 : i32
    %lt3A_545 = vector.broadcast %lt3A_544 : i32 to vector<16xi32>
    %lt3A_546 = arith.cmpi slt, %broadcast_in_dim3A_543, %lt3A_545 : vector<16xi32>
    %add3A_547 = arith.constant 16 : i32
    %add3A_548 = vector.broadcast %add3A_547 : i32 to vector<16xi32>
    %add3A_549 = arith.addi %broadcast_in_dim3A_543, %add3A_548 : vector<16xi32>
    %select_n3A_550 = arith.select %lt3A_546, %add3A_549, %broadcast_in_dim3A_543 : vector<16xi1>, vector<16xi32>
    %reshape3A_551 = vector.shape_cast %select_n3A_550 : vector<16xi32> to vector<16x1xi32>
    %gather3A_552 = vector.shape_cast %reshape3A_551 : vector<16x1xi32> to vector<16xi32>
    %gather3A_553 = tpu.dynamic_gather %get3A_541[%gather3A_552] in [0] : vector<16xi32>, vector<16xi32> -> vector<16xi32>
    %add3A_554 = arith.addi %gather3A_553, %mul3A_5 : vector<16xi32>
    %swap3A_555 = arith.constant 432 : index
    %swap3A_556 = tpu.vector_load %arg6[%swap3A_555] {strides = array<i32>} : memref<512xi32, #tpu.memory_space<vmem>>, vector<16xi32>,
    %swap3A_557 = vector.shape_cast %swap3A_556 : vector<16xi32> to vector<16xi32>
    %swap3A_558 = vector.shape_cast %add3A_554 : vector<16xi32> to vector<16xi32>
    tpu.vector_store %arg6[%swap3A_555], %swap3A_558 {strides = array<i32>} : memref<512xi32, #tpu.memory_space<vmem>>, vector<16xi32>,
    %get3A_559 = arith.constant 16 : index
    %get3A_560 = tpu.vector_load %arg5[%get3A_559] {strides = array<i32>} : memref<32xi32, #tpu.memory_space<vmem>>, vector<16xi32>,
    %get3A_561 = vector.shape_cast %get3A_560 : vector<16xi32> to vector<16xi32>
    %broadcast_in_dim3A_562 = arith.constant 12 : i32
    %broadcast_in_dim3A_563 = vector.broadcast %broadcast_in_dim3A_562 : i32 to vector<16xi32>
    %lt3A_564 = arith.constant 0 : i32
    %lt3A_565 = vector.broadcast %lt3A_564 : i32 to vector<16xi32>
    %lt3A_566 = arith.cmpi slt, %broadcast_in_dim3A_563, %lt3A_565 : vector<16xi32>
    %add3A_567 = arith.constant 16 : i32
    %add3A_568 = vector.broadcast %add3A_567 : i32 to vector<16xi32>
    %add3A_569 = arith.addi %broadcast_in_dim3A_563, %add3A_568 : vector<16xi32>
    %select_n3A_570 = arith.select %lt3A_566, %add3A_569, %broadcast_in_dim3A_563 : vector<16xi1>, vector<16xi32>
    %reshape3A_571 = vector.shape_cast %select_n3A_570 : vector<16xi32> to vector<16x1xi32>
    %gather3A_572 = vector.shape_cast %reshape3A_571 : vector<16x1xi32> to vector<16xi32>
    %gather3A_573 = tpu.dynamic_gather %get3A_561[%gather3A_572] in [0] : vector<16xi32>, vector<16xi32> -> vector<16xi32>
    %add3A_574 = arith.addi %gather3A_573, %mul3A_5 : vector<16xi32>
    %swap3A_575 = arith.constant 448 : index
    %swap3A_576 = tpu.vector_load %arg6[%swap3A_575] {strides = array<i32>} : memref<512xi32, #tpu.memory_space<vmem>>, vector<16xi32>,
    %swap3A_577 = vector.shape_cast %swap3A_576 : vector<16xi32> to vector<16xi32>
    %swap3A_578 = vector.shape_cast %add3A_574 : vector<16xi32> to vector<16xi32>
    tpu.vector_store %arg6[%swap3A_575], %swap3A_578 {strides = array<i32>} : memref<512xi32, #tpu.memory_space<vmem>>, vector<16xi32>,
    %get3A_579 = arith.constant 16 : index
    %get3A_580 = tpu.vector_load %arg5[%get3A_579] {strides = array<i32>} : memref<32xi32, #tpu.memory_space<vmem>>, vector<16xi32>,
    %get3A_581 = vector.shape_cast %get3A_580 : vector<16xi32> to vector<16xi32>
    %broadcast_in_dim3A_582 = arith.constant 13 : i32
    %broadcast_in_dim3A_583 = vector.broadcast %broadcast_in_dim3A_582 : i32 to vector<16xi32>
    %lt3A_584 = arith.constant 0 : i32
    %lt3A_585 = vector.broadcast %lt3A_584 : i32 to vector<16xi32>
    %lt3A_586 = arith.cmpi slt, %broadcast_in_dim3A_583, %lt3A_585 : vector<16xi32>
    %add3A_587 = arith.constant 16 : i32
    %add3A_588 = vector.broadcast %add3A_587 : i32 to vector<16xi32>
    %add3A_589 = arith.addi %broadcast_in_dim3A_583, %add3A_588 : vector<16xi32>
    %select_n3A_590 = arith.select %lt3A_586, %add3A_589, %broadcast_in_dim3A_583 : vector<16xi1>, vector<16xi32>
    %reshape3A_591 = vector.shape_cast %select_n3A_590 : vector<16xi32> to vector<16x1xi32>
    %gather3A_592 = vector.shape_cast %reshape3A_591 : vector<16x1xi32> to vector<16xi32>
    %gather3A_593 = tpu.dynamic_gather %get3A_581[%gather3A_592] in [0] : vector<16xi32>, vector<16xi32> -> vector<16xi32>
    %add3A_594 = arith.addi %gather3A_593, %mul3A_5 : vector<16xi32>
    %swap3A_595 = arith.constant 464 : index
    %swap3A_596 = tpu.vector_load %arg6[%swap3A_595] {strides = array<i32>} : memref<512xi32, #tpu.memory_space<vmem>>, vector<16xi32>,
    %swap3A_597 = vector.shape_cast %swap3A_596 : vector<16xi32> to vector<16xi32>
    %swap3A_598 = vector.shape_cast %add3A_594 : vector<16xi32> to vector<16xi32>
    tpu.vector_store %arg6[%swap3A_595], %swap3A_598 {strides = array<i32>} : memref<512xi32, #tpu.memory_space<vmem>>, vector<16xi32>,
    %get3A_599 = arith.constant 16 : index
    %get3A_600 = tpu.vector_load %arg5[%get3A_599] {strides = array<i32>} : memref<32xi32, #tpu.memory_space<vmem>>, vector<16xi32>,
    %get3A_601 = vector.shape_cast %get3A_600 : vector<16xi32> to vector<16xi32>
    %broadcast_in_dim3A_602 = arith.constant 14 : i32
    %broadcast_in_dim3A_603 = vector.broadcast %broadcast_in_dim3A_602 : i32 to vector<16xi32>
    %lt3A_604 = arith.constant 0 : i32
    %lt3A_605 = vector.broadcast %lt3A_604 : i32 to vector<16xi32>
    %lt3A_606 = arith.cmpi slt, %broadcast_in_dim3A_603, %lt3A_605 : vector<16xi32>
    %add3A_607 = arith.constant 16 : i32
    %add3A_608 = vector.broadcast %add3A_607 : i32 to vector<16xi32>
    %add3A_609 = arith.addi %broadcast_in_dim3A_603, %add3A_608 : vector<16xi32>
    %select_n3A_610 = arith.select %lt3A_606, %add3A_609, %broadcast_in_dim3A_603 : vector<16xi1>, vector<16xi32>
    %reshape3A_611 = vector.shape_cast %select_n3A_610 : vector<16xi32> to vector<16x1xi32>
    %gather3A_612 = vector.shape_cast %reshape3A_611 : vector<16x1xi32> to vector<16xi32>
    %gather3A_613 = tpu.dynamic_gather %get3A_601[%gather3A_612] in [0] : vector<16xi32>, vector<16xi32> -> vector<16xi32>
    %add3A_614 = arith.addi %gather3A_613, %mul3A_5 : vector<16xi32>
    %swap3A_615 = arith.constant 480 : index
    %swap3A_616 = tpu.vector_load %arg6[%swap3A_615] {strides = array<i32>} : memref<512xi32, #tpu.memory_space<vmem>>, vector<16xi32>,
    %swap3A_617 = vector.shape_cast %swap3A_616 : vector<16xi32> to vector<16xi32>
    %swap3A_618 = vector.shape_cast %add3A_614 : vector<16xi32> to vector<16xi32>
    tpu.vector_store %arg6[%swap3A_615], %swap3A_618 {strides = array<i32>} : memref<512xi32, #tpu.memory_space<vmem>>, vector<16xi32>,
    %get3A_619 = arith.constant 16 : index
    %get3A_620 = tpu.vector_load %arg5[%get3A_619] {strides = array<i32>} : memref<32xi32, #tpu.memory_space<vmem>>, vector<16xi32>,
    %get3A_621 = vector.shape_cast %get3A_620 : vector<16xi32> to vector<16xi32>
    %broadcast_in_dim3A_622 = arith.constant 15 : i32
    %broadcast_in_dim3A_623 = vector.broadcast %broadcast_in_dim3A_622 : i32 to vector<16xi32>
    %lt3A_624 = arith.constant 0 : i32
    %lt3A_625 = vector.broadcast %lt3A_624 : i32 to vector<16xi32>
    %lt3A_626 = arith.cmpi slt, %broadcast_in_dim3A_623, %lt3A_625 : vector<16xi32>
    %add3A_627 = arith.constant 16 : i32
    %add3A_628 = vector.broadcast %add3A_627 : i32 to vector<16xi32>
    %add3A_629 = arith.addi %broadcast_in_dim3A_623, %add3A_628 : vector<16xi32>
    %select_n3A_630 = arith.select %lt3A_626, %add3A_629, %broadcast_in_dim3A_623 : vector<16xi1>, vector<16xi32>
    %reshape3A_631 = vector.shape_cast %select_n3A_630 : vector<16xi32> to vector<16x1xi32>
    %gather3A_632 = vector.shape_cast %reshape3A_631 : vector<16x1xi32> to vector<16xi32>
    %gather3A_633 = tpu.dynamic_gather %get3A_621[%gather3A_632] in [0] : vector<16xi32>, vector<16xi32> -> vector<16xi32>
    %add3A_634 = arith.addi %gather3A_633, %mul3A_5 : vector<16xi32>
    %swap3A_635 = arith.constant 496 : index
    %swap3A_636 = tpu.vector_load %arg6[%swap3A_635] {strides = array<i32>} : memref<512xi32, #tpu.memory_space<vmem>>, vector<16xi32>,
    %swap3A_637 = vector.shape_cast %swap3A_636 : vector<16xi32> to vector<16xi32>
    %swap3A_638 = vector.shape_cast %add3A_634 : vector<16xi32> to vector<16xi32>
    tpu.vector_store %arg6[%swap3A_635], %swap3A_638 {strides = array<i32>} : memref<512xi32, #tpu.memory_space<vmem>>, vector<16xi32>,
    %dma_start3A = arith.constant 0 : i32
    %dma_start3A_639 = tpu.memref_slice %arg7[%dma_start3A] : memref<512xf32, #tpu.memory_space<vmem>> -> memref<128xf32, #tpu.memory_space<vmem>>
    %dma_start3A_640 = arith.constant 0 : i32
    %dma_start3A_641 = tpu.memref_slice %arg6[%dma_start3A_640] : memref<512xi32, #tpu.memory_space<vmem>> -> memref<128xi32, #tpu.memory_space<vmem>>
    %dma_start3A_642 = arith.constant 0 : i32
    %dma_start3A_643 = tpu.memref_slice %arg3[%dma_start3A_642] : memref<1600000xf32, #tpu.memory_space<hbm>> -> memref<1600000xf32, #tpu.memory_space<hbm>>
    tpu.enqueue_indirect_dma source(%dma_start3A_643 : memref<1600000xf32, #tpu.memory_space<hbm>>) target(%dma_start3A_639 : memref<128xf32, #tpu.memory_space<vmem>>) offsets(%dma_start3A_641 : memref<128xi32, #tpu.memory_space<vmem>>) semaphore(%arg8 : memref<!tpu.dma_semaphore, #tpu.memory_space<semaphore_mem>>)
    %dma_start3A_644 = arith.constant 128 : i32
    %dma_start3A_645 = tpu.memref_slice %arg7[%dma_start3A_644] : memref<512xf32, #tpu.memory_space<vmem>> -> memref<128xf32, #tpu.memory_space<vmem>>
    %dma_start3A_646 = arith.constant 128 : i32
    %dma_start3A_647 = tpu.memref_slice %arg6[%dma_start3A_646] : memref<512xi32, #tpu.memory_space<vmem>> -> memref<128xi32, #tpu.memory_space<vmem>>
    %dma_start3A_648 = arith.constant 0 : i32
    %dma_start3A_649 = tpu.memref_slice %arg3[%dma_start3A_648] : memref<1600000xf32, #tpu.memory_space<hbm>> -> memref<1600000xf32, #tpu.memory_space<hbm>>
    tpu.enqueue_indirect_dma source(%dma_start3A_649 : memref<1600000xf32, #tpu.memory_space<hbm>>) target(%dma_start3A_645 : memref<128xf32, #tpu.memory_space<vmem>>) offsets(%dma_start3A_647 : memref<128xi32, #tpu.memory_space<vmem>>) semaphore(%arg8 : memref<!tpu.dma_semaphore, #tpu.memory_space<semaphore_mem>>)
    %dma_start3A_650 = arith.constant 256 : i32
    %dma_start3A_651 = tpu.memref_slice %arg7[%dma_start3A_650] : memref<512xf32, #tpu.memory_space<vmem>> -> memref<128xf32, #tpu.memory_space<vmem>>
    %dma_start3A_652 = arith.constant 256 : i32
    %dma_start3A_653 = tpu.memref_slice %arg6[%dma_start3A_652] : memref<512xi32, #tpu.memory_space<vmem>> -> memref<128xi32, #tpu.memory_space<vmem>>
    %dma_start3A_654 = arith.constant 0 : i32
    %dma_start3A_655 = tpu.memref_slice %arg3[%dma_start3A_654] : memref<1600000xf32, #tpu.memory_space<hbm>> -> memref<1600000xf32, #tpu.memory_space<hbm>>
    tpu.enqueue_indirect_dma source(%dma_start3A_655 : memref<1600000xf32, #tpu.memory_space<hbm>>) target(%dma_start3A_651 : memref<128xf32, #tpu.memory_space<vmem>>) offsets(%dma_start3A_653 : memref<128xi32, #tpu.memory_space<vmem>>) semaphore(%arg8 : memref<!tpu.dma_semaphore, #tpu.memory_space<semaphore_mem>>)
    %dma_start3A_656 = arith.constant 384 : i32
    %dma_start3A_657 = tpu.memref_slice %arg7[%dma_start3A_656] : memref<512xf32, #tpu.memory_space<vmem>> -> memref<128xf32, #tpu.memory_space<vmem>>
    %dma_start3A_658 = arith.constant 384 : i32
    %dma_start3A_659 = tpu.memref_slice %arg6[%dma_start3A_658] : memref<512xi32, #tpu.memory_space<vmem>> -> memref<128xi32, #tpu.memory_space<vmem>>
    %dma_start3A_660 = arith.constant 0 : i32
    %dma_start3A_661 = tpu.memref_slice %arg3[%dma_start3A_660] : memref<1600000xf32, #tpu.memory_space<hbm>> -> memref<1600000xf32, #tpu.memory_space<hbm>>
    tpu.enqueue_indirect_dma source(%dma_start3A_661 : memref<1600000xf32, #tpu.memory_space<hbm>>) target(%dma_start3A_657 : memref<128xf32, #tpu.memory_space<vmem>>) offsets(%dma_start3A_659 : memref<128xi32, #tpu.memory_space<vmem>>) semaphore(%arg8 : memref<!tpu.dma_semaphore, #tpu.memory_space<semaphore_mem>>)
    %dma_wait3A = arith.constant 0 : i32
    %dma_wait3A_662 = tpu.memref_slice %arg7[%dma_wait3A] : memref<512xf32, #tpu.memory_space<vmem>> -> memref<128xf32, #tpu.memory_space<vmem>>
    %dma_wait3A_663 = arith.constant 0 : i32
    %dma_wait3A_664 = tpu.memref_slice %arg6[%dma_wait3A_663] : memref<512xi32, #tpu.memory_space<vmem>> -> memref<128xi32, #tpu.memory_space<vmem>>
    %dma_wait3A_665 = arith.constant 0 : i32
    %dma_wait3A_666 = tpu.memref_slice %arg3[%dma_wait3A_665] : memref<1600000xf32, #tpu.memory_space<hbm>> -> memref<1600000xf32, #tpu.memory_space<hbm>>
    tpu.wait_indirect_dma semaphore(%arg8 : memref<!tpu.dma_semaphore, #tpu.memory_space<semaphore_mem>>) src(%dma_wait3A_666 : memref<1600000xf32, #tpu.memory_space<hbm>>) dst(%dma_wait3A_662 : memref<128xf32, #tpu.memory_space<vmem>>)
    %dma_wait3A_667 = arith.constant 128 : i32
    %dma_wait3A_668 = tpu.memref_slice %arg7[%dma_wait3A_667] : memref<512xf32, #tpu.memory_space<vmem>> -> memref<128xf32, #tpu.memory_space<vmem>>
    %dma_wait3A_669 = arith.constant 128 : i32
    %dma_wait3A_670 = tpu.memref_slice %arg6[%dma_wait3A_669] : memref<512xi32, #tpu.memory_space<vmem>> -> memref<128xi32, #tpu.memory_space<vmem>>
    %dma_wait3A_671 = arith.constant 0 : i32
    %dma_wait3A_672 = tpu.memref_slice %arg3[%dma_wait3A_671] : memref<1600000xf32, #tpu.memory_space<hbm>> -> memref<1600000xf32, #tpu.memory_space<hbm>>
    tpu.wait_indirect_dma semaphore(%arg8 : memref<!tpu.dma_semaphore, #tpu.memory_space<semaphore_mem>>) src(%dma_wait3A_672 : memref<1600000xf32, #tpu.memory_space<hbm>>) dst(%dma_wait3A_668 : memref<128xf32, #tpu.memory_space<vmem>>)
    %dma_wait3A_673 = arith.constant 256 : i32
    %dma_wait3A_674 = tpu.memref_slice %arg7[%dma_wait3A_673] : memref<512xf32, #tpu.memory_space<vmem>> -> memref<128xf32, #tpu.memory_space<vmem>>
    %dma_wait3A_675 = arith.constant 256 : i32
    %dma_wait3A_676 = tpu.memref_slice %arg6[%dma_wait3A_675] : memref<512xi32, #tpu.memory_space<vmem>> -> memref<128xi32, #tpu.memory_space<vmem>>
    %dma_wait3A_677 = arith.constant 0 : i32
    %dma_wait3A_678 = tpu.memref_slice %arg3[%dma_wait3A_677] : memref<1600000xf32, #tpu.memory_space<hbm>> -> memref<1600000xf32, #tpu.memory_space<hbm>>
    tpu.wait_indirect_dma semaphore(%arg8 : memref<!tpu.dma_semaphore, #tpu.memory_space<semaphore_mem>>) src(%dma_wait3A_678 : memref<1600000xf32, #tpu.memory_space<hbm>>) dst(%dma_wait3A_674 : memref<128xf32, #tpu.memory_space<vmem>>)
    %dma_wait3A_679 = arith.constant 384 : i32
    %dma_wait3A_680 = tpu.memref_slice %arg7[%dma_wait3A_679] : memref<512xf32, #tpu.memory_space<vmem>> -> memref<128xf32, #tpu.memory_space<vmem>>
    %dma_wait3A_681 = arith.constant 384 : i32
    %dma_wait3A_682 = tpu.memref_slice %arg6[%dma_wait3A_681] : memref<512xi32, #tpu.memory_space<vmem>> -> memref<128xi32, #tpu.memory_space<vmem>>
    %dma_wait3A_683 = arith.constant 0 : i32
    %dma_wait3A_684 = tpu.memref_slice %arg3[%dma_wait3A_683] : memref<1600000xf32, #tpu.memory_space<hbm>> -> memref<1600000xf32, #tpu.memory_space<hbm>>
    tpu.wait_indirect_dma semaphore(%arg8 : memref<!tpu.dma_semaphore, #tpu.memory_space<semaphore_mem>>) src(%dma_wait3A_684 : memref<1600000xf32, #tpu.memory_space<hbm>>) dst(%dma_wait3A_680 : memref<128xf32, #tpu.memory_space<vmem>>)
    %mul3A_685 = arith.constant 16 : i32
    %mul3A_686 = arith.muli %mul3A_2, %mul3A_685 : i32
    "tpu.region"() ({
      %run_scoped3A = tpu.sem_alloc : memref<!tpu.dma_semaphore, #tpu.memory_space<semaphore_mem>>
      %dma_start3A_687 = tpu.memref_slice %arg4[%mul3A_686] : memref<16384xf32, #tpu.memory_space<hbm>> -> memref<512xf32, #tpu.memory_space<hbm>>
      %dma_start3A_688 = tpu.memref_slice %arg4[%mul3A_686] : memref<16384xf32, #tpu.memory_space<hbm>> -> memref<512xf32, #tpu.memory_space<hbm>>
      tpu.enqueue_dma source(%arg7 : memref<512xf32, #tpu.memory_space<vmem>>) target(%dma_start3A_688 : memref<512xf32, #tpu.memory_space<hbm>>) target_semaphore(%run_scoped3A : memref<!tpu.dma_semaphore, #tpu.memory_space<semaphore_mem>>)
      %dma_wait3A_689 = tpu.memref_slice %arg4[%mul3A_686] : memref<16384xf32, #tpu.memory_space<hbm>> -> memref<512xf32, #tpu.memory_space<hbm>>
      %dma_wait3A_690 = tpu.memref_slice %arg4[%mul3A_686] : memref<16384xf32, #tpu.memory_space<hbm>> -> memref<512xf32, #tpu.memory_space<hbm>>
      tpu.wait_dma2 semaphore(%run_scoped3A : memref<!tpu.dma_semaphore, #tpu.memory_space<semaphore_mem>>) src(%arg7 : memref<512xf32, #tpu.memory_space<vmem>>) dst(%dma_wait3A_690 : memref<512xf32, #tpu.memory_space<hbm>>)
      tpu.yield
    }) : () -> ()
    return
  }
}

module attributes {stable_mosaic.version = 14 : i64} {
  func.func @_mlp_body(%arg0: memref<1024x16xf32, #tpu.memory_space<vmem>>, %arg1: memref<1024x16xf32, #tpu.memory_space<vmem>>, %arg2: memref<1024xf32, #tpu.memory_space<vmem>>, %arg3: memref<32x128xf32, #tpu.memory_space<vmem>>, %arg4: memref<1x128xf32, #tpu.memory_space<vmem>>, %arg5: memref<128x256xf32, #tpu.memory_space<vmem>>, %arg6: memref<1x256xf32, #tpu.memory_space<vmem>>, %arg7: memref<256x32xf32, #tpu.memory_space<vmem>>, %arg8: memref<1x32xf32, #tpu.memory_space<vmem>>, %arg9: memref<1x32xf32, #tpu.memory_space<vmem>>, %arg10: memref<1024xf32, #tpu.memory_space<vmem>>, %arg11: memref<1024xf32, #tpu.memory_space<vmem>>) attributes {dimension_semantics = [], scalar_prefetch = 0 : i64, scratch_operands = 0 : i64, tpu.core_type = #tpu.core_type<tc>} {
    %get3A = arith.constant 0 : index
    %get3A_0 = arith.constant 0 : index
    %get3A_1 = vector.load %arg0[%get3A, %get3A_0] : memref<1024x16xf32, #tpu.memory_space<vmem>>, vector<1024x16xf32>
    %get3A_2 = arith.constant 0 : index
    %get3A_3 = arith.constant 0 : index
    %get3A_4 = vector.load %arg1[%get3A_2, %get3A_3] : memref<1024x16xf32, #tpu.memory_space<vmem>>, vector<1024x16xf32>
    %concatenate3A = tpu.concatenate %get3A_1, %get3A_4 in 1 : vector<1024x16xf32>, vector<1024x16xf32> -> vector<1024x32xf32>
    %get3A_5 = arith.constant 0 : index
    %get3A_6 = arith.constant 0 : index
    %get3A_7 = vector.load %arg3[%get3A_5, %get3A_6] : memref<32x128xf32, #tpu.memory_space<vmem>>, vector<32x128xf32>
    %dot_general3A = arith.constant dense<0.000000e+00> : vector<1024x128xf32>
    %dot_general3A_8 = tpu.matmul %concatenate3A, %get3A_7, %dot_general3A {dimension_numbers = #tpu.dot_dimension_numbers<[1], [0], [0], [1], [0, 0, 1, 1], [], []>, transpose_lhs_hint = false} : vector<1024x32xf32>, vector<32x128xf32>, vector<1024x128xf32> -> vector<1024x128xf32>
    %get3A_9 = arith.constant 0 : index
    %get3A_10 = arith.constant 0 : index
    %get3A_11 = vector.load %arg4[%get3A_9, %get3A_10] : memref<1x128xf32, #tpu.memory_space<vmem>>, vector<1x128xf32>
    %add3A = vector.broadcast %get3A_11 : vector<1x128xf32> to vector<1024x128xf32>
    %add3A_12 = arith.addf %dot_general3A_8, %add3A : vector<1024x128xf32>
    %max3A = arith.constant 0.000000e+00 : f32
    %max3A_13 = vector.broadcast %max3A : f32 to vector<1024x128xf32>
    %max3A_14 = arith.maximumf %add3A_12, %max3A_13 : vector<1024x128xf32>
    %get3A_15 = arith.constant 0 : index
    %get3A_16 = arith.constant 0 : index
    %get3A_17 = vector.load %arg5[%get3A_15, %get3A_16] : memref<128x256xf32, #tpu.memory_space<vmem>>, vector<128x256xf32>
    %dot_general3A_18 = arith.constant dense<0.000000e+00> : vector<1024x256xf32>
    %dot_general3A_19 = tpu.matmul %max3A_14, %get3A_17, %dot_general3A_18 {dimension_numbers = #tpu.dot_dimension_numbers<[1], [0], [0], [1], [0, 0, 1, 1], [], []>, transpose_lhs_hint = false} : vector<1024x128xf32>, vector<128x256xf32>, vector<1024x256xf32> -> vector<1024x256xf32>
    %get3A_20 = arith.constant 0 : index
    %get3A_21 = arith.constant 0 : index
    %get3A_22 = vector.load %arg6[%get3A_20, %get3A_21] : memref<1x256xf32, #tpu.memory_space<vmem>>, vector<1x256xf32>
    %add3A_23 = vector.broadcast %get3A_22 : vector<1x256xf32> to vector<1024x256xf32>
    %add3A_24 = arith.addf %dot_general3A_19, %add3A_23 : vector<1024x256xf32>
    %max3A_25 = arith.constant 0.000000e+00 : f32
    %max3A_26 = vector.broadcast %max3A_25 : f32 to vector<1024x256xf32>
    %max3A_27 = arith.maximumf %add3A_24, %max3A_26 : vector<1024x256xf32>
    %get3A_28 = arith.constant 0 : index
    %get3A_29 = arith.constant 0 : index
    %get3A_30 = vector.load %arg7[%get3A_28, %get3A_29] : memref<256x32xf32, #tpu.memory_space<vmem>>, vector<256x32xf32>
    %dot_general3A_31 = arith.constant dense<0.000000e+00> : vector<1024x32xf32>
    %dot_general3A_32 = tpu.matmul %max3A_27, %get3A_30, %dot_general3A_31 {dimension_numbers = #tpu.dot_dimension_numbers<[1], [0], [0], [1], [0, 0, 1, 1], [], []>, transpose_lhs_hint = false} : vector<1024x256xf32>, vector<256x32xf32>, vector<1024x32xf32> -> vector<1024x32xf32>
    %get3A_33 = arith.constant 0 : index
    %get3A_34 = arith.constant 0 : index
    %get3A_35 = vector.load %arg8[%get3A_33, %get3A_34] : memref<1x32xf32, #tpu.memory_space<vmem>>, vector<1x32xf32>
    %add3A_36 = vector.broadcast %get3A_35 : vector<1x32xf32> to vector<1024x32xf32>
    %add3A_37 = arith.addf %dot_general3A_32, %add3A_36 : vector<1024x32xf32>
    %max3A_38 = arith.constant 0.000000e+00 : f32
    %max3A_39 = vector.broadcast %max3A_38 : f32 to vector<1024x32xf32>
    %max3A_40 = arith.maximumf %add3A_37, %max3A_39 : vector<1024x32xf32>
    %get3A_41 = arith.constant 0 : index
    %get3A_42 = arith.constant 0 : index
    %get3A_43 = vector.load %arg9[%get3A_41, %get3A_42] : memref<1x32xf32, #tpu.memory_space<vmem>>, vector<1x32xf32>
    %mul3A = vector.broadcast %get3A_43 : vector<1x32xf32> to vector<1024x32xf32>
    %mul3A_44 = arith.mulf %max3A_40, %mul3A : vector<1024x32xf32>
    %reduce_sum3A = arith.constant dense<0.000000e+00> : vector<1024xf32>
    %reduce_sum3A_45 = vector.multi_reduction <add>, %mul3A_44, %reduce_sum3A [1] : vector<1024x32xf32> to vector<1024xf32>
    %get3A_46 = arith.constant 0 : index
    %get3A_47 = vector.load %arg2[%get3A_46] : memref<1024xf32, #tpu.memory_space<vmem>>, vector<1024xf32>
    %add3A_48 = arith.addf %get3A_47, %reduce_sum3A_45 : vector<1024xf32>
    %get3A_49 = arith.constant 0 : index
    %get3A_50 = vector.load %arg10[%get3A_49] : memref<1024xf32, #tpu.memory_space<vmem>>, vector<1024xf32>
    %add3A_51 = arith.addf %add3A_48, %get3A_50 : vector<1024xf32>
    %mul3A_52 = arith.constant 5.000000e-01 : f32
    %mul3A_53 = vector.broadcast %mul3A_52 : f32 to vector<1024xf32>
    %mul3A_54 = arith.mulf %mul3A_53, %add3A_51 : vector<1024xf32>
    %swap3A = arith.constant 0 : index
    %swap3A_55 = vector.load %arg11[%swap3A] : memref<1024xf32, #tpu.memory_space<vmem>>, vector<1024xf32>
    tpu.vector_store %arg11[%swap3A], %mul3A_54 {strides = array<i32>} : memref<1024xf32, #tpu.memory_space<vmem>>, vector<1024xf32>,
    return
  }
}

</mosaic_0001>

<sc_bundles>
// kernel: kernel.12.cloned.1.call-start
scs
__scs_entry_jumppad:
0x0: {  	(pc) =	sbr.rel $0x88, $3  }
0x1: {  	(tag) =	ssettag $0x0;
	lr =	simm.s32 $0x1  }
0x2: {  	[smem:$0x3F93] =	sst lr;
	_ =	strace $0xD0000000  }
0x3: {  	_ = 	snop  }
0x4: {  	_ = 	snop  }
0x5: {  	_ = 	snop  }
0x6: {  	_ = 	snop  }
0x7: {  	_ = 	snop  }
__scs_overlays_trampoline_lowered:
0x8: {  	[smem:$0x3FA2] =	sst s0  }
0x9: {  	[smem:$0x3FA3] =	sst s1  }
0xa: {  	[smem:$0x3FA4] =	sst s2  }
0xb: {  	[smem:$0x3FA5] =	sst s3  }
0xc: {  	[smem:$0x3FA6] =	sst s4  }
0xd: {  	[smem:$0x3FA7] =	sst s5  }
0xe: {  	[smem:$0x3FA8] =	sst s6  }
0xf: {  	[smem:$0x3FA9] =	sst s7  }
0x10: {  	[smem:$0x3FAA] =	sst s8  }
0x11: {  	[smem:$0x3FAB] =	sst s9;
	s0 =	simm.s32 @!p0 $0x0  }
0x12: {  	s1 =	sld [smem:$0x3F91];
	s0 =	simm.s32 @p0 $0x1  }
0x13: {  	[smem:$0x3FAC] =	sst s0;
	s0 =	simm.s32 @!p1 $0x0  }
0x14: {  	s2 =	sld [smem:$0x3F90];
	s0 =	simm.s32 @p1 $0x1  }
0x15: {  	[smem:$0x3FAD] =	sst s0;
	s0 =	simm.s32 @!p2 $0x0  }
0x16: {  	s3 =	sld [smem:$0x3FDB];
	s0 =	simm.s32 @p2 $0x1  }
0x17: {  	s4 =	simm.s32 $0x1BF5;
	[smem:$0x3FAF] =	sst s0  }
0x18: {  	s0 =	sld [smem:$0x3F92];
	_ =	swait.ge [sflag:s4], $0x0  }
0x19: {  	s7 =	sld [smem:$0x3F93]  }
0x1a: {  	s8 =	sadd.s32 $0xFFFFE003, lr  }
0x1b: {  	s9 =	sadd.s32 $0xFFFFFEF7, lr;
	s5 =	simm.s32 $0xFFFFFFFF;
	p2 =	slt.u32 s8, $0xFFFFF086  }
0x1c: {  	p1 =	slt.u32 s9, $0xF7A;
	s5 =	simm.s32 @!p2 $0x0  }
0x1d: {  	s5 =	simm.s32 @p1 $0x1;
	p0 =	seq.s32 s7, s2  }
0x1e: {  	s7 =	smul.u32 @!p0 $0xF7A, s2;
	p2 =	seq.s32 @!p0 s5, $0x0  }
0x1f: {  	s9 =	smul.u32 $0xF7A, s1;
	s8 =	simm.s32 @!p0 $0x1BF5;
	p2 =	por !p2, p0  }
0x20: {  	[sflag:s8] =	ssyncset.s32 @!p0 $0xFFFFF086;
	s6 =	sadd.s32 @!p0 s3, s7;
	s7 =	simm.s32 @!p0 $0x108  }
0x21: {  	s3 =	sadd.s32 s3, s9;
	s6 =	sadd.s32 @!p0 $0x88, s6;
	s7 =	simm.s32 @p2 $0x1082  }
0x22: {  	[simem:s7], [sflag:s8] =	dma.local @!p0 [hbm:s6], $0xF7A  }
0x23: {  	s9 =	sor.u32 $0xD0000000, s2;
	s6 =	simm.s32 $0x108;
	_ =	swait.ge @!p0 [sflag:s8], $0x0  }
0x24: {  	s3 =	sadd.s32 $0x88, s3;
	s6 =	simm.s32 @!p1 $0x1082;
	[sflag:s4] =	ssyncset.s32 $0xFFFFF086  }
0x25: {  	[simem:s6], [sflag:s4] =	dma.local [hbm:s3], $0xF7A  }
0x26: {  	[smem:$0x3F93] =	sst s1;
	(tag) =	ssettag s2;
	_ =	strace s9  }
0x27: {  	s1 =	sld [smem:$0x3FA3]  }
0x28: {  	s2 =	sld [smem:$0x3FA4]  }
0x29: {  	s4 =	sld [smem:$0x3FA6]  }
0x2a: {  	p0 =	seq.s32 s5, $0x0;
	s5 =	sld [smem:$0x3FA7]  }
0x2b: {  	s6 =	sld [smem:$0x3FA8]  }
0x2c: {  	s7 =	sld [smem:$0x3FA9]  }
0x2d: {  	s3 =	simm.s32 $0x108;
	s8 =	sld [smem:$0x3FAA]  }
0x2e: {  	s3 =	simm.s32 @!p0 $0x1082;
	s9 =	sld [smem:$0x3FAB]  }
0x2f: {  	lr =	sadd.s32 s0, s3;
	s0 =	sld [smem:$0x3FA2]  }
0x30: {  	s3 =	sld [smem:$0x3FA5]  }
0x31: {  	[smem:$0x3FAE] =	sst s10  }
0x32: {  	s10 =	sld [smem:$0x3FAC];
	_ =	sdelay $0x3  }
0x33: {  	p0 =	seq.s32 s10, $0x1;
	s10 =	sld [smem:$0x3FAE];
	_ =	sdelay $0x3  }
0x34: {  	[smem:$0x3FAE] =	sst s10  }
0x35: {  	s10 =	sld [smem:$0x3FAD];
	_ =	sdelay $0x3  }
0x36: {  	p1 =	seq.s32 s10, $0x1;
	s10 =	sld [smem:$0x3FAE];
	_ =	sdelay $0x3  }
0x37: {  	[smem:$0x3FAE] =	sst s10  }
0x38: {  	s10 =	sld [smem:$0x3FAF]  }
0x39: {  	_ = 	snop;
	(pc) =	sbr.ind lr, $3  }
0x3a: {  	_ = 	snop  }
0x3b: {  	_ = 	snop  }
0x3c: {  	p2 =	seq.s32 s10, $0x1;
	s10 =	sld [smem:$0x3FAE]  }
0x3d: {  	_ =	shalt  }
0x3e: {  	_ =	shalt  }
0x3f: {  	_ =	shalt  }
0x40: {  	_ =	shalt  }
0x41: {  	_ =	shalt  }
0x42: {  	_ =	shalt  }
0x43: {  	_ =	shalt  }
0x44: {  	_ =	shalt  }
0x45: {  	_ =	shalt  }
0x46: {  	_ =	shalt  }
0x47: {  	_ =	shalt  }
0x48: {  	_ =	shalt  }
0x49: {  	_ =	shalt  }
0x4a: {  	_ =	shalt  }
0x4b: {  	_ =	shalt  }
0x4c: {  	_ =	shalt  }
0x4d: {  	_ =	shalt  }
0x4e: {  	_ =	shalt  }
0x4f: {  	_ =	shalt  }
0x50: {  	_ =	shalt  }
0x51: {  	_ =	shalt  }
0x52: {  	_ =	shalt  }
0x53: {  	_ =	shalt  }
0x54: {  	_ =	shalt  }
0x55: {  	_ =	shalt  }
0x56: {  	_ =	shalt  }
0x57: {  	_ =	shalt  }
0x58: {  	_ =	shalt  }
0x59: {  	_ =	shalt  }
0x5a: {  	_ =	shalt  }
0x5b: {  	_ =	shalt  }
0x5c: {  	_ =	shalt  }
0x5d: {  	_ =	shalt  }
0x5e: {  	_ =	shalt  }
0x5f: {  	_ =	shalt  }
0x60: {  	_ =	shalt  }
0x61: {  	_ =	shalt  }
0x62: {  	_ =	shalt  }
0x63: {  	_ =	shalt  }
0x64: {  	_ =	shalt  }
0x65: {  	_ =	shalt  }
0x66: {  	_ =	shalt  }
0x67: {  	_ =	shalt  }
0x68: {  	_ =	shalt  }
0x69: {  	_ =	shalt  }
0x6a: {  	_ =	shalt  }
0x6b: {  	_ =	shalt  }
0x6c: {  	_ =	shalt  }
0x6d: {  	_ =	shalt  }
0x6e: {  	_ =	shalt  }
0x6f: {  	_ =	shalt  }
0x70: {  	_ =	shalt  }
0x71: {  	_ =	shalt  }
0x72: {  	_ =	shalt  }
0x73: {  	_ =	shalt  }
0x74: {  	_ =	shalt  }
0x75: {  	_ =	shalt  }
0x76: {  	_ =	shalt  }
0x77: {  	_ =	shalt  }
0x78: {  	_ =	shalt  }
0x79: {  	_ =	shalt  }
0x7a: {  	_ =	shalt  }
0x7b: {  	_ =	shalt  }
0x7c: {  	_ =	shalt  }
0x7d: {  	_ =	shalt  }
0x7e: {  	_ =	shalt  }
0x7f: {  	_ =	shalt  }
0x80: {  	_ =	shalt  }
0x81: {  	_ =	shalt  }
0x82: {  	_ =	shalt  }
0x83: {  	_ =	shalt  }
0x84: {  	_ =	shalt  }
0x85: {  	_ =	shalt  }
0x86: {  	_ =	shalt  }
0x87: {  	_ =	shalt  }
.Lfunc_end0:
.L_simem_size_0:
called_computation.2_lowered:
.L_overlay_start_0:
0x88: {  	s2 =	sld [smem:$0x3FD9]  }
0x89: {  	s3 =	sld [smem:$0x3FFE];
	_ =	sdelay $0x1  }
0x8a: {  	s1 =	srdreg.scid  }
0x8b: {  	s0 =	sand.u32 $0x1, s1  }
0x8c: {  	s17 =	sshll.u32 s0, $0xA;
	s2 =	sadd.s32 s3, s2  }
0x8d: {  	s2 =	sadd.s32 s2, s17  }
0x8e: {  	[smem:$0x3FBA] =	sst s2  }
0x8f: {  	_ = 	snop  }
0x90: {  	s18 =	sld [smem:$0x3FC8];
	(tm) =	ssettm $0x1  }
0x91: {  	s19 =	sld [smem:$0x3FFB];
	_ =	sdelay $0x3  }
0x92: {  	_ =	strace s19  }
0x93: {  	s2 =	sld [smem:$0x3FFC];
	_ =	sdelay $0x3  }
0x94: {  	_ =	strace s2  }
0x95: {  	s2 =	sld [smem:$0x3FFD];
	_ =	sdelay $0x3  }
0x96: {  	_ =	strace s2  }
0x97: {  	_ =	strace $0x8FFFFFFF  }
0x98: {  	s20 =	sld [smem:$0x3FDB];
	_ =	sdelay $0x1  }
0x99: {  	s4 =	simm.s32 $_scs_section_size  }
0x9a: {  	s5 =	simm.s32 $_size__tile_overlayer_lowered;
	s6 =	simm.s32 $_tile_overlayer_lowered  }
0x9b: {  	s7 =	simm.s32 $0x1BFF;
	s21 =	sshll.u32 s6, $0x1;
	s4 =	sadd.s32 s4, s20  }
0x9c: {  	s22 =	simm.s32 $0x0;
	s5 =	sshll.u32 s5, $0x1;
	s6 =	sadd.s32 s21, s4  }
0x9d: {  	[timem:s22], [sflag:s7] =	dma.local [hbm:s6], s5  }
0x9e: {  	_ =	swait.ge [sflag:s7], s5  }
0x9f: {  	s5 =	ssub.s32 $0x0, s5;
	[sflag:s7] =	ssyncset.done $0x0  }
0xa0: {  	[sflag:s7] =	ssyncadd.s32 s5;
	_ =	sdelay $0x1  }
0xa1: {  	s23 =	simm.s32 $0x1B8B  }
0xa2: {  	_ =	swait.ge [sflag:s23], $0x1  }
0xa3: {  	[sflag:s23] =	ssyncset.done $0x0  }
0xa4: {  	[sflag:s23] =	ssyncadd.s32 $0xFFFFFFFF  }
0xa5: {  	s5 =	sld [smem:$0x0]  }
0xa6: {  	s6 =	sand.u32 $0xFFFFFFFE, s1  }
0xa7: {  	p0 =	sne.s32 s1, s6  }
0xa8: {  	s6 =	sshll.u32 @p0 s6, $0xE  }
0xa9: {  	s6 =	sadd.s32 @p0 $0x11B8D, s6;
	s7 =	sshll.u32 @p0 s5, $0x11  }
0xaa: {  	s6 =	sor.u32 @p0 s7, s6  }
0xab: {  	[sflag:s6] =	ssyncadd.remote.s32 @p0 $0x1;
	_ =	sdelay $0x1  }
0xac: {  	s6 =	simm.s32 @p0 $0x1B8D  }
0xad: {  	_ =	swait.eq @p0 [sflag:s6], $0x1  }
0xae: {  	[sflag:s6] =	ssyncadd.s32 @p0 $0xFFFFFFFF  }
0xaf: {  	s7 =	sshll.u32 @!p0 s1, $0xE  }
0xb0: {  	s7 =	sor.u32 @!p0 $0x4000, s7;
	s6 =	simm.s32 @!p0 $0x1B8D  }
0xb1: {  	s5 =	sshll.u32 @!p0 s5, $0x11;
	s7 =	sadd.s32 @!p0 $0x11B8D, s7;
	_ =	swait.eq @!p0 [sflag:s6], $0x1  }
0xb2: {  	s5 =	sor.u32 @!p0 s5, s7;
	[sflag:s6] =	ssyncadd.s32 @!p0 $0xFFFFFFFF  }
0xb3: {  	s25 =	simm.s32 $0x1B8E;
	s24 =	sld [smem:$0x3FFE];
	[sflag:s5] =	ssyncadd.remote.s32 @!p0 $0x1  }
0xb4: {  	s26 =	simm.s32 $execute0_lowered;
	[smem:$0x3FD2] =	sst s25  }
0xb5: {  	s6 =	sshll.u32 s26, $0x1;
	_ =	strace $0x80000049;
	[dreg:$0x1] =	wrdreg $0xFFFFFFFF  }
0xb6: {  	s28 =	simm.s32 $_size_execute0_lowered;
	s4 =	sadd.s32 s4, s6;
	[dreg:$0x0] =	wrdreg $0x0  }
0xb7: {  	s6 =	sshll.u32 s28, $0x1;
	[dreg:$0x2] =	wrdreg s4  }
0xb8: {  	[dreg:$0x3] =	wrdreg s6  }
0xb9: {  	[dreg:$0x4] =	wrdreg $0xC0  }
0xba: {  	_ =	task [dreg:s22], $0x5FFFF  }
0xbb: {  	[dreg:$0x1] =	wrdreg $0xFFFFFFFF  }
0xbc: {  	[dreg:$0x0] =	wrdreg $0x60  }
0xbd: {  	[dreg:$0x2] =	wrdreg s18  }
0xbe: {  	[dreg:$0x3] =	wrdreg s24  }
0xbf: {  	[dreg:$0x4] =	wrdreg $0xB  }
0xc0: {  	_ =	task.clear_ibuf [dreg:s22], $0x5FFFF;
	_ =	strace $0x90000049  }
0xc1: {  	s29 =	simm.s32 $0xB;
	_ =	strace $0x8000004B  }
0xc2: {  	_ =	swait.ge [sflag:s29], $0x1  }
0xc3: {  	[sflag:s29] =	ssyncadd.s32 $0xFFFFFFFF  }
0xc4: {  	_ =	strace $0x9000004B  }
0xc5: {  	_ =	sfence  }
0xc6: {  	s30 =	sld [smem:$0x0];
	_ =	sdelay $0x2  }
0xc7: {  	s31 =	sshll.u32 s1, $0xD;
	s1 =	sshrl.u32 s1, $0x2  }
0xc8: {  	s4 =	sand.u32 $0x4000, s31;
	s1 =	sadd.s32 s1, s30  }
0xc9: {  	s0 =	sor.u32 s4, s0;
	s1 =	sshll.u32 s1, $0x11  }
0xca: {  	s0 =	sor.u32 s1, s0  }
0xcb: {  	s0 =	sadd.s32 $0x8F2B, s0  }
0xcc: {  	[sflag:s0] =	ssyncadd.remote.s32 $0x1  }
0xcd: {  	_ =	sfence.sel $0xFFFF  }
0xce: {  	[dreg:$0x0] =	wrdreg $0xFFFFFFFF;
	(pc) =	sbr.abs _section_cstart, $3  }
0xcf: {  	[dreg:$0x1] =	wrdreg $0xFFFFFFFF  }
0xd0: {  	_ =	task.clear_ibuf [dreg:s22], $0x2FFFF;
	_ =	strace $0x9FFFFFFF  }
0xd1: {  	(tm) =	ssettm $0x7FFFFFFF  }
tec
execute0_lowered:
.L_overlay_start_1:
0x0: {  	(tag) =	ssettag $0x1  }
0x1: {  	s3 =	rddreg [dreg:$0x0]  }
0x2: {  	s1 =	srdreg.scid;
	s0 =	stileid.u32  }
0x3: {  	s5 =	rddreg [dreg:$0x1];
	s7 =	sand.u32 $0x1, s1;
	s4 =	sshll.u32 s0, $0x1  }
0x4: {  	s2 =	simm.s32 $0x0;
	s1 =	rddreg [dreg:$0x2];
	s6 =	sor.u32 s7, s4  }
0x5: {  	[smem:$0x7FF] =	sst s2;
	s4 =	sshll.u32 s6, $0x2  }
0x6: {  	_ =	strace $0x8000004A;
	s4 =	sadd.s32 s3, s4;
	s3 =	simm.s32 $0x2  }
0x7: {  	[tilespmem:s2], [sflag:$0x2] =	stream.linear.gather [hbm4b:s4+s2], $0x20, $0x38;
	[tilespmem:$0x420] =	vst v63  }
0x8: {  	_ =	swait.ge [sflag:s3], $0x20  }
0x9: {  	[sflag:s3] =	ssyncset.done $0x0  }
0xa: {  	[sflag:s3] =	ssyncadd.s32 $0xFFFFFFE0  }
0xb: {  	v3 =	vld [tilespmem:$0x10]  }
0xc: {  	v4 =	vld [tilespmem:$0x0]  }
0xd: {  	v17 =	vld [tilespmem:$0x10]  }
0xe: {  	v5 =	vld [tilespmem:$0x10]  }
0xf: {  	v6 =	vld [tilespmem:$0x10]  }
0x10: {  	v15 =	vld [tilespmem:$0x0]  }
0x11: {  	v8 =	vld [tilespmem:$0x10]  }
0x12: {  	v0 =	vlaneseq.u32;
	v2 =	vimm.s32 $0xF;
	v10 =	vld [tilespmem:$0x10]  }
0x13: {  	v1 =	vimm.s32 $0x8;
	v0 =	vmul.u32 $0x186A0, v0;
	v18 =	vld [tilespmem:$0x10];
	v7 =	vperm.xlane v3, v2  }
0x14: {  	v11 =	vld [tilespmem:$0x10];
	v3 =	vimm.s32 $0x7;
	v9 =	vperm.xlane v4, v1;
	v4 =	vimm.s32 $0x6  }
0x15: {  	v12 =	vld [tilespmem:$0x10];
	v15 =	vperm.xlane v15, v2;
	v13 =	vperm.xlane v5, v3;
	v7 =	vadd.s32 v0, v7  }
0x16: {  	v14 =	vld [tilespmem:$0x10];
	v5 =	vimm.s32 $0x5;
	v6 =	vperm.xlane v6, v4;
	v9 =	vadd.s32 v0, v9;
	[tilespmem:$0x210] =	vst v7  }
0x17: {  	v16 =	vld [tilespmem:$0x0];
	v8 =	vperm.xlane v8, v5;
	v15 =	vadd.s32 v0, v15;
	v7 =	vimm.s32 $0x4;
	[tilespmem:$0xA0] =	vst v9  }
0x18: {  	v20 =	vld [tilespmem:$0x0];
	v13 =	vadd.s32 v0, v13;
	v9 =	vimm.s32 $0x2;
	v6 =	vadd.s32 v0, v6;
	[tilespmem:$0x110] =	vst v15  }
0x19: {  	v21 =	vld [tilespmem:$0x0];
	v19 =	vperm.xlane v10, v7;
	[tilespmem:$0x190] =	vst v13;
	v10 =	vimm.s32 $0x1;
	v8 =	vadd.s32 v0, v8  }
0x1a: {  	v23 =	vld [tilespmem:$0x0];
	v11 =	vperm.xlane v11, v9;
	[tilespmem:$0x180] =	vst v6;
	v6 =	vimm.s32 $0x0;
	v12 =	vperm.xlane v12, v10  }
0x1b: {  	[tilespmem:$0x170] =	vst v8;
	v14 =	vperm.xlane v14, v6;
	v8 =	vimm.s32 $0xE;
	v13 =	vadd.s32 v0, v19;
	v19 =	vld [tilespmem:$0x0]  }
0x1c: {  	v24 =	vld [tilespmem:$0x10];
	v11 =	vadd.s32 v0, v11;
	v16 =	vperm.xlane v16, v8;
	[tilespmem:$0x160] =	vst v13;
	v12 =	vadd.s32 v0, v12  }
0x1d: {  	v25 =	vld [tilespmem:$0x0];
	[tilespmem:$0x140] =	vst v11;
	v13 =	vimm.s32 $0xD;
	v14 =	vadd.s32 v0, v14;
	v11 =	vimm.s32 $0xC  }
0x1e: {  	v26 =	vld [tilespmem:$0x0];
	v20 =	vperm.xlane v20, v13;
	[tilespmem:$0x120] =	vst v14;
	v21 =	vperm.xlane v21, v11;
	v14 =	vimm.s32 $0x9  }
0x1f: {  	v27 =	vld [tilespmem:$0x0];
	[tilespmem:$0x130] =	vst v12;
	v12 =	vimm.s32 $0xB;
	v16 =	vadd.s32 v0, v16;
	v23 =	vperm.xlane v23, v14  }
0x20: {  	s7 =	ssub.s32 $0x2, s7;
	[tilespmem:$0x100] =	vst v16;
	v16 =	vadd.s32 v0, v21;
	v15 =	vperm.xlane v19, v12;
	v19 =	vadd.s32 v0, v20;
	v20 =	vld [tilespmem:$0x0]  }
0x21: {  	s8 =	sshrl.u32 s7, $0x1;
	v21 =	vld [tilespmem:$0x0];
	[tilespmem:$0xE0] =	vst v16  }
0x22: {  	s8 =	ssub.s32 s7, s8;
	v22 =	vld [tilespmem:$0x0];
	v23 =	vadd.s32 v0, v23;
	[tilespmem:$0xF0] =	vst v19;
	v19 =	vperm.xlane v24, v13  }
0x23: {  	s17 =	smax.u32 s8, $0x1;
	v28 =	vld [tilespmem:$0x0];
	v16 =	vimm.s32 $0x3;
	v24 =	vperm.xlane v25, v3;
	[tilespmem:$0xB0] =	vst v23;
	v15 =	vadd.s32 v0, v15  }
0x24: {  	s9 =	simm.s32 $0x20;
	p0 =	sne.s32 s17, $0x1;
	v26 =	vperm.xlane v26, v4;
	v25 =	vld [tilespmem:$0x0];
	v18 =	vperm.xlane v18, v16;
	[tilespmem:$0xD0] =	vst v15;
	v19 =	vadd.s32 v0, v19  }
.Ltmp0:
0x25: {  	s10 =	simm.s32 $0xA0;
	s11 =	simm.s32 $0x2A0;
	v27 =	vperm.xlane v27, v16;
	v24 =	vadd.s32 v0, v24;
	[tilespmem:$0x1F0] =	vst v19;
	v19 =	vld [tilespmem:$0x10];
	v23 =	vperm.xlane v20, v5;
	(pc) =	sbr.rel @!p0 .LBB2_2-.Ltmp0, $4  }
0x26: {  	s12 =	simm.s32 $0x120;
	s14 =	simm.s32 $0x320;
	s6 =	sshll.u32 s6, $0x6;
	v15 =	vimm.s32 $0xA;
	v29 =	vperm.xlane v21, v7;
	v21 =	vadd.s32 v0, v26;
	[tilespmem:$0x90] =	vst v24;
	v20 =	vld [tilespmem:$0x0]  }
0x27: {  	s15 =	simm.s32 $0x1A0;
	s16 =	simm.s32 $0x3A0;
	s6 =	sadd.s32 s6, s5;
	v22 =	vperm.xlane v22, v15;
	[tilespmem:$0x80] =	vst v21;
	v24 =	vadd.s32 v0, v23;
	v23 =	vld [tilespmem:$0x10]  }
0x28: {  	s13 =	simm.s32 $0x1;
	s7 =	sadd.s32 $0x33800, s5;
	s5 =	sadd.s32 $0x64600, s6;
	v18 =	vadd.s32 v0, v18;
	v27 =	vadd.s32 v0, v27;
	v29 =	vadd.s32 v0, v29;
	[tilespmem:$0x70] =	vst v24;
	v24 =	vld [tilespmem:$0x10]  }
0x29: {  	s8 =	simm.s32 $0x80;
	s6 =	simm.s32 $0x220;
	s17 =	sadd.s32 $0xFFFFFFFF, s17;
	v21 =	vadd.s32 v0, v22;
	v22 =	vperm.xlane v28, v9;
	v26 =	vperm.xlane v25, v10;
	v25 =	vld [tilespmem:$0x10];
	[tilespmem:$0x60] =	vst v29  }
.LBB2_1:
0x2a: {  	p0 =	sne.s32 s17, $0x1;
	s17 =	sadd.s32 $0xFFFFFFFF, s17;
	[tilespmem:$0x50] =	vst v27  }
0x2b: {  	v17 =	vperm.xlane v17, v14;
	v26 =	vadd.s32 v0, v26;
	[tilespmem:$0x150] =	vst v18;
	v18 =	vld [tilespmem:$0x10]  }
0x2c: {  	v20 =	vperm.xlane v20, v6;
	[tilespmem:$0xC0] =	vst v21;
	v21 =	vperm.xlane v23, v1  }
0x2d: {  	v17 =	vadd.s32 v0, v17;
	[tilespmem:$0x30] =	vst v26;
	v23 =	vperm.xlane v24, v15  }
0x2e: {  	v20 =	vadd.s32 v0, v20;
	v21 =	vadd.s32 v0, v21;
	[tilespmem:$0x1B0] =	vst v17;
	v17 =	vperm.xlane v25, v12  }
0x2f: {  	v19 =	vperm.xlane v19, v8;
	[tilespmem:$0x1A0] =	vst v21;
	v21 =	vadd.s32 v0, v23  }
0x30: {  	v22 =	vadd.s32 v0, v22;
	[tilespmem:$0x1C0] =	vst v21;
	v17 =	vadd.s32 v0, v17;
	v18 =	vperm.xlane v18, v11  }
0x31: {  	[tilespmem:$0x1D0] =	vst v17;
	v17 =	vadd.s32 v0, v19  }
0x32: {  	[tilespmem:$0x40] =	vst v22;
	v18 =	vadd.s32 v0, v18  }
0x33: {  	[tilespmem:$0x1E0] =	vst v18  }
0x34: {  	[tilespmem:$0x20] =	vst v20  }
0x35: {  	[tilespmem:$0x200] =	vst v17  }
0x36: {  	[tilespmem:s6], [sflag:$0x1] =	stream.indirect.gather [hbm4b:s7+s8], $0x1, s9, s8, $0xb8;
	[tilespmem:$0x420] =	vst v63  }
0x37: {  	_ = 	snop  }
0x38: {  	[tilespmem:s11], [sflag:$0x1] =	stream.indirect.gather [hbm4b:s7+s8], $0x1, s10, s8, $0xb8;
	[tilespmem:$0x420] =	vst v63  }
0x39: {  	_ = 	snop  }
0x3a: {  	[tilespmem:s14], [sflag:$0x1] =	stream.indirect.gather [hbm4b:s7+s8], $0x1, s12, s8, $0xb8;
	[tilespmem:$0x420] =	vst v63  }
0x3b: {  	_ = 	snop  }
0x3c: {  	[tilespmem:s16], [sflag:$0x1] =	stream.indirect.gather [hbm4b:s7+s8], $0x1, s15, s8, $0xb8;
	[tilespmem:$0x420] =	vst v63  }
0x3d: {  	_ =	swait.ge [sflag:s13], $0x80  }
0x3e: {  	[sflag:s13] =	ssyncset.done $0x0  }
0x3f: {  	[sflag:s13] =	ssyncadd.s32 $0xFFFFFF80  }
0x40: {  	_ =	swait.ge [sflag:s13], $0x80  }
0x41: {  	[sflag:s13] =	ssyncset.done $0x0  }
0x42: {  	[sflag:s13] =	ssyncadd.s32 $0xFFFFFF80  }
0x43: {  	_ =	swait.ge [sflag:s13], $0x80  }
0x44: {  	[sflag:s13] =	ssyncset.done $0x0  }
0x45: {  	[sflag:s13] =	ssyncadd.s32 $0xFFFFFF80  }
0x46: {  	_ =	swait.ge [sflag:s13], $0x80  }
0x47: {  	[sflag:s13] =	ssyncset.done $0x0  }
0x48: {  	[sflag:s13] =	ssyncadd.s32 $0xFFFFFF80  }
0x49: {  	[hbm4b:s5+s2] =	stream.linear.scatter [tilespmem:s6], [sflag:$0x2], $0x200, $0x38;
	[tilespmem:$0x420] =	vst v63  }
0x4a: {  	_ =	swait.ge [sflag:s3], $0x200  }
0x4b: {  	[sflag:s3] =	ssyncset.done $0x0  }
0x4c: {  	[sflag:s3] =	ssyncadd.s32 $0xFFFFFE00  }
0x4d: {  	[tilespmem:s2], [sflag:$0x2] =	stream.linear.gather [hbm4b:s4+s2], $0x20, $0x38;
	[tilespmem:$0x420] =	vst v63  }
0x4e: {  	_ =	swait.ge [sflag:s3], $0x20  }
0x4f: {  	[sflag:s3] =	ssyncset.done $0x0  }
0x50: {  	[sflag:s3] =	ssyncadd.s32 $0xFFFFFFE0  }
0x51: {  	v18 =	vld [tilespmem:$0x10]  }
0x52: {  	v19 =	vld [tilespmem:$0x0]  }
0x53: {  	v17 =	vld [tilespmem:$0x10]  }
0x54: {  	v20 =	vld [tilespmem:$0x10]  }
0x55: {  	v21 =	vld [tilespmem:$0x10]  }
0x56: {  	v22 =	vld [tilespmem:$0x10];
	v18 =	vperm.xlane v18, v2  }
0x57: {  	v19 =	vperm.xlane v19, v1;
	v23 =	vld [tilespmem:$0x10]  }
0x58: {  	v24 =	vld [tilespmem:$0x10];
	v18 =	vadd.s32 v0, v18  }
0x59: {  	v19 =	vadd.s32 v0, v19;
	v25 =	vld [tilespmem:$0x10];
	v20 =	vperm.xlane v20, v3;
	[tilespmem:$0x210] =	vst v18  }
0x5a: {  	[tilespmem:$0xA0] =	vst v19;
	v18 =	vld [tilespmem:$0x10];
	v19 =	vperm.xlane v21, v4  }
0x5b: {  	v21 =	vld [tilespmem:$0x10];
	v22 =	vperm.xlane v22, v5;
	v20 =	vadd.s32 v0, v20  }
0x5c: {  	v26 =	vld [tilespmem:$0x0];
	v23 =	vperm.xlane v23, v7;
	v19 =	vadd.s32 v0, v19  }
0x5d: {  	v27 =	vld [tilespmem:$0x0];
	v24 =	vperm.xlane v24, v16;
	v22 =	vadd.s32 v0, v22  }
0x5e: {  	v28 =	vld [tilespmem:$0x0];
	v25 =	vperm.xlane v25, v9;
	v23 =	vadd.s32 v0, v23;
	[tilespmem:$0x190] =	vst v20  }
0x5f: {  	v20 =	vld [tilespmem:$0x0];
	v29 =	vperm.xlane v18, v10;
	v18 =	vadd.s32 v0, v24;
	[tilespmem:$0x180] =	vst v19  }
0x60: {  	v19 =	vld [tilespmem:$0x0];
	v21 =	vperm.xlane v21, v6;
	v24 =	vadd.s32 v0, v25;
	[tilespmem:$0x170] =	vst v22  }
0x61: {  	v22 =	vld [tilespmem:$0x0];
	v25 =	vperm.xlane v26, v2;
	v26 =	vadd.s32 v0, v29;
	[tilespmem:$0x160] =	vst v23  }
0x62: {  	v23 =	vld [tilespmem:$0x0];
	v27 =	vperm.xlane v27, v8;
	v21 =	vadd.s32 v0, v21;
	[tilespmem:$0x140] =	vst v24  }
0x63: {  	v24 =	vperm.xlane v28, v13;
	v25 =	vadd.s32 v0, v25;
	[tilespmem:$0x130] =	vst v26;
	v26 =	vld [tilespmem:$0x10]  }
0x64: {  	v28 =	vld [tilespmem:$0x0];
	v20 =	vperm.xlane v20, v11;
	v27 =	vadd.s32 v0, v27;
	[tilespmem:$0x120] =	vst v21  }
0x65: {  	v29 =	vld [tilespmem:$0x0];
	v19 =	vperm.xlane v19, v12;
	v21 =	vadd.s32 v0, v24;
	[tilespmem:$0x110] =	vst v25  }
0x66: {  	v24 =	vld [tilespmem:$0x0];
	v22 =	vperm.xlane v22, v15;
	v20 =	vadd.s32 v0, v20;
	[tilespmem:$0x100] =	vst v27  }
0x67: {  	v25 =	vld [tilespmem:$0x0];
	v23 =	vperm.xlane v23, v14;
	v19 =	vadd.s32 v0, v19;
	[tilespmem:$0xF0] =	vst v21  }
0x68: {  	v27 =	vld [tilespmem:$0x0];
	v21 =	vadd.s32 v0, v22;
	[tilespmem:$0xE0] =	vst v20;
	v20 =	vperm.xlane v26, v13  }
0x69: {  	v22 =	vld [tilespmem:$0x0];
	v26 =	vperm.xlane v28, v3;
	v23 =	vadd.s32 v0, v23;
	[tilespmem:$0xD0] =	vst v19  }
0x6a: {  	v28 =	vld [tilespmem:$0x0];
	v29 =	vperm.xlane v29, v4;
	[tilespmem:$0xB0] =	vst v23;
	v19 =	vadd.s32 v0, v20  }
.Ltmp1:
0x6b: {  	v23 =	vperm.xlane v24, v5;
	v24 =	vadd.s32 v0, v26;
	[tilespmem:$0x1F0] =	vst v19;
	v19 =	vld [tilespmem:$0x10];
	(pc) =	sbr.rel @p0 .LBB2_1-.Ltmp1, $4  }
0x6c: {  	v20 =	vld [tilespmem:$0x0];
	v25 =	vperm.xlane v25, v7;
	v26 =	vadd.s32 v0, v29;
	[tilespmem:$0x90] =	vst v24  }
0x6d: {  	v27 =	vperm.xlane v27, v16;
	v24 =	vadd.s32 v0, v23;
	[tilespmem:$0x80] =	vst v26;
	v23 =	vld [tilespmem:$0x10]  }
0x6e: {  	v22 =	vperm.xlane v22, v9;
	v25 =	vadd.s32 v0, v25;
	[tilespmem:$0x70] =	vst v24;
	v24 =	vld [tilespmem:$0x10]  }
0x6f: {  	v26 =	vperm.xlane v28, v10;
	v27 =	vadd.s32 v0, v27;
	[tilespmem:$0x60] =	vst v25;
	v25 =	vld [tilespmem:$0x10]  }
.LBB2_2:
0x70: {  	[tilespmem:$0x50] =	vst v27  }
0x71: {  	[tilespmem:$0x150] =	vst v18  }
0x72: {  	v2 =	vperm.xlane v17, v14;
	[tilespmem:$0xC0] =	vst v21;
	v4 =	vadd.s32 v0, v26  }
0x73: {  	v3 =	vld [tilespmem:$0x10];
	v62 =	vperm.xlane v19, v8;
	v61 =	vadd.s32 v0, v22;
	[tilespmem:$0x30] =	vst v4  }
0x74: {  	v1 =	vperm.xlane v23, v1;
	v2 =	vadd.s32 v0, v2;
	[tilespmem:$0x40] =	vst v61  }
0x75: {  	v63 =	vadd.s32 v0, v62;
	v55 =	vperm.xlane v24, v15;
	[tilespmem:$0x1B0] =	vst v2  }
0x76: {  	v60 =	vperm.xlane v20, v6;
	[tilespmem:$0x200] =	vst v63;
	v1 =	vadd.s32 v0, v1  }
0x77: {  	v56 =	vperm.xlane v25, v12;
	[tilespmem:$0x1A0] =	vst v1;
	v57 =	vadd.s32 v0, v55  }
0x78: {  	v59 =	vperm.xlane v3, v11;
	v3 =	vadd.s32 v0, v60;
	[tilespmem:$0x1C0] =	vst v57  }
0x79: {  	v58 =	vadd.s32 v0, v56;
	[tilespmem:$0x20] =	vst v3  }
0x7a: {  	[tilespmem:$0x1D0] =	vst v58;
	v2 =	vadd.s32 v0, v59  }
0x7b: {  	[tilespmem:$0x1E0] =	vst v2  }
0x7c: {  	[tilespmem:s6], [sflag:$0x1] =	stream.indirect.gather [hbm4b:s7+s8], $0x1, s9, s8, $0xb8;
	[tilespmem:$0x420] =	vst v63  }
0x7d: {  	_ = 	snop  }
0x7e: {  	[tilespmem:s11], [sflag:$0x1] =	stream.indirect.gather [hbm4b:s7+s8], $0x1, s10, s8, $0xb8;
	[tilespmem:$0x420] =	vst v63  }
0x7f: {  	_ = 	snop  }
0x80: {  	[tilespmem:s14], [sflag:$0x1] =	stream.indirect.gather [hbm4b:s7+s8], $0x1, s12, s8, $0xb8;
	[tilespmem:$0x420] =	vst v63  }
0x81: {  	_ = 	snop  }
0x82: {  	[tilespmem:s16], [sflag:$0x1] =	stream.indirect.gather [hbm4b:s7+s8], $0x1, s15, s8, $0xb8;
	[tilespmem:$0x420] =	vst v63  }
0x83: {  	_ =	swait.ge [sflag:s13], $0x80  }
0x84: {  	[sflag:s13] =	ssyncset.done $0x0  }
0x85: {  	[sflag:s13] =	ssyncadd.s32 $0xFFFFFF80  }
0x86: {  	_ =	swait.ge [sflag:s13], $0x80  }
0x87: {  	[sflag:s13] =	ssyncset.done $0x0  }
0x88: {  	[sflag:s13] =	ssyncadd.s32 $0xFFFFFF80  }
0x89: {  	_ =	swait.ge [sflag:s13], $0x80  }
0x8a: {  	[sflag:s13] =	ssyncset.done $0x0  }
0x8b: {  	[sflag:s13] =	ssyncadd.s32 $0xFFFFFF80  }
0x8c: {  	_ =	swait.ge [sflag:s13], $0x80  }
0x8d: {  	[sflag:s13] =	ssyncset.done $0x0  }
0x8e: {  	[sflag:s13] =	ssyncadd.s32 $0xFFFFFF80  }
0x8f: {  	[hbm4b:s5+s2] =	stream.linear.scatter [tilespmem:s6], [sflag:$0x2], $0x200, $0x38;
	[tilespmem:$0x420] =	vst v63  }
0x90: {  	_ =	swait.ge [sflag:s3], $0x200  }
0x91: {  	[sflag:s3] =	ssyncset.done $0x0  }
0x92: {  	[sflag:s3] =	ssyncadd.s32 $0xFFFFFE00  }
0x93: {  	_ =	sfence.sel $0x180000  }
0x94: {  	[bflag:$0x0] =	sbarrier.arrive $0xFFFF  }
0x95: {  	p0 =	sne.s32 s0, $0x0;
	_ =	strace $0x9000004A  }
0x96: {  	s0 =	sadd.s32 @!p0 $0x100000, s1;
	[bflag:$0x2] =	sbarrier.arrive $0xFFFF  }
0x97: {  	[sflag:s0] =	ssyncadd.tile.s32 @!p0 $0x1;
	_ =	shalt  }
.Lfunc_end2:
_tile_overlayer_lowered:
.L_overlay_start_2:
0x98: {  	(tag) =	ssettag $0x2  }
0x99: {  	s0 =	rddreg [dreg:$0x0];
	s2 =	stileid.u32  }
0x9a: {  	s1 =	rddreg [dreg:$0x1];
	p0 =	sne.s32 s2, $0x0  }
0x9b: {  	s3 =	rddreg [dreg:$0x2];
	[bflag:$0x3] =	sbarrier.arrive $0xFFFF;
	s2 =	simm.s32 @!p0 $0x1C02  }
0x9c: {  	[timem:s3], [sflag:s2] =	dma.local @!p0 [hbm:s0], s1  }
0x9d: {  	s0 =	simm.s32 @!p0 $0x2  }
0x9e: {  	_ =	swait.ge @!p0 [sflag:s0], s1  }
0x9f: {  	s1 =	ssub.s32 @!p0 $0x0, s1;
	[sflag:s0] =	ssyncset.done @!p0 $0x0  }
0xa0: {  	[sflag:s0] =	ssyncadd.s32 @!p0 s1  }
0xa1: {  	[bflag:$0x3] =	sbarrier.arrive $0xFFFF  }
0xa2: {  	_ =	shalt  }

// kernel: kernel.6.cloned.1.call-start
scs
__scs_entry_jumppad:
0x0: {  	(pc) =	sbr.rel $0x88, $3  }
0x1: {  	(tag) =	ssettag $0x0;
	lr =	simm.s32 $0x1  }
0x2: {  	[smem:$0x3F93] =	sst lr;
	_ =	strace $0xD0000000  }
0x3: {  	_ = 	snop  }
0x4: {  	_ = 	snop  }
0x5: {  	_ = 	snop  }
0x6: {  	_ = 	snop  }
0x7: {  	_ = 	snop  }
__scs_overlays_trampoline_lowered:
0x8: {  	[smem:$0x3FA2] =	sst s0  }
0x9: {  	[smem:$0x3FA3] =	sst s1  }
0xa: {  	[smem:$0x3FA4] =	sst s2  }
0xb: {  	[smem:$0x3FA5] =	sst s3  }
0xc: {  	[smem:$0x3FA6] =	sst s4  }
0xd: {  	[smem:$0x3FA7] =	sst s5  }
0xe: {  	[smem:$0x3FA8] =	sst s6  }
0xf: {  	[smem:$0x3FA9] =	sst s7  }
0x10: {  	[smem:$0x3FAA] =	sst s8  }
0x11: {  	[smem:$0x3FAB] =	sst s9;
	s0 =	simm.s32 @!p0 $0x0  }
0x12: {  	s1 =	sld [smem:$0x3F91];
	s0 =	simm.s32 @p0 $0x1  }
0x13: {  	[smem:$0x3FAC] =	sst s0;
	s0 =	simm.s32 @!p1 $0x0  }
0x14: {  	s2 =	sld [smem:$0x3F90];
	s0 =	simm.s32 @p1 $0x1  }
0x15: {  	[smem:$0x3FAD] =	sst s0;
	s0 =	simm.s32 @!p2 $0x0  }
0x16: {  	s3 =	sld [smem:$0x3FDB];
	s0 =	simm.s32 @p2 $0x1  }
0x17: {  	s4 =	simm.s32 $0x1BF5;
	[smem:$0x3FAF] =	sst s0  }
0x18: {  	s0 =	sld [smem:$0x3F92];
	_ =	swait.ge [sflag:s4], $0x0  }
0x19: {  	s7 =	sld [smem:$0x3F93]  }
0x1a: {  	s8 =	sadd.s32 $0xFFFFE003, lr  }
0x1b: {  	s9 =	sadd.s32 $0xFFFFFEF7, lr;
	s5 =	simm.s32 $0xFFFFFFFF;
	p2 =	slt.u32 s8, $0xFFFFF086  }
0x1c: {  	p1 =	slt.u32 s9, $0xF7A;
	s5 =	simm.s32 @!p2 $0x0  }
0x1d: {  	s5 =	simm.s32 @p1 $0x1;
	p0 =	seq.s32 s7, s2  }
0x1e: {  	s7 =	smul.u32 @!p0 $0xF7A, s2;
	p2 =	seq.s32 @!p0 s5, $0x0  }
0x1f: {  	s9 =	smul.u32 $0xF7A, s1;
	s8 =	simm.s32 @!p0 $0x1BF5;
	p2 =	por !p2, p0  }
0x20: {  	[sflag:s8] =	ssyncset.s32 @!p0 $0xFFFFF086;
	s6 =	sadd.s32 @!p0 s3, s7;
	s7 =	simm.s32 @!p0 $0x108  }
0x21: {  	s3 =	sadd.s32 s3, s9;
	s6 =	sadd.s32 @!p0 $0x88, s6;
	s7 =	simm.s32 @p2 $0x1082  }
0x22: {  	[simem:s7], [sflag:s8] =	dma.local @!p0 [hbm:s6], $0xF7A  }
0x23: {  	s9 =	sor.u32 $0xD0000000, s2;
	s6 =	simm.s32 $0x108;
	_ =	swait.ge @!p0 [sflag:s8], $0x0  }
0x24: {  	s3 =	sadd.s32 $0x88, s3;
	s6 =	simm.s32 @!p1 $0x1082;
	[sflag:s4] =	ssyncset.s32 $0xFFFFF086  }
0x25: {  	[simem:s6], [sflag:s4] =	dma.local [hbm:s3], $0xF7A  }
0x26: {  	[smem:$0x3F93] =	sst s1;
	(tag) =	ssettag s2;
	_ =	strace s9  }
0x27: {  	s1 =	sld [smem:$0x3FA3]  }
0x28: {  	s2 =	sld [smem:$0x3FA4]  }
0x29: {  	s4 =	sld [smem:$0x3FA6]  }
0x2a: {  	p0 =	seq.s32 s5, $0x0;
	s5 =	sld [smem:$0x3FA7]  }
0x2b: {  	s6 =	sld [smem:$0x3FA8]  }
0x2c: {  	s7 =	sld [smem:$0x3FA9]  }
0x2d: {  	s3 =	simm.s32 $0x108;
	s8 =	sld [smem:$0x3FAA]  }
0x2e: {  	s3 =	simm.s32 @!p0 $0x1082;
	s9 =	sld [smem:$0x3FAB]  }
0x2f: {  	lr =	sadd.s32 s0, s3;
	s0 =	sld [smem:$0x3FA2]  }
0x30: {  	s3 =	sld [smem:$0x3FA5]  }
0x31: {  	[smem:$0x3FAE] =	sst s10  }
0x32: {  	s10 =	sld [smem:$0x3FAC];
	_ =	sdelay $0x3  }
0x33: {  	p0 =	seq.s32 s10, $0x1;
	s10 =	sld [smem:$0x3FAE];
	_ =	sdelay $0x3  }
0x34: {  	[smem:$0x3FAE] =	sst s10  }
0x35: {  	s10 =	sld [smem:$0x3FAD];
	_ =	sdelay $0x3  }
0x36: {  	p1 =	seq.s32 s10, $0x1;
	s10 =	sld [smem:$0x3FAE];
	_ =	sdelay $0x3  }
0x37: {  	[smem:$0x3FAE] =	sst s10  }
0x38: {  	s10 =	sld [smem:$0x3FAF]  }
0x39: {  	_ = 	snop;
	(pc) =	sbr.ind lr, $3  }
0x3a: {  	_ = 	snop  }
0x3b: {  	_ = 	snop  }
0x3c: {  	p2 =	seq.s32 s10, $0x1;
	s10 =	sld [smem:$0x3FAE]  }
0x3d: {  	_ =	shalt  }
0x3e: {  	_ =	shalt  }
0x3f: {  	_ =	shalt  }
0x40: {  	_ =	shalt  }
0x41: {  	_ =	shalt  }
0x42: {  	_ =	shalt  }
0x43: {  	_ =	shalt  }
0x44: {  	_ =	shalt  }
0x45: {  	_ =	shalt  }
0x46: {  	_ =	shalt  }
0x47: {  	_ =	shalt  }
0x48: {  	_ =	shalt  }
0x49: {  	_ =	shalt  }
0x4a: {  	_ =	shalt  }
0x4b: {  	_ =	shalt  }
0x4c: {  	_ =	shalt  }
0x4d: {  	_ =	shalt  }
0x4e: {  	_ =	shalt  }
0x4f: {  	_ =	shalt  }
0x50: {  	_ =	shalt  }
0x51: {  	_ =	shalt  }
0x52: {  	_ =	shalt  }
0x53: {  	_ =	shalt  }
0x54: {  	_ =	shalt  }
0x55: {  	_ =	shalt  }
0x56: {  	_ =	shalt  }
0x57: {  	_ =	shalt  }
0x58: {  	_ =	shalt  }
0x59: {  	_ =	shalt  }
0x5a: {  	_ =	shalt  }
0x5b: {  	_ =	shalt  }
0x5c: {  	_ =	shalt  }
0x5d: {  	_ =	shalt  }
0x5e: {  	_ =	shalt  }
0x5f: {  	_ =	shalt  }
0x60: {  	_ =	shalt  }
0x61: {  	_ =	shalt  }
0x62: {  	_ =	shalt  }
0x63: {  	_ =	shalt  }
0x64: {  	_ =	shalt  }
0x65: {  	_ =	shalt  }
0x66: {  	_ =	shalt  }
0x67: {  	_ =	shalt  }
0x68: {  	_ =	shalt  }
0x69: {  	_ =	shalt  }
0x6a: {  	_ =	shalt  }
0x6b: {  	_ =	shalt  }
0x6c: {  	_ =	shalt  }
0x6d: {  	_ =	shalt  }
0x6e: {  	_ =	shalt  }
0x6f: {  	_ =	shalt  }
0x70: {  	_ =	shalt  }
0x71: {  	_ =	shalt  }
0x72: {  	_ =	shalt  }
0x73: {  	_ =	shalt  }
0x74: {  	_ =	shalt  }
0x75: {  	_ =	shalt  }
0x76: {  	_ =	shalt  }
0x77: {  	_ =	shalt  }
0x78: {  	_ =	shalt  }
0x79: {  	_ =	shalt  }
0x7a: {  	_ =	shalt  }
0x7b: {  	_ =	shalt  }
0x7c: {  	_ =	shalt  }
0x7d: {  	_ =	shalt  }
0x7e: {  	_ =	shalt  }
0x7f: {  	_ =	shalt  }
0x80: {  	_ =	shalt  }
0x81: {  	_ =	shalt  }
0x82: {  	_ =	shalt  }
0x83: {  	_ =	shalt  }
0x84: {  	_ =	shalt  }
0x85: {  	_ =	shalt  }
0x86: {  	_ =	shalt  }
0x87: {  	_ =	shalt  }
.Lfunc_end0:
.L_simem_size_0:
called_computation_lowered:
.L_overlay_start_0:
0x88: {  	s2 =	sld [smem:$0x3FD9]  }
0x89: {  	s3 =	sld [smem:$0x3FFE];
	_ =	sdelay $0x1  }
0x8a: {  	s1 =	srdreg.scid  }
0x8b: {  	s0 =	sand.u32 $0x1, s1  }
0x8c: {  	s17 =	sshll.u32 s0, $0xA;
	s2 =	sadd.s32 s3, s2  }
0x8d: {  	s2 =	sadd.s32 s2, s17  }
0x8e: {  	[smem:$0x3FBA] =	sst s2  }
0x8f: {  	_ = 	snop  }
0x90: {  	s4 =	sld [smem:$0x3FC9]  }
0x91: {  	s5 =	sld [smem:$0x3FC8]  }
0x92: {  	s18 =	sld [smem:$0x3FD0];
	(tm) =	ssettm $0x1  }
0x93: {  	s19 =	sld [smem:$0x3FFB];
	_ =	sdelay $0x3  }
0x94: {  	_ =	strace s19  }
0x95: {  	s2 =	sld [smem:$0x3FFC];
	_ =	sdelay $0x3  }
0x96: {  	_ =	strace s2  }
0x97: {  	s2 =	sld [smem:$0x3FFD];
	_ =	sdelay $0x3  }
0x98: {  	_ =	strace s2  }
0x99: {  	_ =	strace $0x8FFFFFFF  }
0x9a: {  	s20 =	sld [smem:$0x3FDB];
	_ =	sdelay $0x1  }
0x9b: {  	s6 =	simm.s32 $_scs_section_size  }
0x9c: {  	s7 =	simm.s32 $_size__tile_overlayer_lowered;
	s8 =	simm.s32 $_tile_overlayer_lowered  }
0x9d: {  	s9 =	simm.s32 $0x1BFF;
	s21 =	sshll.u32 s8, $0x1;
	s6 =	sadd.s32 s6, s20  }
0x9e: {  	s22 =	simm.s32 $0x0;
	s7 =	sshll.u32 s7, $0x1;
	s8 =	sadd.s32 s21, s6  }
0x9f: {  	[timem:s22], [sflag:s9] =	dma.local [hbm:s8], s7  }
0xa0: {  	_ =	swait.ge [sflag:s9], s7  }
0xa1: {  	s7 =	ssub.s32 $0x0, s7;
	[sflag:s9] =	ssyncset.done $0x0  }
0xa2: {  	[sflag:s9] =	ssyncadd.s32 s7;
	_ =	sdelay $0x1  }
0xa3: {  	s23 =	simm.s32 $0x1B8B  }
0xa4: {  	_ =	swait.ge [sflag:s23], $0x1  }
0xa5: {  	[sflag:s23] =	ssyncset.done $0x0  }
0xa6: {  	[sflag:s23] =	ssyncadd.s32 $0xFFFFFFFF  }
0xa7: {  	s7 =	sld [smem:$0x0]  }
0xa8: {  	s8 =	sand.u32 $0xFFFFFFFE, s1  }
0xa9: {  	p0 =	sne.s32 s1, s8  }
0xaa: {  	s8 =	sshll.u32 @p0 s8, $0xE  }
0xab: {  	s8 =	sadd.s32 @p0 $0x11B8D, s8;
	s9 =	sshll.u32 @p0 s7, $0x11  }
0xac: {  	s8 =	sor.u32 @p0 s9, s8  }
0xad: {  	[sflag:s8] =	ssyncadd.remote.s32 @p0 $0x1;
	_ =	sdelay $0x1  }
0xae: {  	s8 =	simm.s32 @p0 $0x1B8D  }
0xaf: {  	_ =	swait.eq @p0 [sflag:s8], $0x1  }
0xb0: {  	[sflag:s8] =	ssyncadd.s32 @p0 $0xFFFFFFFF  }
0xb1: {  	s9 =	sshll.u32 @!p0 s1, $0xE  }
0xb2: {  	s9 =	sor.u32 @!p0 $0x4000, s9;
	s8 =	simm.s32 @!p0 $0x1B8D  }
0xb3: {  	s7 =	sshll.u32 @!p0 s7, $0x11;
	s9 =	sadd.s32 @!p0 $0x11B8D, s9;
	_ =	swait.eq @!p0 [sflag:s8], $0x1  }
0xb4: {  	s7 =	sor.u32 @!p0 s7, s9;
	[sflag:s8] =	ssyncadd.s32 @!p0 $0xFFFFFFFF  }
0xb5: {  	s25 =	simm.s32 $0x1B8E;
	s24 =	sld [smem:$0x3FFE];
	[sflag:s7] =	ssyncadd.remote.s32 @!p0 $0x1  }
0xb6: {  	s26 =	simm.s32 $execute0_lowered;
	[smem:$0x3FD2] =	sst s25  }
0xb7: {  	s8 =	sshll.u32 s26, $0x1;
	_ =	strace $0x8000004C;
	[dreg:$0x1] =	wrdreg $0xFFFFFFFF  }
0xb8: {  	s28 =	simm.s32 $_size_execute0_lowered;
	s6 =	sadd.s32 s6, s8;
	[dreg:$0x0] =	wrdreg $0x0  }
0xb9: {  	s8 =	sshll.u32 s28, $0x1;
	[dreg:$0x2] =	wrdreg s6  }
0xba: {  	[dreg:$0x3] =	wrdreg s8  }
0xbb: {  	[dreg:$0x4] =	wrdreg $0xC0  }
0xbc: {  	_ =	task [dreg:s22], $0x5FFFF  }
0xbd: {  	[dreg:$0x1] =	wrdreg $0xFFFFFFFF  }
0xbe: {  	[dreg:$0x0] =	wrdreg $0x60  }
0xbf: {  	[dreg:$0x2] =	wrdreg s4  }
0xc0: {  	[dreg:$0x3] =	wrdreg s5  }
0xc1: {  	[dreg:$0x4] =	wrdreg s24  }
0xc2: {  	[dreg:$0x5] =	wrdreg s18  }
0xc3: {  	[dreg:$0x6] =	wrdreg $0x9  }
0xc4: {  	_ =	task.clear_ibuf [dreg:s22], $0x7FFFF;
	_ =	strace $0x9000004C  }
0xc5: {  	s29 =	simm.s32 $0x9;
	_ =	strace $0x8000004E  }
0xc6: {  	_ =	swait.ge [sflag:s29], $0x1  }
0xc7: {  	[sflag:s29] =	ssyncadd.s32 $0xFFFFFFFF  }
0xc8: {  	_ =	strace $0x9000004E  }
0xc9: {  	_ =	sfence  }
0xca: {  	s30 =	sld [smem:$0x0];
	_ =	sdelay $0x2  }
0xcb: {  	s31 =	sshll.u32 s1, $0xD;
	s1 =	sshrl.u32 s1, $0x2  }
0xcc: {  	s4 =	sand.u32 $0x4000, s31;
	s1 =	sadd.s32 s1, s30  }
0xcd: {  	s0 =	sor.u32 s4, s0;
	s1 =	sshll.u32 s1, $0x11  }
0xce: {  	s0 =	sor.u32 s1, s0  }
0xcf: {  	s0 =	sadd.s32 $0x8F2B, s0  }
0xd0: {  	[sflag:s0] =	ssyncadd.remote.s32 $0x1  }
0xd1: {  	_ =	sfence.sel $0xFFFF  }
0xd2: {  	[dreg:$0x0] =	wrdreg $0xFFFFFFFF;
	(pc) =	sbr.abs _section_cstart, $3  }
0xd3: {  	[dreg:$0x1] =	wrdreg $0xFFFFFFFF  }
0xd4: {  	_ =	task.clear_ibuf [dreg:s22], $0x2FFFF;
	_ =	strace $0x9FFFFFFF  }
0xd5: {  	(tm) =	ssettm $0x7FFFFFFF  }
tec
execute0_lowered:
.L_overlay_start_1:
0x0: {  	(tag) =	ssettag $0x1  }
0x1: {  	s3 =	rddreg [dreg:$0x0]  }
0x2: {  	s5 =	rddreg [dreg:$0x1]  }
0x3: {  	s7 =	rddreg [dreg:$0x2]  }
0x4: {  	s11 =	rddreg [dreg:$0x3];
	s2 =	srdreg.scid  }
0x5: {  	s0 =	rddreg [dreg:$0x4];
	s1 =	stileid.u32;
	s12 =	sand.u32 $0x1, s2  }
0x6: {  	s2 =	simm.s32 $0x0;
	s4 =	sshll.u32 s1, $0x3;
	s6 =	sshll.u32 s12, $0x2  }
0x7: {  	[smem:$0x7FF] =	sst s2;
	s13 =	sor.u32 s6, s4  }
0x8: {  	_ =	strace $0x8000004D;
	s4 =	sadd.s32 s3, s13;
	s3 =	simm.s32 $0x2  }
0x9: {  	[tilespmem:s2], [sflag:$0x2] =	stream.linear.gather [hbm4b:s4+s2], $0x20, $0x38;
	[tilespmem:$0xE0] =	vst v63  }
0xa: {  	_ =	swait.ge [sflag:s3], $0x20  }
0xb: {  	[sflag:s3] =	ssyncset.done $0x0  }
0xc: {  	s6 =	simm.s32 $0x20;
	s5 =	sadd.s32 s5, s13;
	[sflag:s3] =	ssyncadd.s32 $0xFFFFFFE0  }
0xd: {  	[tilespmem:s6], [sflag:$0x2] =	stream.linear.gather [hbm4b:s5+s2], $0x20, $0x38;
	[tilespmem:$0xE0] =	vst v63  }
0xe: {  	_ =	swait.ge [sflag:s3], $0x20  }
0xf: {  	[sflag:s3] =	ssyncset.done $0x0  }
0x10: {  	[sflag:s3] =	ssyncadd.s32 $0xFFFFFFE0  }
0x11: {  	v0 =	vld [tilespmem:$0x10]  }
0x12: {  	v1 =	vld [tilespmem:$0x20]  }
0x13: {  	v3 =	vld [tilespmem:$0x0]  }
0x14: {  	v2 =	vld [tilespmem:$0x30];
	_ =	sdelay $0x2  }
0x15: {  	[tilespmem:$0x50] =	vst v0  }
0x16: {  	v0 =	vadd.s32 $0x186A0, v1;
	[tilespmem:$0x40] =	vst v3  }
0x17: {  	s8 =	simm.s32 $0x40;
	[tilespmem:$0x60] =	vst v0;
	v0 =	vadd.s32 $0x186A0, v2  }
0x18: {  	s9 =	simm.s32 $0x80;
	s10 =	simm.s32 $0x1;
	s7 =	sadd.s32 $0x64E00, s7;
	[tilespmem:$0x70] =	vst v0  }
0x19: {  	[tilespmem:s9], [sflag:$0x1] =	stream.indirect.gather [hbm4b:s7+s8], $0x1, s8, s8, $0xb8;
	[tilespmem:$0xE0] =	vst v63  }
0x1a: {  	_ =	swait.ge [sflag:s10], $0x40  }
0x1b: {  	s12 =	ssub.s32 $0x2, s12;
	[sflag:s10] =	ssyncset.done $0x0  }
0x1c: {  	s14 =	sshrl.u32 s12, $0x1;
	[sflag:s10] =	ssyncadd.s32 $0xFFFFFFC0  }
0x1d: {  	s12 =	ssub.s32 s12, s14;
	v2 =	vld [tilespmem:$0xB0]  }
0x1e: {  	s14 =	smax.u32 s12, $0x1;
	v3 =	vld [tilespmem:$0x90]  }
0x1f: {  	p0 =	sne.s32 s14, $0x1;
	v0 =	vld [tilespmem:$0x80]  }
.Ltmp0:
0x20: {  	v1 =	vld [tilespmem:$0xA0];
	(pc) =	sbr.rel @!p0 .LBB2_2-.Ltmp0, $2  }
0x21: {  	_ =	sdelay $0x2  }
0x22: {  	s11 =	sadd.s32 s11, s13;
	s12 =	simm.s32 $0xC0;
	s13 =	sadd.s32 $0xFFFFFFFF, s14;
	v2 =	vadd.f32 v2, v3  }
.LBB2_1:
0x23: {  	p0 =	sne.s32 s13, $0x1;
	s13 =	sadd.s32 $0xFFFFFFFF, s13;
	v0 =	vadd.f32 v1, v0  }
0x24: {  	[tilespmem:$0xD0] =	vst v2  }
0x25: {  	[tilespmem:$0xC0] =	vst v0  }
0x26: {  	[hbm4b:s11+s2] =	stream.linear.scatter [tilespmem:s12], [sflag:$0x2], $0x20, $0x38;
	[tilespmem:$0xE0] =	vst v63  }
0x27: {  	_ =	swait.ge [sflag:s3], $0x20  }
0x28: {  	[sflag:s3] =	ssyncset.done $0x0  }
0x29: {  	[sflag:s3] =	ssyncadd.s32 $0xFFFFFFE0  }
0x2a: {  	[tilespmem:s2], [sflag:$0x2] =	stream.linear.gather [hbm4b:s4+s2], $0x20, $0x38;
	[tilespmem:$0xE0] =	vst v63  }
0x2b: {  	_ =	swait.ge [sflag:s3], $0x20  }
0x2c: {  	[sflag:s3] =	ssyncset.done $0x0  }
0x2d: {  	[sflag:s3] =	ssyncadd.s32 $0xFFFFFFE0  }
0x2e: {  	[tilespmem:s6], [sflag:$0x2] =	stream.linear.gather [hbm4b:s5+s2], $0x20, $0x38;
	[tilespmem:$0xE0] =	vst v63  }
0x2f: {  	_ =	swait.ge [sflag:s3], $0x20  }
0x30: {  	[sflag:s3] =	ssyncset.done $0x0  }
0x31: {  	[sflag:s3] =	ssyncadd.s32 $0xFFFFFFE0  }
0x32: {  	v0 =	vld [tilespmem:$0x10]  }
0x33: {  	v1 =	vld [tilespmem:$0x20]  }
0x34: {  	v2 =	vld [tilespmem:$0x30]  }
0x35: {  	v3 =	vld [tilespmem:$0x0];
	_ =	sdelay $0x1  }
0x36: {  	[tilespmem:$0x50] =	vst v0  }
0x37: {  	v0 =	vadd.s32 $0x186A0, v1  }
0x38: {  	[tilespmem:$0x60] =	vst v0;
	v0 =	vadd.s32 $0x186A0, v2  }
0x39: {  	[tilespmem:$0x70] =	vst v0  }
0x3a: {  	[tilespmem:$0x40] =	vst v3  }
0x3b: {  	[tilespmem:s9], [sflag:$0x1] =	stream.indirect.gather [hbm4b:s7+s8], $0x1, s8, s8, $0xb8;
	[tilespmem:$0xE0] =	vst v63  }
0x3c: {  	_ =	swait.ge [sflag:s10], $0x40  }
0x3d: {  	[sflag:s10] =	ssyncset.done $0x0  }
0x3e: {  	[sflag:s10] =	ssyncadd.s32 $0xFFFFFFC0  }
0x3f: {  	v0 =	vld [tilespmem:$0x80]  }
0x40: {  	v2 =	vld [tilespmem:$0xB0]  }
0x41: {  	v3 =	vld [tilespmem:$0x90]  }
.Ltmp1:
0x42: {  	v1 =	vld [tilespmem:$0xA0];
	(pc) =	sbr.rel @p0 .LBB2_1-.Ltmp1, $2  }
0x43: {  	_ =	sdelay $0x2  }
0x44: {  	v2 =	vadd.f32 v2, v3  }
.LBB2_2:
0x45: {  	v0 =	vadd.f32 v1, v0  }
0x46: {  	[tilespmem:$0xD0] =	vst v2  }
0x47: {  	[tilespmem:$0xC0] =	vst v0  }
0x48: {  	[hbm4b:s11+s2] =	stream.linear.scatter [tilespmem:s12], [sflag:$0x2], $0x20, $0x38;
	[tilespmem:$0xE0] =	vst v63  }
0x49: {  	_ =	swait.ge [sflag:s3], $0x20  }
0x4a: {  	[sflag:s3] =	ssyncset.done $0x0  }
0x4b: {  	[sflag:s3] =	ssyncadd.s32 $0xFFFFFFE0  }
0x4c: {  	_ =	sfence.sel $0x180000  }
0x4d: {  	[bflag:$0x0] =	sbarrier.arrive $0xFFFF  }
0x4e: {  	p0 =	sne.s32 s1, $0x0;
	_ =	strace $0x9000004D  }
0x4f: {  	s0 =	sadd.s32 @!p0 $0x100000, s0;
	[bflag:$0x2] =	sbarrier.arrive $0xFFFF  }
0x50: {  	[sflag:s0] =	ssyncadd.tile.s32 @!p0 $0x1;
	_ =	shalt  }
.Lfunc_end2:
_tile_overlayer_lowered:
.L_overlay_start_2:
0x51: {  	(tag) =	ssettag $0x2  }
0x52: {  	s0 =	rddreg [dreg:$0x0];
	s2 =	stileid.u32  }
0x53: {  	s1 =	rddreg [dreg:$0x1];
	p0 =	sne.s32 s2, $0x0  }
0x54: {  	s3 =	rddreg [dreg:$0x2];
	[bflag:$0x3] =	sbarrier.arrive $0xFFFF;
	s2 =	simm.s32 @!p0 $0x1C02  }
0x55: {  	[timem:s3], [sflag:s2] =	dma.local @!p0 [hbm:s0], s1  }
0x56: {  	s0 =	simm.s32 @!p0 $0x2  }
0x57: {  	_ =	swait.ge @!p0 [sflag:s0], s1  }
0x58: {  	s1 =	ssub.s32 @!p0 $0x0, s1;
	[sflag:s0] =	ssyncset.done @!p0 $0x0  }
0x59: {  	[sflag:s0] =	ssyncadd.s32 @!p0 s1  }
0x5a: {  	[bflag:$0x3] =	sbarrier.arrive $0xFFFF  }
0x5b: {  	_ =	shalt  }

// kernel: kernel.9.cloned.1.call-start
scs
__scs_entry_jumppad:
0x0: {  	(pc) =	sbr.rel $0x88, $3  }
0x1: {  	(tag) =	ssettag $0x0;
	lr =	simm.s32 $0x1  }
0x2: {  	[smem:$0x3F93] =	sst lr;
	_ =	strace $0xD0000000  }
0x3: {  	_ = 	snop  }
0x4: {  	_ = 	snop  }
0x5: {  	_ = 	snop  }
0x6: {  	_ = 	snop  }
0x7: {  	_ = 	snop  }
__scs_overlays_trampoline_lowered:
0x8: {  	[smem:$0x3FA2] =	sst s0  }
0x9: {  	[smem:$0x3FA3] =	sst s1  }
0xa: {  	[smem:$0x3FA4] =	sst s2  }
0xb: {  	[smem:$0x3FA5] =	sst s3  }
0xc: {  	[smem:$0x3FA6] =	sst s4  }
0xd: {  	[smem:$0x3FA7] =	sst s5  }
0xe: {  	[smem:$0x3FA8] =	sst s6  }
0xf: {  	[smem:$0x3FA9] =	sst s7  }
0x10: {  	[smem:$0x3FAA] =	sst s8  }
0x11: {  	[smem:$0x3FAB] =	sst s9;
	s0 =	simm.s32 @!p0 $0x0  }
0x12: {  	s1 =	sld [smem:$0x3F91];
	s0 =	simm.s32 @p0 $0x1  }
0x13: {  	[smem:$0x3FAC] =	sst s0;
	s0 =	simm.s32 @!p1 $0x0  }
0x14: {  	s2 =	sld [smem:$0x3F90];
	s0 =	simm.s32 @p1 $0x1  }
0x15: {  	[smem:$0x3FAD] =	sst s0;
	s0 =	simm.s32 @!p2 $0x0  }
0x16: {  	s3 =	sld [smem:$0x3FDB];
	s0 =	simm.s32 @p2 $0x1  }
0x17: {  	s4 =	simm.s32 $0x1BF5;
	[smem:$0x3FAF] =	sst s0  }
0x18: {  	s0 =	sld [smem:$0x3F92];
	_ =	swait.ge [sflag:s4], $0x0  }
0x19: {  	s7 =	sld [smem:$0x3F93]  }
0x1a: {  	s8 =	sadd.s32 $0xFFFFE003, lr  }
0x1b: {  	s9 =	sadd.s32 $0xFFFFFEF7, lr;
	s5 =	simm.s32 $0xFFFFFFFF;
	p2 =	slt.u32 s8, $0xFFFFF086  }
0x1c: {  	p1 =	slt.u32 s9, $0xF7A;
	s5 =	simm.s32 @!p2 $0x0  }
0x1d: {  	s5 =	simm.s32 @p1 $0x1;
	p0 =	seq.s32 s7, s2  }
0x1e: {  	s7 =	smul.u32 @!p0 $0xF7A, s2;
	p2 =	seq.s32 @!p0 s5, $0x0  }
0x1f: {  	s9 =	smul.u32 $0xF7A, s1;
	s8 =	simm.s32 @!p0 $0x1BF5;
	p2 =	por !p2, p0  }
0x20: {  	[sflag:s8] =	ssyncset.s32 @!p0 $0xFFFFF086;
	s6 =	sadd.s32 @!p0 s3, s7;
	s7 =	simm.s32 @!p0 $0x108  }
0x21: {  	s3 =	sadd.s32 s3, s9;
	s6 =	sadd.s32 @!p0 $0x88, s6;
	s7 =	simm.s32 @p2 $0x1082  }
0x22: {  	[simem:s7], [sflag:s8] =	dma.local @!p0 [hbm:s6], $0xF7A  }
0x23: {  	s9 =	sor.u32 $0xD0000000, s2;
	s6 =	simm.s32 $0x108;
	_ =	swait.ge @!p0 [sflag:s8], $0x0  }
0x24: {  	s3 =	sadd.s32 $0x88, s3;
	s6 =	simm.s32 @!p1 $0x1082;
	[sflag:s4] =	ssyncset.s32 $0xFFFFF086  }
0x25: {  	[simem:s6], [sflag:s4] =	dma.local [hbm:s3], $0xF7A  }
0x26: {  	[smem:$0x3F93] =	sst s1;
	(tag) =	ssettag s2;
	_ =	strace s9  }
0x27: {  	s1 =	sld [smem:$0x3FA3]  }
0x28: {  	s2 =	sld [smem:$0x3FA4]  }
0x29: {  	s4 =	sld [smem:$0x3FA6]  }
0x2a: {  	p0 =	seq.s32 s5, $0x0;
	s5 =	sld [smem:$0x3FA7]  }
0x2b: {  	s6 =	sld [smem:$0x3FA8]  }
0x2c: {  	s7 =	sld [smem:$0x3FA9]  }
0x2d: {  	s3 =	simm.s32 $0x108;
	s8 =	sld [smem:$0x3FAA]  }
0x2e: {  	s3 =	simm.s32 @!p0 $0x1082;
	s9 =	sld [smem:$0x3FAB]  }
0x2f: {  	lr =	sadd.s32 s0, s3;
	s0 =	sld [smem:$0x3FA2]  }
0x30: {  	s3 =	sld [smem:$0x3FA5]  }
0x31: {  	[smem:$0x3FAE] =	sst s10  }
0x32: {  	s10 =	sld [smem:$0x3FAC];
	_ =	sdelay $0x3  }
0x33: {  	p0 =	seq.s32 s10, $0x1;
	s10 =	sld [smem:$0x3FAE];
	_ =	sdelay $0x3  }
0x34: {  	[smem:$0x3FAE] =	sst s10  }
0x35: {  	s10 =	sld [smem:$0x3FAD];
	_ =	sdelay $0x3  }
0x36: {  	p1 =	seq.s32 s10, $0x1;
	s10 =	sld [smem:$0x3FAE];
	_ =	sdelay $0x3  }
0x37: {  	[smem:$0x3FAE] =	sst s10  }
0x38: {  	s10 =	sld [smem:$0x3FAF]  }
0x39: {  	_ = 	snop;
	(pc) =	sbr.ind lr, $3  }
0x3a: {  	_ = 	snop  }
0x3b: {  	_ = 	snop  }
0x3c: {  	p2 =	seq.s32 s10, $0x1;
	s10 =	sld [smem:$0x3FAE]  }
0x3d: {  	_ =	shalt  }
0x3e: {  	_ =	shalt  }
0x3f: {  	_ =	shalt  }
0x40: {  	_ =	shalt  }
0x41: {  	_ =	shalt  }
0x42: {  	_ =	shalt  }
0x43: {  	_ =	shalt  }
0x44: {  	_ =	shalt  }
0x45: {  	_ =	shalt  }
0x46: {  	_ =	shalt  }
0x47: {  	_ =	shalt  }
0x48: {  	_ =	shalt  }
0x49: {  	_ =	shalt  }
0x4a: {  	_ =	shalt  }
0x4b: {  	_ =	shalt  }
0x4c: {  	_ =	shalt  }
0x4d: {  	_ =	shalt  }
0x4e: {  	_ =	shalt  }
0x4f: {  	_ =	shalt  }
0x50: {  	_ =	shalt  }
0x51: {  	_ =	shalt  }
0x52: {  	_ =	shalt  }
0x53: {  	_ =	shalt  }
0x54: {  	_ =	shalt  }
0x55: {  	_ =	shalt  }
0x56: {  	_ =	shalt  }
0x57: {  	_ =	shalt  }
0x58: {  	_ =	shalt  }
0x59: {  	_ =	shalt  }
0x5a: {  	_ =	shalt  }
0x5b: {  	_ =	shalt  }
0x5c: {  	_ =	shalt  }
0x5d: {  	_ =	shalt  }
0x5e: {  	_ =	shalt  }
0x5f: {  	_ =	shalt  }
0x60: {  	_ =	shalt  }
0x61: {  	_ =	shalt  }
0x62: {  	_ =	shalt  }
0x63: {  	_ =	shalt  }
0x64: {  	_ =	shalt  }
0x65: {  	_ =	shalt  }
0x66: {  	_ =	shalt  }
0x67: {  	_ =	shalt  }
0x68: {  	_ =	shalt  }
0x69: {  	_ =	shalt  }
0x6a: {  	_ =	shalt  }
0x6b: {  	_ =	shalt  }
0x6c: {  	_ =	shalt  }
0x6d: {  	_ =	shalt  }
0x6e: {  	_ =	shalt  }
0x6f: {  	_ =	shalt  }
0x70: {  	_ =	shalt  }
0x71: {  	_ =	shalt  }
0x72: {  	_ =	shalt  }
0x73: {  	_ =	shalt  }
0x74: {  	_ =	shalt  }
0x75: {  	_ =	shalt  }
0x76: {  	_ =	shalt  }
0x77: {  	_ =	shalt  }
0x78: {  	_ =	shalt  }
0x79: {  	_ =	shalt  }
0x7a: {  	_ =	shalt  }
0x7b: {  	_ =	shalt  }
0x7c: {  	_ =	shalt  }
0x7d: {  	_ =	shalt  }
0x7e: {  	_ =	shalt  }
0x7f: {  	_ =	shalt  }
0x80: {  	_ =	shalt  }
0x81: {  	_ =	shalt  }
0x82: {  	_ =	shalt  }
0x83: {  	_ =	shalt  }
0x84: {  	_ =	shalt  }
0x85: {  	_ =	shalt  }
0x86: {  	_ =	shalt  }
0x87: {  	_ =	shalt  }
.Lfunc_end0:
.L_simem_size_0:
called_computation.1_lowered:
.L_overlay_start_0:
0x88: {  	s2 =	sld [smem:$0x3FD9]  }
0x89: {  	s3 =	sld [smem:$0x3FFE];
	_ =	sdelay $0x1  }
0x8a: {  	s1 =	srdreg.scid  }
0x8b: {  	s0 =	sand.u32 $0x1, s1  }
0x8c: {  	s17 =	sshll.u32 s0, $0xA;
	s2 =	sadd.s32 s3, s2  }
0x8d: {  	s2 =	sadd.s32 s2, s17  }
0x8e: {  	[smem:$0x3FBA] =	sst s2  }
0x8f: {  	_ = 	snop  }
0x90: {  	s2 =	sld [smem:$0x3FC9];
	(tm) =	ssettm $0x1  }
0x91: {  	s18 =	sld [smem:$0x3FFB];
	_ =	sdelay $0x3  }
0x92: {  	_ =	strace s18  }
0x93: {  	s3 =	sld [smem:$0x3FFC];
	_ =	sdelay $0x3  }
0x94: {  	_ =	strace s3  }
0x95: {  	s3 =	sld [smem:$0x3FFD];
	_ =	sdelay $0x3  }
0x96: {  	_ =	strace s3  }
0x97: {  	_ =	strace $0x8FFFFFFF  }
0x98: {  	s19 =	sld [smem:$0x3FDB];
	_ =	sdelay $0x1  }
0x99: {  	s4 =	simm.s32 $_scs_section_size  }
0x9a: {  	s5 =	simm.s32 $_size__tile_overlayer_lowered;
	s6 =	simm.s32 $_tile_overlayer_lowered  }
0x9b: {  	s22 =	simm.s32 $0x1BFF;
	s21 =	sshll.u32 s6, $0x1;
	s3 =	sadd.s32 s4, s19  }
0x9c: {  	s7 =	simm.s32 $0x0;
	s20 =	sshll.u32 s5, $0x1;
	s5 =	sadd.s32 s21, s3  }
0x9d: {  	[timem:s7], [sflag:s22] =	dma.local [hbm:s5], s20  }
0x9e: {  	_ =	swait.ge [sflag:s22], s20  }
0x9f: {  	s4 =	ssub.s32 $0x0, s20;
	[sflag:s22] =	ssyncset.done $0x0  }
0xa0: {  	[sflag:s22] =	ssyncadd.s32 s4;
	_ =	sdelay $0x1  }
0xa1: {  	s23 =	simm.s32 $0x1B8B  }
0xa2: {  	_ =	swait.ge [sflag:s23], $0x1  }
0xa3: {  	[sflag:s23] =	ssyncset.done $0x0  }
0xa4: {  	s25 =	simm.s32 $0x1B8E;
	s24 =	sld [smem:$0x3FFE];
	[sflag:s23] =	ssyncadd.s32 $0xFFFFFFFF  }
0xa5: {  	s26 =	simm.s32 $execute0_lowered;
	[smem:$0x3FD2] =	sst s25  }
0xa6: {  	s5 =	sshll.u32 s26, $0x1;
	_ =	strace $0x80000046;
	[dreg:$0x1] =	wrdreg $0xFFFFFFFF  }
0xa7: {  	s28 =	simm.s32 $_size_execute0_lowered;
	s3 =	sadd.s32 s3, s5;
	[dreg:$0x0] =	wrdreg $0x0  }
0xa8: {  	s5 =	sshll.u32 s28, $0x1;
	[dreg:$0x2] =	wrdreg s3  }
0xa9: {  	[dreg:$0x3] =	wrdreg s5  }
0xaa: {  	[dreg:$0x4] =	wrdreg $0xC0  }
0xab: {  	_ =	task [dreg:s7], $0x5FFFF  }
0xac: {  	[dreg:$0x1] =	wrdreg $0xFFFFFFFF  }
0xad: {  	[dreg:$0x0] =	wrdreg $0x60  }
0xae: {  	[dreg:$0x2] =	wrdreg s2  }
0xaf: {  	[dreg:$0x3] =	wrdreg s24  }
0xb0: {  	[dreg:$0x4] =	wrdreg $0xA  }
0xb1: {  	_ =	task.clear_ibuf [dreg:s7], $0x5FFFF;
	_ =	strace $0x90000046  }
0xb2: {  	s29 =	simm.s32 $0xA;
	_ =	strace $0x80000048  }
0xb3: {  	_ =	swait.ge [sflag:s29], $0x1  }
0xb4: {  	[sflag:s29] =	ssyncadd.s32 $0xFFFFFFFF  }
0xb5: {  	_ =	strace $0x90000048  }
0xb6: {  	_ =	sfence  }
0xb7: {  	s30 =	sld [smem:$0x0];
	_ =	sdelay $0x2  }
0xb8: {  	s31 =	sshll.u32 s1, $0xD;
	s1 =	sshrl.u32 s1, $0x2  }
0xb9: {  	s3 =	sand.u32 $0x4000, s31;
	s1 =	sadd.s32 s1, s30  }
0xba: {  	s0 =	sor.u32 s3, s0;
	s1 =	sshll.u32 s1, $0x11  }
0xbb: {  	s0 =	sor.u32 s1, s0  }
0xbc: {  	s0 =	sadd.s32 $0x8F2B, s0  }
0xbd: {  	[sflag:s0] =	ssyncadd.remote.s32 $0x1  }
0xbe: {  	_ =	sfence.sel $0xFFFF  }
0xbf: {  	[dreg:$0x0] =	wrdreg $0xFFFFFFFF;
	(pc) =	sbr.abs _section_cstart, $3  }
0xc0: {  	[dreg:$0x1] =	wrdreg $0xFFFFFFFF  }
0xc1: {  	_ =	task.clear_ibuf [dreg:s7], $0x2FFFF;
	_ =	strace $0x9FFFFFFF  }
0xc2: {  	(tm) =	ssettm $0x7FFFFFFF  }
0xc3: {  	_ =	shalt  }
tec
execute0_lowered:
.L_overlay_start_1:
0x0: {  	(tag) =	ssettag $0x1  }
0x1: {  	s3 =	rddreg [dreg:$0x0]  }
0x2: {  	s1 =	srdreg.scid;
	s0 =	stileid.u32  }
0x3: {  	s5 =	rddreg [dreg:$0x1];
	s7 =	sand.u32 $0x1, s1;
	s4 =	sshll.u32 s0, $0x1  }
0x4: {  	s2 =	simm.s32 $0x0;
	s1 =	rddreg [dreg:$0x2];
	s6 =	sor.u32 s7, s4  }
0x5: {  	[smem:$0x7FF] =	sst s2;
	s4 =	sshll.u32 s6, $0x2  }
0x6: {  	_ =	strace $0x80000047;
	s4 =	sadd.s32 s3, s4;
	s3 =	simm.s32 $0x2  }
0x7: {  	[tilespmem:s2], [sflag:$0x2] =	stream.linear.gather [hbm4b:s4+s2], $0x20, $0x38;
	[tilespmem:$0x420] =	vst v63  }
0x8: {  	_ =	swait.ge [sflag:s3], $0x20  }
0x9: {  	[sflag:s3] =	ssyncset.done $0x0  }
0xa: {  	[sflag:s3] =	ssyncadd.s32 $0xFFFFFFE0  }
0xb: {  	v3 =	vld [tilespmem:$0x10]  }
0xc: {  	v4 =	vld [tilespmem:$0x0]  }
0xd: {  	v17 =	vld [tilespmem:$0x10]  }
0xe: {  	v5 =	vld [tilespmem:$0x10]  }
0xf: {  	v6 =	vld [tilespmem:$0x10]  }
0x10: {  	v15 =	vld [tilespmem:$0x0]  }
0x11: {  	v8 =	vld [tilespmem:$0x10]  }
0x12: {  	v0 =	vlaneseq.u32;
	v2 =	vimm.s32 $0xF;
	v10 =	vld [tilespmem:$0x10]  }
0x13: {  	v1 =	vimm.s32 $0x8;
	v0 =	vmul.u32 $0x186A0, v0;
	v18 =	vld [tilespmem:$0x10];
	v7 =	vperm.xlane v3, v2  }
0x14: {  	v11 =	vld [tilespmem:$0x10];
	v3 =	vimm.s32 $0x7;
	v9 =	vperm.xlane v4, v1;
	v4 =	vimm.s32 $0x6  }
0x15: {  	v12 =	vld [tilespmem:$0x10];
	v15 =	vperm.xlane v15, v2;
	v13 =	vperm.xlane v5, v3;
	v7 =	vadd.s32 v0, v7  }
0x16: {  	v14 =	vld [tilespmem:$0x10];
	v5 =	vimm.s32 $0x5;
	v6 =	vperm.xlane v6, v4;
	v9 =	vadd.s32 v0, v9;
	[tilespmem:$0x210] =	vst v7  }
0x17: {  	v16 =	vld [tilespmem:$0x0];
	v8 =	vperm.xlane v8, v5;
	v15 =	vadd.s32 v0, v15;
	v7 =	vimm.s32 $0x4;
	[tilespmem:$0xA0] =	vst v9  }
0x18: {  	v20 =	vld [tilespmem:$0x0];
	v13 =	vadd.s32 v0, v13;
	v9 =	vimm.s32 $0x2;
	v6 =	vadd.s32 v0, v6;
	[tilespmem:$0x110] =	vst v15  }
0x19: {  	v21 =	vld [tilespmem:$0x0];
	v19 =	vperm.xlane v10, v7;
	[tilespmem:$0x190] =	vst v13;
	v10 =	vimm.s32 $0x1;
	v8 =	vadd.s32 v0, v8  }
0x1a: {  	v23 =	vld [tilespmem:$0x0];
	v11 =	vperm.xlane v11, v9;
	[tilespmem:$0x180] =	vst v6;
	v6 =	vimm.s32 $0x0;
	v12 =	vperm.xlane v12, v10  }
0x1b: {  	[tilespmem:$0x170] =	vst v8;
	v14 =	vperm.xlane v14, v6;
	v8 =	vimm.s32 $0xE;
	v13 =	vadd.s32 v0, v19;
	v19 =	vld [tilespmem:$0x0]  }
0x1c: {  	v24 =	vld [tilespmem:$0x10];
	v11 =	vadd.s32 v0, v11;
	v16 =	vperm.xlane v16, v8;
	[tilespmem:$0x160] =	vst v13;
	v12 =	vadd.s32 v0, v12  }
0x1d: {  	v25 =	vld [tilespmem:$0x0];
	[tilespmem:$0x140] =	vst v11;
	v13 =	vimm.s32 $0xD;
	v14 =	vadd.s32 v0, v14;
	v11 =	vimm.s32 $0xC  }
0x1e: {  	v26 =	vld [tilespmem:$0x0];
	v20 =	vperm.xlane v20, v13;
	[tilespmem:$0x120] =	vst v14;
	v21 =	vperm.xlane v21, v11;
	v14 =	vimm.s32 $0x9  }
0x1f: {  	v27 =	vld [tilespmem:$0x0];
	[tilespmem:$0x130] =	vst v12;
	v12 =	vimm.s32 $0xB;
	v16 =	vadd.s32 v0, v16;
	v23 =	vperm.xlane v23, v14  }
0x20: {  	s7 =	ssub.s32 $0x2, s7;
	[tilespmem:$0x100] =	vst v16;
	v16 =	vadd.s32 v0, v21;
	v15 =	vperm.xlane v19, v12;
	v19 =	vadd.s32 v0, v20;
	v20 =	vld [tilespmem:$0x0]  }
0x21: {  	s8 =	sshrl.u32 s7, $0x1;
	v21 =	vld [tilespmem:$0x0];
	[tilespmem:$0xE0] =	vst v16  }
0x22: {  	s8 =	ssub.s32 s7, s8;
	v22 =	vld [tilespmem:$0x0];
	v23 =	vadd.s32 v0, v23;
	[tilespmem:$0xF0] =	vst v19;
	v19 =	vperm.xlane v24, v13  }
0x23: {  	s17 =	smax.u32 s8, $0x1;
	v28 =	vld [tilespmem:$0x0];
	v16 =	vimm.s32 $0x3;
	v24 =	vperm.xlane v25, v3;
	[tilespmem:$0xB0] =	vst v23;
	v15 =	vadd.s32 v0, v15  }
0x24: {  	s9 =	simm.s32 $0x20;
	p0 =	sne.s32 s17, $0x1;
	v26 =	vperm.xlane v26, v4;
	v25 =	vld [tilespmem:$0x0];
	v18 =	vperm.xlane v18, v16;
	[tilespmem:$0xD0] =	vst v15;
	v19 =	vadd.s32 v0, v19  }
.Ltmp0:
0x25: {  	s10 =	simm.s32 $0xA0;
	s11 =	simm.s32 $0x2A0;
	v27 =	vperm.xlane v27, v16;
	v24 =	vadd.s32 v0, v24;
	[tilespmem:$0x1F0] =	vst v19;
	v19 =	vld [tilespmem:$0x10];
	v23 =	vperm.xlane v20, v5;
	(pc) =	sbr.rel @!p0 .LBB2_2-.Ltmp0, $4  }
0x26: {  	s12 =	simm.s32 $0x120;
	s14 =	simm.s32 $0x320;
	s6 =	sshll.u32 s6, $0x6;
	v15 =	vimm.s32 $0xA;
	v29 =	vperm.xlane v21, v7;
	v21 =	vadd.s32 v0, v26;
	[tilespmem:$0x90] =	vst v24;
	v20 =	vld [tilespmem:$0x0]  }
0x27: {  	s15 =	simm.s32 $0x1A0;
	s16 =	simm.s32 $0x3A0;
	s6 =	sadd.s32 s6, s5;
	v22 =	vperm.xlane v22, v15;
	[tilespmem:$0x80] =	vst v21;
	v24 =	vadd.s32 v0, v23;
	v23 =	vld [tilespmem:$0x10]  }
0x28: {  	s13 =	simm.s32 $0x1;
	s7 =	sadd.s32 $0x2200, s5;
	s5 =	sadd.s32 $0x33000, s6;
	v18 =	vadd.s32 v0, v18;
	v27 =	vadd.s32 v0, v27;
	v29 =	vadd.s32 v0, v29;
	[tilespmem:$0x70] =	vst v24;
	v24 =	vld [tilespmem:$0x10]  }
0x29: {  	s8 =	simm.s32 $0x80;
	s6 =	simm.s32 $0x220;
	s17 =	sadd.s32 $0xFFFFFFFF, s17;
	v21 =	vadd.s32 v0, v22;
	v22 =	vperm.xlane v28, v9;
	v26 =	vperm.xlane v25, v10;
	v25 =	vld [tilespmem:$0x10];
	[tilespmem:$0x60] =	vst v29  }
.LBB2_1:
0x2a: {  	p0 =	sne.s32 s17, $0x1;
	s17 =	sadd.s32 $0xFFFFFFFF, s17;
	[tilespmem:$0x50] =	vst v27  }
0x2b: {  	v17 =	vperm.xlane v17, v14;
	v26 =	vadd.s32 v0, v26;
	[tilespmem:$0x150] =	vst v18;
	v18 =	vld [tilespmem:$0x10]  }
0x2c: {  	v20 =	vperm.xlane v20, v6;
	[tilespmem:$0xC0] =	vst v21;
	v21 =	vperm.xlane v23, v1  }
0x2d: {  	v17 =	vadd.s32 v0, v17;
	[tilespmem:$0x30] =	vst v26;
	v23 =	vperm.xlane v24, v15  }
0x2e: {  	v20 =	vadd.s32 v0, v20;
	v21 =	vadd.s32 v0, v21;
	[tilespmem:$0x1B0] =	vst v17;
	v17 =	vperm.xlane v25, v12  }
0x2f: {  	v19 =	vperm.xlane v19, v8;
	[tilespmem:$0x1A0] =	vst v21;
	v21 =	vadd.s32 v0, v23  }
0x30: {  	v22 =	vadd.s32 v0, v22;
	[tilespmem:$0x1C0] =	vst v21;
	v17 =	vadd.s32 v0, v17;
	v18 =	vperm.xlane v18, v11  }
0x31: {  	[tilespmem:$0x1D0] =	vst v17;
	v17 =	vadd.s32 v0, v19  }
0x32: {  	[tilespmem:$0x40] =	vst v22;
	v18 =	vadd.s32 v0, v18  }
0x33: {  	[tilespmem:$0x1E0] =	vst v18  }
0x34: {  	[tilespmem:$0x20] =	vst v20  }
0x35: {  	[tilespmem:$0x200] =	vst v17  }
0x36: {  	[tilespmem:s6], [sflag:$0x1] =	stream.indirect.gather [hbm4b:s7+s8], $0x1, s9, s8, $0xb8;
	[tilespmem:$0x420] =	vst v63  }
0x37: {  	_ = 	snop  }
0x38: {  	[tilespmem:s11], [sflag:$0x1] =	stream.indirect.gather [hbm4b:s7+s8], $0x1, s10, s8, $0xb8;
	[tilespmem:$0x420] =	vst v63  }
0x39: {  	_ = 	snop  }
0x3a: {  	[tilespmem:s14], [sflag:$0x1] =	stream.indirect.gather [hbm4b:s7+s8], $0x1, s12, s8, $0xb8;
	[tilespmem:$0x420] =	vst v63  }
0x3b: {  	_ = 	snop  }
0x3c: {  	[tilespmem:s16], [sflag:$0x1] =	stream.indirect.gather [hbm4b:s7+s8], $0x1, s15, s8, $0xb8;
	[tilespmem:$0x420] =	vst v63  }
0x3d: {  	_ =	swait.ge [sflag:s13], $0x80  }
0x3e: {  	[sflag:s13] =	ssyncset.done $0x0  }
0x3f: {  	[sflag:s13] =	ssyncadd.s32 $0xFFFFFF80  }
0x40: {  	_ =	swait.ge [sflag:s13], $0x80  }
0x41: {  	[sflag:s13] =	ssyncset.done $0x0  }
0x42: {  	[sflag:s13] =	ssyncadd.s32 $0xFFFFFF80  }
0x43: {  	_ =	swait.ge [sflag:s13], $0x80  }
0x44: {  	[sflag:s13] =	ssyncset.done $0x0  }
0x45: {  	[sflag:s13] =	ssyncadd.s32 $0xFFFFFF80  }
0x46: {  	_ =	swait.ge [sflag:s13], $0x80  }
0x47: {  	[sflag:s13] =	ssyncset.done $0x0  }
0x48: {  	[sflag:s13] =	ssyncadd.s32 $0xFFFFFF80  }
0x49: {  	[hbm4b:s5+s2] =	stream.linear.scatter [tilespmem:s6], [sflag:$0x2], $0x200, $0x38;
	[tilespmem:$0x420] =	vst v63  }
0x4a: {  	_ =	swait.ge [sflag:s3], $0x200  }
0x4b: {  	[sflag:s3] =	ssyncset.done $0x0  }
0x4c: {  	[sflag:s3] =	ssyncadd.s32 $0xFFFFFE00  }
0x4d: {  	[tilespmem:s2], [sflag:$0x2] =	stream.linear.gather [hbm4b:s4+s2], $0x20, $0x38;
	[tilespmem:$0x420] =	vst v63  }
0x4e: {  	_ =	swait.ge [sflag:s3], $0x20  }
0x4f: {  	[sflag:s3] =	ssyncset.done $0x0  }
0x50: {  	[sflag:s3] =	ssyncadd.s32 $0xFFFFFFE0  }
0x51: {  	v18 =	vld [tilespmem:$0x10]  }
0x52: {  	v19 =	vld [tilespmem:$0x0]  }
0x53: {  	v17 =	vld [tilespmem:$0x10]  }
0x54: {  	v20 =	vld [tilespmem:$0x10]  }
0x55: {  	v21 =	vld [tilespmem:$0x10]  }
0x56: {  	v22 =	vld [tilespmem:$0x10];
	v18 =	vperm.xlane v18, v2  }
0x57: {  	v19 =	vperm.xlane v19, v1;
	v23 =	vld [tilespmem:$0x10]  }
0x58: {  	v24 =	vld [tilespmem:$0x10];
	v18 =	vadd.s32 v0, v18  }
0x59: {  	v19 =	vadd.s32 v0, v19;
	v25 =	vld [tilespmem:$0x10];
	v20 =	vperm.xlane v20, v3;
	[tilespmem:$0x210] =	vst v18  }
0x5a: {  	[tilespmem:$0xA0] =	vst v19;
	v18 =	vld [tilespmem:$0x10];
	v19 =	vperm.xlane v21, v4  }
0x5b: {  	v21 =	vld [tilespmem:$0x10];
	v22 =	vperm.xlane v22, v5;
	v20 =	vadd.s32 v0, v20  }
0x5c: {  	v26 =	vld [tilespmem:$0x0];
	v23 =	vperm.xlane v23, v7;
	v19 =	vadd.s32 v0, v19  }
0x5d: {  	v27 =	vld [tilespmem:$0x0];
	v24 =	vperm.xlane v24, v16;
	v22 =	vadd.s32 v0, v22  }
0x5e: {  	v28 =	vld [tilespmem:$0x0];
	v25 =	vperm.xlane v25, v9;
	v23 =	vadd.s32 v0, v23;
	[tilespmem:$0x190] =	vst v20  }
0x5f: {  	v20 =	vld [tilespmem:$0x0];
	v29 =	vperm.xlane v18, v10;
	v18 =	vadd.s32 v0, v24;
	[tilespmem:$0x180] =	vst v19  }
0x60: {  	v19 =	vld [tilespmem:$0x0];
	v21 =	vperm.xlane v21, v6;
	v24 =	vadd.s32 v0, v25;
	[tilespmem:$0x170] =	vst v22  }
0x61: {  	v22 =	vld [tilespmem:$0x0];
	v25 =	vperm.xlane v26, v2;
	v26 =	vadd.s32 v0, v29;
	[tilespmem:$0x160] =	vst v23  }
0x62: {  	v23 =	vld [tilespmem:$0x0];
	v27 =	vperm.xlane v27, v8;
	v21 =	vadd.s32 v0, v21;
	[tilespmem:$0x140] =	vst v24  }
0x63: {  	v24 =	vperm.xlane v28, v13;
	v25 =	vadd.s32 v0, v25;
	[tilespmem:$0x130] =	vst v26;
	v26 =	vld [tilespmem:$0x10]  }
0x64: {  	v28 =	vld [tilespmem:$0x0];
	v20 =	vperm.xlane v20, v11;
	v27 =	vadd.s32 v0, v27;
	[tilespmem:$0x120] =	vst v21  }
0x65: {  	v29 =	vld [tilespmem:$0x0];
	v19 =	vperm.xlane v19, v12;
	v21 =	vadd.s32 v0, v24;
	[tilespmem:$0x110] =	vst v25  }
0x66: {  	v24 =	vld [tilespmem:$0x0];
	v22 =	vperm.xlane v22, v15;
	v20 =	vadd.s32 v0, v20;
	[tilespmem:$0x100] =	vst v27  }
0x67: {  	v25 =	vld [tilespmem:$0x0];
	v23 =	vperm.xlane v23, v14;
	v19 =	vadd.s32 v0, v19;
	[tilespmem:$0xF0] =	vst v21  }
0x68: {  	v27 =	vld [tilespmem:$0x0];
	v21 =	vadd.s32 v0, v22;
	[tilespmem:$0xE0] =	vst v20;
	v20 =	vperm.xlane v26, v13  }
0x69: {  	v22 =	vld [tilespmem:$0x0];
	v26 =	vperm.xlane v28, v3;
	v23 =	vadd.s32 v0, v23;
	[tilespmem:$0xD0] =	vst v19  }
0x6a: {  	v28 =	vld [tilespmem:$0x0];
	v29 =	vperm.xlane v29, v4;
	[tilespmem:$0xB0] =	vst v23;
	v19 =	vadd.s32 v0, v20  }
.Ltmp1:
0x6b: {  	v23 =	vperm.xlane v24, v5;
	v24 =	vadd.s32 v0, v26;
	[tilespmem:$0x1F0] =	vst v19;
	v19 =	vld [tilespmem:$0x10];
	(pc) =	sbr.rel @p0 .LBB2_1-.Ltmp1, $4  }
0x6c: {  	v20 =	vld [tilespmem:$0x0];
	v25 =	vperm.xlane v25, v7;
	v26 =	vadd.s32 v0, v29;
	[tilespmem:$0x90] =	vst v24  }
0x6d: {  	v27 =	vperm.xlane v27, v16;
	v24 =	vadd.s32 v0, v23;
	[tilespmem:$0x80] =	vst v26;
	v23 =	vld [tilespmem:$0x10]  }
0x6e: {  	v22 =	vperm.xlane v22, v9;
	v25 =	vadd.s32 v0, v25;
	[tilespmem:$0x70] =	vst v24;
	v24 =	vld [tilespmem:$0x10]  }
0x6f: {  	v26 =	vperm.xlane v28, v10;
	v27 =	vadd.s32 v0, v27;
	[tilespmem:$0x60] =	vst v25;
	v25 =	vld [tilespmem:$0x10]  }
.LBB2_2:
0x70: {  	[tilespmem:$0x50] =	vst v27  }
0x71: {  	[tilespmem:$0x150] =	vst v18  }
0x72: {  	v2 =	vperm.xlane v17, v14;
	[tilespmem:$0xC0] =	vst v21;
	v4 =	vadd.s32 v0, v26  }
0x73: {  	v3 =	vld [tilespmem:$0x10];
	v62 =	vperm.xlane v19, v8;
	v61 =	vadd.s32 v0, v22;
	[tilespmem:$0x30] =	vst v4  }
0x74: {  	v1 =	vperm.xlane v23, v1;
	v2 =	vadd.s32 v0, v2;
	[tilespmem:$0x40] =	vst v61  }
0x75: {  	v63 =	vadd.s32 v0, v62;
	v55 =	vperm.xlane v24, v15;
	[tilespmem:$0x1B0] =	vst v2  }
0x76: {  	v60 =	vperm.xlane v20, v6;
	[tilespmem:$0x200] =	vst v63;
	v1 =	vadd.s32 v0, v1  }
0x77: {  	v56 =	vperm.xlane v25, v12;
	[tilespmem:$0x1A0] =	vst v1;
	v57 =	vadd.s32 v0, v55  }
0x78: {  	v59 =	vperm.xlane v3, v11;
	v3 =	vadd.s32 v0, v60;
	[tilespmem:$0x1C0] =	vst v57  }
0x79: {  	v58 =	vadd.s32 v0, v56;
	[tilespmem:$0x20] =	vst v3  }
0x7a: {  	[tilespmem:$0x1D0] =	vst v58;
	v2 =	vadd.s32 v0, v59  }
0x7b: {  	[tilespmem:$0x1E0] =	vst v2  }
0x7c: {  	[tilespmem:s6], [sflag:$0x1] =	stream.indirect.gather [hbm4b:s7+s8], $0x1, s9, s8, $0xb8;
	[tilespmem:$0x420] =	vst v63  }
0x7d: {  	_ = 	snop  }
0x7e: {  	[tilespmem:s11], [sflag:$0x1] =	stream.indirect.gather [hbm4b:s7+s8], $0x1, s10, s8, $0xb8;
	[tilespmem:$0x420] =	vst v63  }
0x7f: {  	_ = 	snop  }
0x80: {  	[tilespmem:s14], [sflag:$0x1] =	stream.indirect.gather [hbm4b:s7+s8], $0x1, s12, s8, $0xb8;
	[tilespmem:$0x420] =	vst v63  }
0x81: {  	_ = 	snop  }
0x82: {  	[tilespmem:s16], [sflag:$0x1] =	stream.indirect.gather [hbm4b:s7+s8], $0x1, s15, s8, $0xb8;
	[tilespmem:$0x420] =	vst v63  }
0x83: {  	_ =	swait.ge [sflag:s13], $0x80  }
0x84: {  	[sflag:s13] =	ssyncset.done $0x0  }
0x85: {  	[sflag:s13] =	ssyncadd.s32 $0xFFFFFF80  }
0x86: {  	_ =	swait.ge [sflag:s13], $0x80  }
0x87: {  	[sflag:s13] =	ssyncset.done $0x0  }
0x88: {  	[sflag:s13] =	ssyncadd.s32 $0xFFFFFF80  }
0x89: {  	_ =	swait.ge [sflag:s13], $0x80  }
0x8a: {  	[sflag:s13] =	ssyncset.done $0x0  }
0x8b: {  	[sflag:s13] =	ssyncadd.s32 $0xFFFFFF80  }
0x8c: {  	_ =	swait.ge [sflag:s13], $0x80  }
0x8d: {  	[sflag:s13] =	ssyncset.done $0x0  }
0x8e: {  	[sflag:s13] =	ssyncadd.s32 $0xFFFFFF80  }
0x8f: {  	[hbm4b:s5+s2] =	stream.linear.scatter [tilespmem:s6], [sflag:$0x2], $0x200, $0x38;
	[tilespmem:$0x420] =	vst v63  }
0x90: {  	_ =	swait.ge [sflag:s3], $0x200  }
0x91: {  	[sflag:s3] =	ssyncset.done $0x0  }
0x92: {  	[sflag:s3] =	ssyncadd.s32 $0xFFFFFE00  }
0x93: {  	_ =	sfence.sel $0x180000  }
0x94: {  	[bflag:$0x0] =	sbarrier.arrive $0xFFFF  }
0x95: {  	p0 =	sne.s32 s0, $0x0;
	_ =	strace $0x90000047  }
0x96: {  	s0 =	sadd.s32 @!p0 $0x100000, s1;
	[bflag:$0x2] =	sbarrier.arrive $0xFFFF  }
0x97: {  	[sflag:s0] =	ssyncadd.tile.s32 @!p0 $0x1;
	_ =	shalt  }
.Lfunc_end2:
_tile_overlayer_lowered:
.L_overlay_start_2:
0x98: {  	(tag) =	ssettag $0x2  }
0x99: {  	s0 =	rddreg [dreg:$0x0];
	s2 =	stileid.u32  }
0x9a: {  	s1 =	rddreg [dreg:$0x1];
	p0 =	sne.s32 s2, $0x0  }
0x9b: {  	s3 =	rddreg [dreg:$0x2];
	[bflag:$0x3] =	sbarrier.arrive $0xFFFF;
	s2 =	simm.s32 @!p0 $0x1C02  }
0x9c: {  	[timem:s3], [sflag:s2] =	dma.local @!p0 [hbm:s0], s1  }
0x9d: {  	s0 =	simm.s32 @!p0 $0x2  }
0x9e: {  	_ =	swait.ge @!p0 [sflag:s0], s1  }
0x9f: {  	s1 =	ssub.s32 @!p0 $0x0, s1;
	[sflag:s0] =	ssyncset.done @!p0 $0x0  }
0xa0: {  	[sflag:s0] =	ssyncadd.s32 @!p0 s1  }
0xa1: {  	[bflag:$0x3] =	sbarrier.arrive $0xFFFF  }
0xa2: {  	_ =	shalt  }

</sc_bundles>
